<compile_context>
chip_gen: v7x
topology: tpu7x:2x2x1
jax: 0.10.2.dev20260603
libtpu: 0.0.44.dev20260713+nightly
codegen_flags: <defaults>
</compile_context>

<pallas_src>
import functools

import jax
import jax.numpy as jnp
from jax import lax
from jax.experimental import pallas as pl
from jax.experimental.pallas import tpu as pltpu
from jax.experimental.pallas import tpu_sc as plsc

_NC = 2
_NS = 16
_L = 16
_NW = _NC * _NS


def _sc_mesh():
    return plsc.VectorSubcoreMesh(
        core_axis_name="c", subcore_axis_name="s",
        num_cores=_NC, num_subcores=_NS)


def _chunk_size(per_tile):
    for c in range(128, 0, -16):
        if per_tile % c == 0:
            return c
    raise ValueError(f"per-tile edge count {per_tile} not divisible by 16")


def _pad_nodes(n):
    blk = _NS * 8
    return ((n + blk - 1) // blk) * blk



def _sc_degree(row, n, d):
    e = row.shape[0]
    per = e // _NW
    cs = _chunk_size(per)
    nch = per // cs
    np_ = _pad_nodes(n)
    rpt = np_ // _NS
    zr = 8
    kg = d // _L

    @functools.partial(
        pl.kernel,
        out_type=jax.ShapeDtypeStruct((_NC * np_, d), jnp.float32),
        mesh=_sc_mesh(),
        scratch_types=[
            pltpu.VMEM((cs,), jnp.int32),
            pltpu.VMEM((cs, d), jnp.float32),
            pltpu.VMEM((zr, d), jnp.float32),
            pltpu.VMEM_SHARED((np_, d), jnp.float32),
        ],
    )
    def deg_kernel(row_hbm, out_hbm, rowv, onesv, zv, deg_sh):
        c = lax.axis_index("c")
        s = lax.axis_index("s")
        wid = c * _NS + s

        def fill(i, _):
            for k in range(kg):
                onesv[i, pl.ds(k * _L, _L)] = jnp.full((_L,), 1.0,
                                                       jnp.float32)
            return 0
        lax.fori_loop(0, cs, fill, 0)

        def fillz(i, _):
            for k in range(kg):
                zv[i, pl.ds(k * _L, _L)] = jnp.zeros((_L,), jnp.float32)
            return 0
        lax.fori_loop(0, zr, fillz, 0)

        def zloop(t, _):
            pltpu.sync_copy(zv, deg_sh.at[pl.ds(s * rpt + t * zr, zr)])
            return 0
        lax.fori_loop(0, rpt // zr, zloop, 0)
        plsc.subcore_barrier()

        def chunk(j, _):
            base = wid * per + j * cs
            pltpu.sync_copy(row_hbm.at[pl.ds(base, cs)], rowv)
            pltpu.sync_copy(onesv, deg_sh.at[rowv], add=True)
            return 0
        lax.fori_loop(0, nch, chunk, 0)
        plsc.subcore_barrier()
        pltpu.sync_copy(deg_sh.at[pl.ds(s * rpt, rpt)],
                        out_hbm.at[pl.ds(c * np_ + s * rpt, rpt)])

    return deg_kernel(row).reshape(_NC, np_, d)


def _sc_message(row, col, ee, h, dis):
    e = row.shape[0]
    n, d = h.shape
    kg = d // _L
    per = e // _NW
    cs = _chunk_size(per)
    nch = per // cs
    np_ = _pad_nodes(n)
    rpt = np_ // _NS
    zr = 8
    use_norm = dis is not None

    scratch = [
        pltpu.VMEM((cs,), jnp.int32),
        pltpu.VMEM((cs,), jnp.int32),
        pltpu.VMEM((cs, d), jnp.float32),
        pltpu.VMEM((cs, d), jnp.float32),
        pltpu.VMEM((zr, d), jnp.float32),
        pltpu.SemaphoreType.DMA,
        pltpu.VMEM_SHARED((np_, d), jnp.float32),
    ]
    if use_norm:
        scratch += [
            pltpu.VMEM((cs, d), jnp.float32),
        ]

    def body(*refs):
        if use_norm:
            (row_hbm, col_hbm, ee_hbm, h_hbm, dis_hbm, out_hbm,
             rowv, colv, hrows, eev, zv, sem, agg_sh, drv) = refs
        else:
            (row_hbm, col_hbm, ee_hbm, h_hbm, out_hbm,
             rowv, colv, hrows, eev, zv, sem, agg_sh) = refs
        c = lax.axis_index("c")
        s = lax.axis_index("s")
        wid = c * _NS + s

        def fillz(i, _):
            for k in range(kg):
                zv[i, pl.ds(k * _L, _L)] = jnp.zeros((_L,), jnp.float32)
            return 0
        lax.fori_loop(0, zr, fillz, 0)

        def zloop(t, _):
            pltpu.sync_copy(zv, agg_sh.at[pl.ds(s * rpt + t * zr, zr)])
            return 0
        lax.fori_loop(0, rpt // zr, zloop, 0)
        plsc.subcore_barrier()

        def chunk(j, _):
            base = wid * per + j * cs
            pltpu.sync_copy(row_hbm.at[pl.ds(base, cs)], rowv)
            pltpu.sync_copy(col_hbm.at[pl.ds(base, cs)], colv)
            gat = pltpu.async_copy(h_hbm.at[rowv], hrows, sem)
            if use_norm:
                gr = pltpu.async_copy(dis_hbm.at[rowv], drv, sem)
            pltpu.sync_copy(ee_hbm.at[pl.ds(base, cs)], eev)
            gat.wait()
            if use_norm:
                gr.wait()

            def edge(i, _):
                for k in range(kg):
                    v = (hrows[i, pl.ds(k * _L, _L)] +
                         eev[i, pl.ds(k * _L, _L)])
                    v = jnp.maximum(v, 0.0)
                    if use_norm:
                        v = v * drv[i, pl.ds(k * _L, _L)]
                    hrows[i, pl.ds(k * _L, _L)] = v
                return 0
            lax.fori_loop(0, cs, edge, 0)
            pltpu.sync_copy(hrows, agg_sh.at[colv], add=True)
            return 0
        lax.fori_loop(0, nch, chunk, 0)
        plsc.subcore_barrier()
        pltpu.sync_copy(agg_sh.at[pl.ds(s * rpt, rpt)],
                        out_hbm.at[pl.ds(c * np_ + s * rpt, rpt)])

    kern = functools.partial(
        pl.kernel,
        out_type=jax.ShapeDtypeStruct((_NC * np_, d), jnp.float32),
        mesh=_sc_mesh(),
        scratch_types=scratch,
    )(body)
    if use_norm:
        out = kern(row, col, ee, h, dis)
    else:
        out = kern(row, col, ee, h)
    return out.reshape(_NC, np_, d)



def _tc_edge_mlp(ea, w1, b1, w2, b2):
    e, de = ea.shape
    d = w1.shape[-1]
    be = 2000
    assert e % be == 0

    def body(ea_ref, w1_ref, b1_ref, w2_ref, b2_ref, o_ref):
        t = jnp.dot(ea_ref[...], w1_ref[...],
                    preferred_element_type=jnp.float32)
        t = jnp.maximum(t + b1_ref[...], 0.0)
        o_ref[...] = jnp.dot(t, w2_ref[...],
                             preferred_element_type=jnp.float32) + b2_ref[...]

    const = lambda i: (0, 0)
    return pl.pallas_call(
        body,
        grid=(e // be,),
        in_specs=[
            pl.BlockSpec((be, de), lambda i: (i, 0)),
            pl.BlockSpec((de, d), const),
            pl.BlockSpec((1, d), const),
            pl.BlockSpec((d, d), const),
            pl.BlockSpec((1, d), const),
        ],
        out_specs=pl.BlockSpec((be, d), lambda i: (i, 0)),
        out_shape=jax.ShapeDtypeStruct((e, d), jnp.float32),
    )(ea, w1, b1, w2, b2)


def _tc_linear(x, w, b):
    n, dn = x.shape
    d = w.shape[-1]
    bn = 2000
    assert n % bn == 0

    def body(x_ref, w_ref, b_ref, o_ref):
        o_ref[...] = jnp.dot(x_ref[...], w_ref[...],
                             preferred_element_type=jnp.float32) + b_ref[...]

    return pl.pallas_call(
        body,
        grid=(n // bn,),
        in_specs=[
            pl.BlockSpec((bn, dn), lambda i: (i, 0)),
            pl.BlockSpec((dn, d), lambda i: (0, 0)),
            pl.BlockSpec((1, d), lambda i: (0, 0)),
        ],
        out_specs=pl.BlockSpec((bn, d), lambda i: (i, 0)),
        out_shape=jax.ShapeDtypeStruct((n, d), jnp.float32),
    )(x, w, b)


def _tc_deg_combine(degp, n, d_feat):
    nc, np_, l = degp.shape

    def body(dp, deg_ref, dis_ref, disw_ref):
        d = jnp.zeros((np_, 1), jnp.float32)
        for c in range(nc):
            d = d + jnp.sum(dp[c], axis=1, keepdims=True)
        d = d[:n] * (1.0 / l) + 1.0
        deg_ref[...] = d
        r = lax.rsqrt(d)
        dis_ref[...] = r
        disw_ref[...] = jnp.broadcast_to(r, (n, d_feat))

    return pl.pallas_call(
        body,
        out_shape=[jax.ShapeDtypeStruct((n, 1), jnp.float32),
                   jax.ShapeDtypeStruct((n, 1), jnp.float32),
                   jax.ShapeDtypeStruct((n, d_feat), jnp.float32)],
    )(degp)


def _bn_relu(r, g_ref, b_ref):
    mu = jnp.mean(r, axis=0, keepdims=True)
    var = jnp.mean((r - mu) ** 2, axis=0, keepdims=True)
    return (r - mu) * lax.rsqrt(var + 1e-5) * g_ref[...] + b_ref[...]


def _tc_gcn_node(aggp, h0, deg, dis, root, g, b):
    n, d = h0.shape

    def body(aggp_ref, h0_ref, deg_ref, dis_ref, root_ref, g_ref, b_ref,
             o_ref):
        agg = (aggp_ref[0] + aggp_ref[1])[:n] * dis_ref[...]
        t = agg + jnp.maximum(h0_ref[...] + root_ref[...], 0.0) / deg_ref[...]
        r = jnp.maximum(t, 0.0)
        o_ref[...] = _bn_relu(r, g_ref, b_ref)

    return pl.pallas_call(
        body,
        out_shape=jax.ShapeDtypeStruct((n, d), jnp.float32),
    )(aggp, h0, deg, dis, root, g, b)


def _tc_gin_node(aggp, h, eps, w1, b1, w2, b2, g, b):
    n, d = h.shape

    def body(aggp_ref, h_ref, eps_ref, w1_ref, b1_ref, w2_ref, b2_ref,
             g_ref, b2g_ref, o_ref):
        z = (1.0 + eps_ref[0, 0]) * h_ref[...] + (aggp_ref[0] + aggp_ref[1])[:n]
        t = jnp.maximum(
            jnp.dot(z, w1_ref[...], preferred_element_type=jnp.float32)
            + b1_ref[...], 0.0)
        z = jnp.dot(t, w2_ref[...],
                    preferred_element_type=jnp.float32) + b2_ref[...]
        r = jnp.maximum(z, 0.0)
        o_ref[...] = _bn_relu(r, g_ref, b2g_ref)

    return pl.pallas_call(
        body,
        out_shape=jax.ShapeDtypeStruct((n, d), jnp.float32),
    )(aggp, h, eps, w1, b1, w2, b2, g, b)


def _tc_pool_head(h1, h2, h3, batch2d, ng, w1a, w1b, w1c, fb1, w4, b4):
    n, d = h1.shape
    out = w4.shape[-1]

    def body(h1_ref, h2_ref, h3_ref, bt_ref, w1a_ref, w1b_ref, w1c_ref,
             fb1_ref, w4_ref, b4_ref, o_ref):
        gid = lax.broadcasted_iota(jnp.int32, (n, ng), 1)
        bb = jnp.broadcast_to(bt_ref[...], (n, ng))
        p = (bb == gid).astype(jnp.float32)
        dims = (((0,), (0,)), ((), ()))
        cnt = lax.dot_general(p, jnp.ones((n, 1), jnp.float32), dims,
                              preferred_element_type=jnp.float32)
        inv = 1.0 / jnp.maximum(cnt, 1.0)
        acc = fb1_ref[...]
        for h_ref, w_ref in ((h1_ref, w1a_ref), (h2_ref, w1b_ref),
                             (h3_ref, w1c_ref)):
            pooled = lax.dot_general(p, h_ref[...], dims,
                                     preferred_element_type=jnp.float32)
            acc = acc + jnp.dot(pooled * inv, w_ref[...],
                                preferred_element_type=jnp.float32)
        o_ref[...] = jnp.dot(jnp.maximum(acc, 0.0), w4_ref[...],
                             preferred_element_type=jnp.float32) + b4_ref[...]

    return pl.pallas_call(
        body,
        out_shape=jax.ShapeDtypeStruct((ng, out), jnp.float32),
    )(h1, h2, h3, batch2d, w1a, w1b, w1c, fb1, w4, b4)



def kernel(x, edge_index, edge_attr, batch, params):
    p = params
    n, _ = x.shape
    h = p["gcn_lin_w"].shape[-1]
    row = edge_index[0]
    col = edge_index[1]

    r1 = lambda a: a.reshape(1, -1)
    ee0 = _tc_edge_mlp(edge_attr, p["gcn_be1_w"], r1(p["gcn_be1_b"]),
                       p["gcn_be2_w"], r1(p["gcn_be2_b"]))
    ee1 = _tc_edge_mlp(edge_attr, p["gin1_be1_w"], r1(p["gin1_be1_b"]),
                       p["gin1_be2_w"], r1(p["gin1_be2_b"]))
    ee2 = _tc_edge_mlp(edge_attr, p["gin2_be1_w"], r1(p["gin2_be1_b"]),
                       p["gin2_be2_w"], r1(p["gin2_be2_b"]))
    h0 = _tc_linear(x, p["gcn_lin_w"], r1(p["gcn_lin_b"]))

    degp = _sc_degree(row, n, h)
    deg, dis, disw = _tc_deg_combine(degp, n, h)

    aggp = _sc_message(row, col, ee0, h0, disw)
    h1 = _tc_gcn_node(aggp, h0, deg, dis, p["gcn_root"],
                      r1(p["bn0_g"]), r1(p["bn0_b"]))

    aggp = _sc_message(row, col, ee1, h1, None)
    h2 = _tc_gin_node(aggp, h1, p["gin1_eps"].reshape(1, 1),
                      p["gin1_mlp1_w"], r1(p["gin1_mlp1_b"]),
                      p["gin1_mlp2_w"], r1(p["gin1_mlp2_b"]),
                      r1(p["bn1_g"]), r1(p["bn1_b"]))

    aggp = _sc_message(row, col, ee2, h2, None)
    h3 = _tc_gin_node(aggp, h2, p["gin2_eps"].reshape(1, 1),
                      p["gin2_mlp1_w"], r1(p["gin2_mlp1_b"]),
                      p["gin2_mlp2_w"], r1(p["gin2_mlp2_b"]),
                      r1(p["bn2_g"]), r1(p["bn2_b"]))

    fw = p["fc1_w"]
    ng = 64
    out = _tc_pool_head(
        h1, h2, h3, batch.reshape(n, 1), ng,
        fw[:h], fw[h:2 * h], fw[2 * h:], r1(p["fc1_b"]),
        p["fc4_w"], r1(p["fc4_b"]))
    return out

# --- scband reference (transcript-rebuilt; emitter-appended) ---
"""Pipeline reference for scband-net-gcn-68006512165296 (READ-ONLY COPY).

The authoritative reference and input builder live on the scoring server;
editing this copy changes nothing except your own understanding.
"""

import jax, jax.numpy as jnp
import numpy as np

N = 10000
E = 320000
D_NODE = 128
D_EDGE = 16
H = 128
OUT = 128
G = 64


def setup_inputs(seed: int = 0):
    key = jax.random.key(seed)
    ks = jax.random.split(key, 32)

    def nrm(k, shape):
        return jax.random.normal(k, shape, dtype=jnp.float32) * 0.05

    params = {
        "gcn_lin_w": nrm(ks[2], (D_NODE, H)),
        "gcn_lin_b": jnp.zeros((H,), jnp.float32),
        "gcn_root": nrm(ks[3], (1, H)),
        "gcn_be1_w": nrm(ks[4], (D_EDGE, H)),
        "gcn_be1_b": jnp.zeros((H,), jnp.float32),
        "gcn_be2_w": nrm(ks[5], (H, H)),
        "gcn_be2_b": jnp.zeros((H,), jnp.float32),
        "bn0_g": jnp.ones((H,), jnp.float32),
        "bn0_b": jnp.zeros((H,), jnp.float32),
    }
    ki = 6
    for i in (1, 2):
        pre = "gin%d_" % i
        params[pre + "be1_w"] = nrm(ks[ki], (D_EDGE, H)); ki += 1
        params[pre + "be1_b"] = jnp.zeros((H,), jnp.float32)
        params[pre + "be2_w"] = nrm(ks[ki], (H, H)); ki += 1
        params[pre + "be2_b"] = jnp.zeros((H,), jnp.float32)
        params[pre + "mlp1_w"] = nrm(ks[ki], (H, H)); ki += 1
        params[pre + "mlp1_b"] = jnp.zeros((H,), jnp.float32)
        params[pre + "mlp2_w"] = nrm(ks[ki], (H, H)); ki += 1
        params[pre + "mlp2_b"] = jnp.zeros((H,), jnp.float32)
        params[pre + "eps"] = jnp.zeros((), jnp.float32)
        params["bn%d_g" % i] = jnp.ones((H,), jnp.float32)
        params["bn%d_b" % i] = jnp.zeros((H,), jnp.float32)
    params["fc1_w"] = nrm(ks[ki], (3 * H, H)); ki += 1
    params["fc1_b"] = jnp.zeros((H,), jnp.float32)
    params["fc4_w"] = nrm(ks[ki], (H, OUT)); ki += 1
    params["fc4_b"] = jnp.zeros((OUT,), jnp.float32)
    return {
        "x": jax.random.normal(ks[0], (N, D_NODE), dtype=jnp.float32),
        "edge_index": jax.random.randint(ks[1], (2, E), 0, N, dtype=jnp.int32),
        "edge_attr": jax.random.normal(ks[30], (E, D_EDGE), dtype=jnp.float32),
        "batch": jnp.sort(jax.random.randint(ks[31], (N,), 0, G, dtype=jnp.int32)),
        "params": params,
    }


def _bn(x, g, b):
    mu = jnp.mean(x, axis=0, keepdims=True)
    var = jnp.var(x, axis=0, keepdims=True)
    return (x - mu) / jnp.sqrt(var + 1e-5) * g + b


def _forward(x, edge_attr, params, edge_index, batch):
    p = params
    row = edge_index[0]
    col = edge_index[1]
    n = x.shape[0]
    # GCNConv
    h = x @ p["gcn_lin_w"] + p["gcn_lin_b"]
    ee = jax.nn.relu(edge_attr @ p["gcn_be1_w"] + p["gcn_be1_b"]) @ p["gcn_be2_w"] + p["gcn_be2_b"]
    deg = jax.ops.segment_sum(jnp.ones((row.shape[0],), x.dtype), row, num_segments=n) + 1.0
    dis = deg ** -0.5
    dis = jnp.where(jnp.isinf(dis), 0.0, dis)
    norm = dis[row] * dis[col]
    msg = norm[:, None] * jax.nn.relu(h[row] + ee)
    agg = jax.ops.segment_sum(msg, col, num_segments=n)
    h = agg + jax.nn.relu(h + p["gcn_root"]) / deg[:, None]
    h = _bn(jax.nn.relu(h), p["bn0_g"], p["bn0_b"])
    xs = [h]
    # GINConv layers
    for i in (1, 2):
        pre = "gin%d_" % i
        ee = jax.nn.relu(edge_attr @ p[pre + "be1_w"] + p[pre + "be1_b"]) @ p[pre + "be2_w"] + p[pre + "be2_b"]
        msg = jax.nn.relu(h[row] + ee)
        agg = jax.ops.segment_sum(msg, col, num_segments=n)
        z = (1.0 + p[pre + "eps"]) * h + agg
        z = jax.nn.relu(z @ p[pre + "mlp1_w"] + p[pre + "mlp1_b"]) @ p[pre + "mlp2_w"] + p[pre + "mlp2_b"]
        h = _bn(jax.nn.relu(z), p["bn%d_g" % i], p["bn%d_b" % i])
        xs.append(h)
    hc = jnp.concatenate(xs, axis=-1)
    # global_mean_pool over graph assignment 'batch'
    cnt = jax.ops.segment_sum(jnp.ones((n,), hc.dtype), batch, num_segments=G)
    pooled = jax.ops.segment_sum(hc, batch, num_segments=G) / jnp.maximum(cnt, 1.0)[:, None]
    o = jax.nn.relu(pooled @ p["fc1_w"] + p["fc1_b"])
    # dropout in eval mode -> identity
    return o @ p["fc4_w"] + p["fc4_b"]


def reference(x, edge_index, edge_attr, batch, params):
    return _forward(x, edge_attr, params, edge_index, batch)

if __name__ == "__main__":
    import jax
    _d = setup_inputs()
    print(jax.jit(kernel)(*tuple(_d.values())))

</pallas_src>

<mosaic_0001>
#map = affine_map<(d0, d1) -> (0)>
#map1 = affine_map<(d0, d1) -> (0, 0)>
module attributes {stable_mosaic.version = 14 : i64} {
  func.func @body(%arg0: i32, %arg1: i32, %arg2: memref<320000xi32, #tpu.memory_space<hbm>>, %arg3: memref<320000xi32, #tpu.memory_space<hbm>>, %arg4: memref<320000x128xf32, #tpu.memory_space<hbm>>, %arg5: memref<10000x128xf32, #tpu.memory_space<hbm>>, %arg6: memref<20224x128xf32, #tpu.memory_space<hbm>>, %arg7: memref<80xi32, #tpu.memory_space<vmem>>, %arg8: memref<80xi32, #tpu.memory_space<vmem>>, %arg9: memref<80x128xf32, #tpu.memory_space<vmem>>, %arg10: memref<80x128xf32, #tpu.memory_space<vmem>>, %arg11: memref<8x128xf32, #tpu.memory_space<vmem>>, %arg12: memref<!tpu.dma_semaphore, #tpu.memory_space<semaphore_mem>>, %arg13: memref<10112x128xf32, #tpu.memory_space<vmem_shared>>) attributes {dimension_semantics = [#tpu.dimension_semantics<core_parallel>, #tpu.dimension_semantics<subcore_parallel>], iteration_bounds = array<i64: 2, 16>, scalar_prefetch = 0 : i64, scratch_operands = 7 : i64, tpu.core_type = #tpu.core_type<sc_vector_subcore>, window_params = [{transform_indices = #map}, {transform_indices = #map}, {transform_indices = #map1}, {transform_indices = #map1}, {transform_indices = #map1}]} {
    %mul3A = arith.constant 16 : i32
    %mul3A_0 = arith.muli %arg0, %mul3A : i32
    %add3A = arith.addi %mul3A_0, %arg1 : i32
    %scan3A = arith.constant 0 : i32
    %scan3A_1 = arith.constant 0 : i32
    %scan3A_2 = arith.constant 8 : i32
    %scan3A_3 = arith.addi %scan3A_1, %scan3A_2 : i32
    %scan3A_4 = arith.constant 1 : i32
    %scan3A_5 = scf.for %scan3A_29 = %scan3A_1 to %scan3A_3 step %scan3A_4 iter_args(%scan3A_30 = %scan3A) -> (i32)  : i32 {
      %broadcast_in_dim3A = arith.constant 0.000000e+00 : f32
      %broadcast_in_dim3A_31 = vector.broadcast %broadcast_in_dim3A : f32 to vector<16xf32>
      %swap3A = arith.index_cast %scan3A_29 : i32 to index
      %swap3A_32 = arith.constant 0 : index
      %swap3A_33 = tpu.vector_load %arg11[%swap3A, %swap3A_32] {strides = array<i32>} : memref<8x128xf32, #tpu.memory_space<vmem>>, vector<1x16xf32>,
      %swap3A_34 = vector.shape_cast %swap3A_33 : vector<1x16xf32> to vector<16xf32>
      %swap3A_35 = vector.shape_cast %broadcast_in_dim3A_31 : vector<16xf32> to vector<1x16xf32>
      tpu.vector_store %arg11[%swap3A, %swap3A_32], %swap3A_35 {strides = array<i32>} : memref<8x128xf32, #tpu.memory_space<vmem>>, vector<1x16xf32>,
      %broadcast_in_dim3A_36 = arith.constant 0.000000e+00 : f32
      %broadcast_in_dim3A_37 = vector.broadcast %broadcast_in_dim3A_36 : f32 to vector<16xf32>
      %swap3A_38 = arith.index_cast %scan3A_29 : i32 to index
      %swap3A_39 = arith.constant 16 : index
      %swap3A_40 = tpu.vector_load %arg11[%swap3A_38, %swap3A_39] {strides = array<i32>} : memref<8x128xf32, #tpu.memory_space<vmem>>, vector<1x16xf32>,
      %swap3A_41 = vector.shape_cast %swap3A_40 : vector<1x16xf32> to vector<16xf32>
      %swap3A_42 = vector.shape_cast %broadcast_in_dim3A_37 : vector<16xf32> to vector<1x16xf32>
      tpu.vector_store %arg11[%swap3A_38, %swap3A_39], %swap3A_42 {strides = array<i32>} : memref<8x128xf32, #tpu.memory_space<vmem>>, vector<1x16xf32>,
      %broadcast_in_dim3A_43 = arith.constant 0.000000e+00 : f32
      %broadcast_in_dim3A_44 = vector.broadcast %broadcast_in_dim3A_43 : f32 to vector<16xf32>
      %swap3A_45 = arith.index_cast %scan3A_29 : i32 to index
      %swap3A_46 = arith.constant 32 : index
      %swap3A_47 = tpu.vector_load %arg11[%swap3A_45, %swap3A_46] {strides = array<i32>} : memref<8x128xf32, #tpu.memory_space<vmem>>, vector<1x16xf32>,
      %swap3A_48 = vector.shape_cast %swap3A_47 : vector<1x16xf32> to vector<16xf32>
      %swap3A_49 = vector.shape_cast %broadcast_in_dim3A_44 : vector<16xf32> to vector<1x16xf32>
      tpu.vector_store %arg11[%swap3A_45, %swap3A_46], %swap3A_49 {strides = array<i32>} : memref<8x128xf32, #tpu.memory_space<vmem>>, vector<1x16xf32>,
      %broadcast_in_dim3A_50 = arith.constant 0.000000e+00 : f32
      %broadcast_in_dim3A_51 = vector.broadcast %broadcast_in_dim3A_50 : f32 to vector<16xf32>
      %swap3A_52 = arith.index_cast %scan3A_29 : i32 to index
      %swap3A_53 = arith.constant 48 : index
      %swap3A_54 = tpu.vector_load %arg11[%swap3A_52, %swap3A_53] {strides = array<i32>} : memref<8x128xf32, #tpu.memory_space<vmem>>, vector<1x16xf32>,
      %swap3A_55 = vector.shape_cast %swap3A_54 : vector<1x16xf32> to vector<16xf32>
      %swap3A_56 = vector.shape_cast %broadcast_in_dim3A_51 : vector<16xf32> to vector<1x16xf32>
      tpu.vector_store %arg11[%swap3A_52, %swap3A_53], %swap3A_56 {strides = array<i32>} : memref<8x128xf32, #tpu.memory_space<vmem>>, vector<1x16xf32>,
      %broadcast_in_dim3A_57 = arith.constant 0.000000e+00 : f32
      %broadcast_in_dim3A_58 = vector.broadcast %broadcast_in_dim3A_57 : f32 to vector<16xf32>
      %swap3A_59 = arith.index_cast %scan3A_29 : i32 to index
      %swap3A_60 = arith.constant 64 : index
      %swap3A_61 = tpu.vector_load %arg11[%swap3A_59, %swap3A_60] {strides = array<i32>} : memref<8x128xf32, #tpu.memory_space<vmem>>, vector<1x16xf32>,
      %swap3A_62 = vector.shape_cast %swap3A_61 : vector<1x16xf32> to vector<16xf32>
      %swap3A_63 = vector.shape_cast %broadcast_in_dim3A_58 : vector<16xf32> to vector<1x16xf32>
      tpu.vector_store %arg11[%swap3A_59, %swap3A_60], %swap3A_63 {strides = array<i32>} : memref<8x128xf32, #tpu.memory_space<vmem>>, vector<1x16xf32>,
      %broadcast_in_dim3A_64 = arith.constant 0.000000e+00 : f32
      %broadcast_in_dim3A_65 = vector.broadcast %broadcast_in_dim3A_64 : f32 to vector<16xf32>
      %swap3A_66 = arith.index_cast %scan3A_29 : i32 to index
      %swap3A_67 = arith.constant 80 : index
      %swap3A_68 = tpu.vector_load %arg11[%swap3A_66, %swap3A_67] {strides = array<i32>} : memref<8x128xf32, #tpu.memory_space<vmem>>, vector<1x16xf32>,
      %swap3A_69 = vector.shape_cast %swap3A_68 : vector<1x16xf32> to vector<16xf32>
      %swap3A_70 = vector.shape_cast %broadcast_in_dim3A_65 : vector<16xf32> to vector<1x16xf32>
      tpu.vector_store %arg11[%swap3A_66, %swap3A_67], %swap3A_70 {strides = array<i32>} : memref<8x128xf32, #tpu.memory_space<vmem>>, vector<1x16xf32>,
      %broadcast_in_dim3A_71 = arith.constant 0.000000e+00 : f32
      %broadcast_in_dim3A_72 = vector.broadcast %broadcast_in_dim3A_71 : f32 to vector<16xf32>
      %swap3A_73 = arith.index_cast %scan3A_29 : i32 to index
      %swap3A_74 = arith.constant 96 : index
      %swap3A_75 = tpu.vector_load %arg11[%swap3A_73, %swap3A_74] {strides = array<i32>} : memref<8x128xf32, #tpu.memory_space<vmem>>, vector<1x16xf32>,
      %swap3A_76 = vector.shape_cast %swap3A_75 : vector<1x16xf32> to vector<16xf32>
      %swap3A_77 = vector.shape_cast %broadcast_in_dim3A_72 : vector<16xf32> to vector<1x16xf32>
      tpu.vector_store %arg11[%swap3A_73, %swap3A_74], %swap3A_77 {strides = array<i32>} : memref<8x128xf32, #tpu.memory_space<vmem>>, vector<1x16xf32>,
      %broadcast_in_dim3A_78 = arith.constant 0.000000e+00 : f32
      %broadcast_in_dim3A_79 = vector.broadcast %broadcast_in_dim3A_78 : f32 to vector<16xf32>
      %swap3A_80 = arith.index_cast %scan3A_29 : i32 to index
      %swap3A_81 = arith.constant 112 : index
      %swap3A_82 = tpu.vector_load %arg11[%swap3A_80, %swap3A_81] {strides = array<i32>} : memref<8x128xf32, #tpu.memory_space<vmem>>, vector<1x16xf32>,
      %swap3A_83 = vector.shape_cast %swap3A_82 : vector<1x16xf32> to vector<16xf32>
      %swap3A_84 = vector.shape_cast %broadcast_in_dim3A_79 : vector<16xf32> to vector<1x16xf32>
      tpu.vector_store %arg11[%swap3A_80, %swap3A_81], %swap3A_84 {strides = array<i32>} : memref<8x128xf32, #tpu.memory_space<vmem>>, vector<1x16xf32>,
      %scan3A_85 = arith.constant 0 : i32
      scf.yield %scan3A_85 : i32
    }
    %scan3A_6 = arith.constant 8 : i32
    %scan3A_7 = arith.constant 0 : i32
    %scan3A_8 = arith.constant 0 : i32
    %scan3A_9 = arith.constant 79 : i32
    %scan3A_10 = arith.addi %scan3A_8, %scan3A_9 : i32
    %scan3A_11 = arith.constant 1 : i32
    %scan3A_12 = scf.for %scan3A_29 = %scan3A_8 to %scan3A_10 step %scan3A_11 iter_args(%scan3A_30 = %scan3A_7) -> (i32)  : i32 {
      %mul3A_31 = arith.constant 632 : i32
      %mul3A_32 = arith.muli %arg1, %mul3A_31 : i32
      %mul3A_33 = arith.constant 8 : i32
      %mul3A_34 = arith.muli %scan3A_29, %mul3A_33 : i32
      %add3A_35 = arith.addi %mul3A_32, %mul3A_34 : i32
      "tpu.region"() ({
        %run_scoped3A = tpu.sem_alloc : memref<!tpu.dma_semaphore, #tpu.memory_space<semaphore_mem>>
        %dma_start3A = arith.constant 0 : i32
        %dma_start3A_37 = tpu.memref_slice %arg13[%add3A_35, %dma_start3A] : memref<10112x128xf32, #tpu.memory_space<vmem_shared>> -> memref<8x128xf32, #tpu.memory_space<vmem_shared>>
        %dma_start3A_38 = arith.constant 0 : i32
        %dma_start3A_39 = tpu.memref_slice %arg13[%add3A_35, %dma_start3A_38] : memref<10112x128xf32, #tpu.memory_space<vmem_shared>> -> memref<8x128xf32, #tpu.memory_space<vmem_shared>>
        tpu.enqueue_dma source(%arg11 : memref<8x128xf32, #tpu.memory_space<vmem>>) target(%dma_start3A_39 : memref<8x128xf32, #tpu.memory_space<vmem_shared>>) target_semaphore(%run_scoped3A : memref<!tpu.dma_semaphore, #tpu.memory_space<semaphore_mem>>)
        %dma_wait3A = arith.constant 0 : i32
        %dma_wait3A_40 = tpu.memref_slice %arg13[%add3A_35, %dma_wait3A] : memref<10112x128xf32, #tpu.memory_space<vmem_shared>> -> memref<8x128xf32, #tpu.memory_space<vmem_shared>>
        %dma_wait3A_41 = arith.constant 0 : i32
        %dma_wait3A_42 = tpu.memref_slice %arg13[%add3A_35, %dma_wait3A_41] : memref<10112x128xf32, #tpu.memory_space<vmem_shared>> -> memref<8x128xf32, #tpu.memory_space<vmem_shared>>
        tpu.wait_dma2 semaphore(%run_scoped3A : memref<!tpu.dma_semaphore, #tpu.memory_space<semaphore_mem>>) src(%arg11 : memref<8x128xf32, #tpu.memory_space<vmem>>) dst(%dma_wait3A_42 : memref<8x128xf32, #tpu.memory_space<vmem_shared>>)
        tpu.yield
      }) : () -> ()
      %scan3A_36 = arith.constant 0 : i32
      scf.yield %scan3A_36 : i32
    }
    %scan3A_13 = arith.constant 79 : i32
    %barrier3A = arith.constant 0 : index
    tpu.barrier barrier_id(%barrier3A)
    %scan3A_14 = arith.constant 0 : i32
    %scan3A_15 = arith.constant 0 : i32
    %scan3A_16 = arith.constant 125 : i32
    %scan3A_17 = arith.addi %scan3A_15, %scan3A_16 : i32
    %scan3A_18 = arith.constant 1 : i32
    %scan3A_19 = scf.for %scan3A_29 = %scan3A_15 to %scan3A_17 step %scan3A_18 iter_args(%scan3A_30 = %scan3A_14) -> (i32)  : i32 {
      %mul3A_31 = arith.constant 10000 : i32
      %mul3A_32 = arith.muli %add3A, %mul3A_31 : i32
      %mul3A_33 = arith.constant 80 : i32
      %mul3A_34 = arith.muli %scan3A_29, %mul3A_33 : i32
      %add3A_35 = arith.addi %mul3A_32, %mul3A_34 : i32
      "tpu.region"() ({
        %run_scoped3A = tpu.sem_alloc : memref<!tpu.dma_semaphore, #tpu.memory_space<semaphore_mem>>
        %dma_start3A_48 = tpu.memref_slice %arg2[%add3A_35] : memref<320000xi32, #tpu.memory_space<hbm>> -> memref<80xi32, #tpu.memory_space<hbm>>
        %dma_start3A_49 = tpu.memref_slice %arg2[%add3A_35] : memref<320000xi32, #tpu.memory_space<hbm>> -> memref<80xi32, #tpu.memory_space<hbm>>
        tpu.enqueue_dma source(%dma_start3A_49 : memref<80xi32, #tpu.memory_space<hbm>>) target(%arg7 : memref<80xi32, #tpu.memory_space<vmem>>) target_semaphore(%run_scoped3A : memref<!tpu.dma_semaphore, #tpu.memory_space<semaphore_mem>>)
        %dma_wait3A_50 = tpu.memref_slice %arg2[%add3A_35] : memref<320000xi32, #tpu.memory_space<hbm>> -> memref<80xi32, #tpu.memory_space<hbm>>
        %dma_wait3A_51 = tpu.memref_slice %arg2[%add3A_35] : memref<320000xi32, #tpu.memory_space<hbm>> -> memref<80xi32, #tpu.memory_space<hbm>>
        tpu.wait_dma2 semaphore(%run_scoped3A : memref<!tpu.dma_semaphore, #tpu.memory_space<semaphore_mem>>) src(%dma_wait3A_51 : memref<80xi32, #tpu.memory_space<hbm>>) dst(%arg7 : memref<80xi32, #tpu.memory_space<vmem>>)
        tpu.yield
      }) : () -> ()
      "tpu.region"() ({
        %run_scoped3A = tpu.sem_alloc : memref<!tpu.dma_semaphore, #tpu.memory_space<semaphore_mem>>
        %dma_start3A_48 = tpu.memref_slice %arg3[%add3A_35] : memref<320000xi32, #tpu.memory_space<hbm>> -> memref<80xi32, #tpu.memory_space<hbm>>
        %dma_start3A_49 = tpu.memref_slice %arg3[%add3A_35] : memref<320000xi32, #tpu.memory_space<hbm>> -> memref<80xi32, #tpu.memory_space<hbm>>
        tpu.enqueue_dma source(%dma_start3A_49 : memref<80xi32, #tpu.memory_space<hbm>>) target(%arg8 : memref<80xi32, #tpu.memory_space<vmem>>) target_semaphore(%run_scoped3A : memref<!tpu.dma_semaphore, #tpu.memory_space<semaphore_mem>>)
        %dma_wait3A_50 = tpu.memref_slice %arg3[%add3A_35] : memref<320000xi32, #tpu.memory_space<hbm>> -> memref<80xi32, #tpu.memory_space<hbm>>
        %dma_wait3A_51 = tpu.memref_slice %arg3[%add3A_35] : memref<320000xi32, #tpu.memory_space<hbm>> -> memref<80xi32, #tpu.memory_space<hbm>>
        tpu.wait_dma2 semaphore(%run_scoped3A : memref<!tpu.dma_semaphore, #tpu.memory_space<semaphore_mem>>) src(%dma_wait3A_51 : memref<80xi32, #tpu.memory_space<hbm>>) dst(%arg8 : memref<80xi32, #tpu.memory_space<vmem>>)
        tpu.yield
      }) : () -> ()
      %dma_start3A = arith.constant 0 : i32
      %dma_start3A_36 = arith.constant 0 : i32
      %dma_start3A_37 = tpu.memref_slice %arg5[%dma_start3A, %dma_start3A_36] : memref<10000x128xf32, #tpu.memory_space<hbm>> -> memref<10000x128xf32, #tpu.memory_space<hbm>>
      tpu.enqueue_indirect_dma source(%dma_start3A_37 : memref<10000x128xf32, #tpu.memory_space<hbm>>) target(%arg9 : memref<80x128xf32, #tpu.memory_space<vmem>>) offsets(%arg7 : memref<80xi32, #tpu.memory_space<vmem>>) semaphore(%arg12 : memref<!tpu.dma_semaphore, #tpu.memory_space<semaphore_mem>>)
      "tpu.region"() ({
        %run_scoped3A = tpu.sem_alloc : memref<!tpu.dma_semaphore, #tpu.memory_space<semaphore_mem>>
        %dma_start3A_48 = arith.constant 0 : i32
        %dma_start3A_49 = tpu.memref_slice %arg4[%add3A_35, %dma_start3A_48] : memref<320000x128xf32, #tpu.memory_space<hbm>> -> memref<80x128xf32, #tpu.memory_space<hbm>>
        %dma_start3A_50 = arith.constant 0 : i32
        %dma_start3A_51 = tpu.memref_slice %arg4[%add3A_35, %dma_start3A_50] : memref<320000x128xf32, #tpu.memory_space<hbm>> -> memref<80x128xf32, #tpu.memory_space<hbm>>
        tpu.enqueue_dma source(%dma_start3A_51 : memref<80x128xf32, #tpu.memory_space<hbm>>) target(%arg10 : memref<80x128xf32, #tpu.memory_space<vmem>>) target_semaphore(%run_scoped3A : memref<!tpu.dma_semaphore, #tpu.memory_space<semaphore_mem>>)
        %dma_wait3A_52 = arith.constant 0 : i32
        %dma_wait3A_53 = tpu.memref_slice %arg4[%add3A_35, %dma_wait3A_52] : memref<320000x128xf32, #tpu.memory_space<hbm>> -> memref<80x128xf32, #tpu.memory_space<hbm>>
        %dma_wait3A_54 = arith.constant 0 : i32
        %dma_wait3A_55 = tpu.memref_slice %arg4[%add3A_35, %dma_wait3A_54] : memref<320000x128xf32, #tpu.memory_space<hbm>> -> memref<80x128xf32, #tpu.memory_space<hbm>>
        tpu.wait_dma2 semaphore(%run_scoped3A : memref<!tpu.dma_semaphore, #tpu.memory_space<semaphore_mem>>) src(%dma_wait3A_55 : memref<80x128xf32, #tpu.memory_space<hbm>>) dst(%arg10 : memref<80x128xf32, #tpu.memory_space<vmem>>)
        tpu.yield
      }) : () -> ()
      %dma_wait3A = arith.constant 0 : i32
      %dma_wait3A_38 = arith.constant 0 : i32
      %dma_wait3A_39 = tpu.memref_slice %arg5[%dma_wait3A, %dma_wait3A_38] : memref<10000x128xf32, #tpu.memory_space<hbm>> -> memref<10000x128xf32, #tpu.memory_space<hbm>>
      tpu.wait_indirect_dma semaphore(%arg12 : memref<!tpu.dma_semaphore, #tpu.memory_space<semaphore_mem>>) src(%dma_wait3A_39 : memref<10000x128xf32, #tpu.memory_space<hbm>>) dst(%arg9 : memref<80x128xf32, #tpu.memory_space<vmem>>)
      %scan3A_40 = arith.constant 0 : i32
      %scan3A_41 = arith.constant 0 : i32
      %scan3A_42 = arith.constant 80 : i32
      %scan3A_43 = arith.addi %scan3A_41, %scan3A_42 : i32
      %scan3A_44 = arith.constant 1 : i32
      %scan3A_45 = scf.for %scan3A_48 = %scan3A_41 to %scan3A_43 step %scan3A_44 iter_args(%scan3A_49 = %scan3A_40) -> (i32)  : i32 {
        %get3A = arith.index_cast %scan3A_48 : i32 to index
        %get3A_50 = arith.constant 0 : index
        %get3A_51 = tpu.vector_load %arg9[%get3A, %get3A_50] {strides = array<i32>} : memref<80x128xf32, #tpu.memory_space<vmem>>, vector<1x16xf32>,
        %get3A_52 = vector.shape_cast %get3A_51 : vector<1x16xf32> to vector<16xf32>
        %get3A_53 = arith.index_cast %scan3A_48 : i32 to index
        %get3A_54 = arith.constant 0 : index
        %get3A_55 = tpu.vector_load %arg10[%get3A_53, %get3A_54] {strides = array<i32>} : memref<80x128xf32, #tpu.memory_space<vmem>>, vector<1x16xf32>,
        %get3A_56 = vector.shape_cast %get3A_55 : vector<1x16xf32> to vector<16xf32>
        %add3A_57 = arith.addf %get3A_52, %get3A_56 : vector<16xf32>
        %max3A = arith.constant 0.000000e+00 : f32
        %max3A_58 = vector.broadcast %max3A : f32 to vector<16xf32>
        %max3A_59 = arith.maximumf %add3A_57, %max3A_58 : vector<16xf32>
        %swap3A = arith.index_cast %scan3A_48 : i32 to index
        %swap3A_60 = arith.constant 0 : index
        %swap3A_61 = tpu.vector_load %arg9[%swap3A, %swap3A_60] {strides = array<i32>} : memref<80x128xf32, #tpu.memory_space<vmem>>, vector<1x16xf32>,
        %swap3A_62 = vector.shape_cast %swap3A_61 : vector<1x16xf32> to vector<16xf32>
        %swap3A_63 = vector.shape_cast %max3A_59 : vector<16xf32> to vector<1x16xf32>
        tpu.vector_store %arg9[%swap3A, %swap3A_60], %swap3A_63 {strides = array<i32>} : memref<80x128xf32, #tpu.memory_space<vmem>>, vector<1x16xf32>,
        %get3A_64 = arith.index_cast %scan3A_48 : i32 to index
        %get3A_65 = arith.constant 16 : index
        %get3A_66 = tpu.vector_load %arg9[%get3A_64, %get3A_65] {strides = array<i32>} : memref<80x128xf32, #tpu.memory_space<vmem>>, vector<1x16xf32>,
        %get3A_67 = vector.shape_cast %get3A_66 : vector<1x16xf32> to vector<16xf32>
        %get3A_68 = arith.index_cast %scan3A_48 : i32 to index
        %get3A_69 = arith.constant 16 : index
        %get3A_70 = tpu.vector_load %arg10[%get3A_68, %get3A_69] {strides = array<i32>} : memref<80x128xf32, #tpu.memory_space<vmem>>, vector<1x16xf32>,
        %get3A_71 = vector.shape_cast %get3A_70 : vector<1x16xf32> to vector<16xf32>
        %add3A_72 = arith.addf %get3A_67, %get3A_71 : vector<16xf32>
        %max3A_73 = arith.constant 0.000000e+00 : f32
        %max3A_74 = vector.broadcast %max3A_73 : f32 to vector<16xf32>
        %max3A_75 = arith.maximumf %add3A_72, %max3A_74 : vector<16xf32>
        %swap3A_76 = arith.index_cast %scan3A_48 : i32 to index
        %swap3A_77 = arith.constant 16 : index
        %swap3A_78 = tpu.vector_load %arg9[%swap3A_76, %swap3A_77] {strides = array<i32>} : memref<80x128xf32, #tpu.memory_space<vmem>>, vector<1x16xf32>,
        %swap3A_79 = vector.shape_cast %swap3A_78 : vector<1x16xf32> to vector<16xf32>
        %swap3A_80 = vector.shape_cast %max3A_75 : vector<16xf32> to vector<1x16xf32>
        tpu.vector_store %arg9[%swap3A_76, %swap3A_77], %swap3A_80 {strides = array<i32>} : memref<80x128xf32, #tpu.memory_space<vmem>>, vector<1x16xf32>,
        %get3A_81 = arith.index_cast %scan3A_48 : i32 to index
        %get3A_82 = arith.constant 32 : index
        %get3A_83 = tpu.vector_load %arg9[%get3A_81, %get3A_82] {strides = array<i32>} : memref<80x128xf32, #tpu.memory_space<vmem>>, vector<1x16xf32>,
        %get3A_84 = vector.shape_cast %get3A_83 : vector<1x16xf32> to vector<16xf32>
        %get3A_85 = arith.index_cast %scan3A_48 : i32 to index
        %get3A_86 = arith.constant 32 : index
        %get3A_87 = tpu.vector_load %arg10[%get3A_85, %get3A_86] {strides = array<i32>} : memref<80x128xf32, #tpu.memory_space<vmem>>, vector<1x16xf32>,
        %get3A_88 = vector.shape_cast %get3A_87 : vector<1x16xf32> to vector<16xf32>
        %add3A_89 = arith.addf %get3A_84, %get3A_88 : vector<16xf32>
        %max3A_90 = arith.constant 0.000000e+00 : f32
        %max3A_91 = vector.broadcast %max3A_90 : f32 to vector<16xf32>
        %max3A_92 = arith.maximumf %add3A_89, %max3A_91 : vector<16xf32>
        %swap3A_93 = arith.index_cast %scan3A_48 : i32 to index
        %swap3A_94 = arith.constant 32 : index
        %swap3A_95 = tpu.vector_load %arg9[%swap3A_93, %swap3A_94] {strides = array<i32>} : memref<80x128xf32, #tpu.memory_space<vmem>>, vector<1x16xf32>,
        %swap3A_96 = vector.shape_cast %swap3A_95 : vector<1x16xf32> to vector<16xf32>
        %swap3A_97 = vector.shape_cast %max3A_92 : vector<16xf32> to vector<1x16xf32>
        tpu.vector_store %arg9[%swap3A_93, %swap3A_94], %swap3A_97 {strides = array<i32>} : memref<80x128xf32, #tpu.memory_space<vmem>>, vector<1x16xf32>,
        %get3A_98 = arith.index_cast %scan3A_48 : i32 to index
        %get3A_99 = arith.constant 48 : index
        %get3A_100 = tpu.vector_load %arg9[%get3A_98, %get3A_99] {strides = array<i32>} : memref<80x128xf32, #tpu.memory_space<vmem>>, vector<1x16xf32>,
        %get3A_101 = vector.shape_cast %get3A_100 : vector<1x16xf32> to vector<16xf32>
        %get3A_102 = arith.index_cast %scan3A_48 : i32 to index
        %get3A_103 = arith.constant 48 : index
        %get3A_104 = tpu.vector_load %arg10[%get3A_102, %get3A_103] {strides = array<i32>} : memref<80x128xf32, #tpu.memory_space<vmem>>, vector<1x16xf32>,
        %get3A_105 = vector.shape_cast %get3A_104 : vector<1x16xf32> to vector<16xf32>
        %add3A_106 = arith.addf %get3A_101, %get3A_105 : vector<16xf32>
        %max3A_107 = arith.constant 0.000000e+00 : f32
        %max3A_108 = vector.broadcast %max3A_107 : f32 to vector<16xf32>
        %max3A_109 = arith.maximumf %add3A_106, %max3A_108 : vector<16xf32>
        %swap3A_110 = arith.index_cast %scan3A_48 : i32 to index
        %swap3A_111 = arith.constant 48 : index
        %swap3A_112 = tpu.vector_load %arg9[%swap3A_110, %swap3A_111] {strides = array<i32>} : memref<80x128xf32, #tpu.memory_space<vmem>>, vector<1x16xf32>,
        %swap3A_113 = vector.shape_cast %swap3A_112 : vector<1x16xf32> to vector<16xf32>
        %swap3A_114 = vector.shape_cast %max3A_109 : vector<16xf32> to vector<1x16xf32>
        tpu.vector_store %arg9[%swap3A_110, %swap3A_111], %swap3A_114 {strides = array<i32>} : memref<80x128xf32, #tpu.memory_space<vmem>>, vector<1x16xf32>,
        %get3A_115 = arith.index_cast %scan3A_48 : i32 to index
        %get3A_116 = arith.constant 64 : index
        %get3A_117 = tpu.vector_load %arg9[%get3A_115, %get3A_116] {strides = array<i32>} : memref<80x128xf32, #tpu.memory_space<vmem>>, vector<1x16xf32>,
        %get3A_118 = vector.shape_cast %get3A_117 : vector<1x16xf32> to vector<16xf32>
        %get3A_119 = arith.index_cast %scan3A_48 : i32 to index
        %get3A_120 = arith.constant 64 : index
        %get3A_121 = tpu.vector_load %arg10[%get3A_119, %get3A_120] {strides = array<i32>} : memref<80x128xf32, #tpu.memory_space<vmem>>, vector<1x16xf32>,
        %get3A_122 = vector.shape_cast %get3A_121 : vector<1x16xf32> to vector<16xf32>
        %add3A_123 = arith.addf %get3A_118, %get3A_122 : vector<16xf32>
        %max3A_124 = arith.constant 0.000000e+00 : f32
        %max3A_125 = vector.broadcast %max3A_124 : f32 to vector<16xf32>
        %max3A_126 = arith.maximumf %add3A_123, %max3A_125 : vector<16xf32>
        %swap3A_127 = arith.index_cast %scan3A_48 : i32 to index
        %swap3A_128 = arith.constant 64 : index
        %swap3A_129 = tpu.vector_load %arg9[%swap3A_127, %swap3A_128] {strides = array<i32>} : memref<80x128xf32, #tpu.memory_space<vmem>>, vector<1x16xf32>,
        %swap3A_130 = vector.shape_cast %swap3A_129 : vector<1x16xf32> to vector<16xf32>
        %swap3A_131 = vector.shape_cast %max3A_126 : vector<16xf32> to vector<1x16xf32>
        tpu.vector_store %arg9[%swap3A_127, %swap3A_128], %swap3A_131 {strides = array<i32>} : memref<80x128xf32, #tpu.memory_space<vmem>>, vector<1x16xf32>,
        %get3A_132 = arith.index_cast %scan3A_48 : i32 to index
        %get3A_133 = arith.constant 80 : index
        %get3A_134 = tpu.vector_load %arg9[%get3A_132, %get3A_133] {strides = array<i32>} : memref<80x128xf32, #tpu.memory_space<vmem>>, vector<1x16xf32>,
        %get3A_135 = vector.shape_cast %get3A_134 : vector<1x16xf32> to vector<16xf32>
        %get3A_136 = arith.index_cast %scan3A_48 : i32 to index
        %get3A_137 = arith.constant 80 : index
        %get3A_138 = tpu.vector_load %arg10[%get3A_136, %get3A_137] {strides = array<i32>} : memref<80x128xf32, #tpu.memory_space<vmem>>, vector<1x16xf32>,
        %get3A_139 = vector.shape_cast %get3A_138 : vector<1x16xf32> to vector<16xf32>
        %add3A_140 = arith.addf %get3A_135, %get3A_139 : vector<16xf32>
        %max3A_141 = arith.constant 0.000000e+00 : f32
        %max3A_142 = vector.broadcast %max3A_141 : f32 to vector<16xf32>
        %max3A_143 = arith.maximumf %add3A_140, %max3A_142 : vector<16xf32>
        %swap3A_144 = arith.index_cast %scan3A_48 : i32 to index
        %swap3A_145 = arith.constant 80 : index
        %swap3A_146 = tpu.vector_load %arg9[%swap3A_144, %swap3A_145] {strides = array<i32>} : memref<80x128xf32, #tpu.memory_space<vmem>>, vector<1x16xf32>,
        %swap3A_147 = vector.shape_cast %swap3A_146 : vector<1x16xf32> to vector<16xf32>
        %swap3A_148 = vector.shape_cast %max3A_143 : vector<16xf32> to vector<1x16xf32>
        tpu.vector_store %arg9[%swap3A_144, %swap3A_145], %swap3A_148 {strides = array<i32>} : memref<80x128xf32, #tpu.memory_space<vmem>>, vector<1x16xf32>,
        %get3A_149 = arith.index_cast %scan3A_48 : i32 to index
        %get3A_150 = arith.constant 96 : index
        %get3A_151 = tpu.vector_load %arg9[%get3A_149, %get3A_150] {strides = array<i32>} : memref<80x128xf32, #tpu.memory_space<vmem>>, vector<1x16xf32>,
        %get3A_152 = vector.shape_cast %get3A_151 : vector<1x16xf32> to vector<16xf32>
        %get3A_153 = arith.index_cast %scan3A_48 : i32 to index
        %get3A_154 = arith.constant 96 : index
        %get3A_155 = tpu.vector_load %arg10[%get3A_153, %get3A_154] {strides = array<i32>} : memref<80x128xf32, #tpu.memory_space<vmem>>, vector<1x16xf32>,
        %get3A_156 = vector.shape_cast %get3A_155 : vector<1x16xf32> to vector<16xf32>
        %add3A_157 = arith.addf %get3A_152, %get3A_156 : vector<16xf32>
        %max3A_158 = arith.constant 0.000000e+00 : f32
        %max3A_159 = vector.broadcast %max3A_158 : f32 to vector<16xf32>
        %max3A_160 = arith.maximumf %add3A_157, %max3A_159 : vector<16xf32>
        %swap3A_161 = arith.index_cast %scan3A_48 : i32 to index
        %swap3A_162 = arith.constant 96 : index
        %swap3A_163 = tpu.vector_load %arg9[%swap3A_161, %swap3A_162] {strides = array<i32>} : memref<80x128xf32, #tpu.memory_space<vmem>>, vector<1x16xf32>,
        %swap3A_164 = vector.shape_cast %swap3A_163 : vector<1x16xf32> to vector<16xf32>
        %swap3A_165 = vector.shape_cast %max3A_160 : vector<16xf32> to vector<1x16xf32>
        tpu.vector_store %arg9[%swap3A_161, %swap3A_162], %swap3A_165 {strides = array<i32>} : memref<80x128xf32, #tpu.memory_space<vmem>>, vector<1x16xf32>,
        %get3A_166 = arith.index_cast %scan3A_48 : i32 to index
        %get3A_167 = arith.constant 112 : index
        %get3A_168 = tpu.vector_load %arg9[%get3A_166, %get3A_167] {strides = array<i32>} : memref<80x128xf32, #tpu.memory_space<vmem>>, vector<1x16xf32>,
        %get3A_169 = vector.shape_cast %get3A_168 : vector<1x16xf32> to vector<16xf32>
        %get3A_170 = arith.index_cast %scan3A_48 : i32 to index
        %get3A_171 = arith.constant 112 : index
        %get3A_172 = tpu.vector_load %arg10[%get3A_170, %get3A_171] {strides = array<i32>} : memref<80x128xf32, #tpu.memory_space<vmem>>, vector<1x16xf32>,
        %get3A_173 = vector.shape_cast %get3A_172 : vector<1x16xf32> to vector<16xf32>
        %add3A_174 = arith.addf %get3A_169, %get3A_173 : vector<16xf32>
        %max3A_175 = arith.constant 0.000000e+00 : f32
        %max3A_176 = vector.broadcast %max3A_175 : f32 to vector<16xf32>
        %max3A_177 = arith.maximumf %add3A_174, %max3A_176 : vector<16xf32>
        %swap3A_178 = arith.index_cast %scan3A_48 : i32 to index
        %swap3A_179 = arith.constant 112 : index
        %swap3A_180 = tpu.vector_load %arg9[%swap3A_178, %swap3A_179] {strides = array<i32>} : memref<80x128xf32, #tpu.memory_space<vmem>>, vector<1x16xf32>,
        %swap3A_181 = vector.shape_cast %swap3A_180 : vector<1x16xf32> to vector<16xf32>
        %swap3A_182 = vector.shape_cast %max3A_177 : vector<16xf32> to vector<1x16xf32>
        tpu.vector_store %arg9[%swap3A_178, %swap3A_179], %swap3A_182 {strides = array<i32>} : memref<80x128xf32, #tpu.memory_space<vmem>>, vector<1x16xf32>,
        %scan3A_183 = arith.constant 0 : i32
        scf.yield %scan3A_183 : i32
      }
      %scan3A_46 = arith.constant 80 : i32
      "tpu.region"() ({
        %run_scoped3A = tpu.sem_alloc : memref<!tpu.dma_semaphore, #tpu.memory_space<semaphore_mem>>
        %dma_start3A_48 = arith.constant 0 : i32
        %dma_start3A_49 = arith.constant 0 : i32
        %dma_start3A_50 = tpu.memref_slice %arg13[%dma_start3A_48, %dma_start3A_49] : memref<10112x128xf32, #tpu.memory_space<vmem_shared>> -> memref<10112x128xf32, #tpu.memory_space<vmem_shared>>
        tpu.enqueue_indirect_dma source(%arg9 : memref<80x128xf32, #tpu.memory_space<vmem>>) target(%dma_start3A_50 : memref<10112x128xf32, #tpu.memory_space<vmem_shared>>) offsets(%arg8 : memref<80xi32, #tpu.memory_space<vmem>>) semaphore(%run_scoped3A : memref<!tpu.dma_semaphore, #tpu.memory_space<semaphore_mem>>) {add = true}
        %dma_wait3A_51 = arith.constant 0 : i32
        %dma_wait3A_52 = arith.constant 0 : i32
        %dma_wait3A_53 = tpu.memref_slice %arg13[%dma_wait3A_51, %dma_wait3A_52] : memref<10112x128xf32, #tpu.memory_space<vmem_shared>> -> memref<10112x128xf32, #tpu.memory_space<vmem_shared>>
        tpu.wait_indirect_dma semaphore(%run_scoped3A : memref<!tpu.dma_semaphore, #tpu.memory_space<semaphore_mem>>) src(%arg9 : memref<80x128xf32, #tpu.memory_space<vmem>>) dst(%dma_wait3A_53 : memref<10112x128xf32, #tpu.memory_space<vmem_shared>>)
        tpu.yield
      }) : () -> ()
      %scan3A_47 = arith.constant 0 : i32
      scf.yield %scan3A_47 : i32
    }
    %scan3A_20 = arith.constant 125 : i32
    %barrier3A_21 = arith.constant 0 : index
    tpu.barrier barrier_id(%barrier3A_21)
    %mul3A_22 = arith.constant 632 : i32
    %mul3A_23 = arith.muli %arg1, %mul3A_22 : i32
    %mul3A_24 = arith.constant 10112 : i32
    %mul3A_25 = arith.muli %arg0, %mul3A_24 : i32
    %mul3A_26 = arith.constant 632 : i32
    %mul3A_27 = arith.muli %arg1, %mul3A_26 : i32
    %add3A_28 = arith.addi %mul3A_25, %mul3A_27 : i32
    "tpu.region"() ({
      %run_scoped3A = tpu.sem_alloc : memref<!tpu.dma_semaphore, #tpu.memory_space<semaphore_mem>>
      %dma_start3A = arith.constant 0 : i32
      %dma_start3A_29 = tpu.memref_slice %arg6[%add3A_28, %dma_start3A] : memref<20224x128xf32, #tpu.memory_space<hbm>> -> memref<632x128xf32, #tpu.memory_space<hbm>>
      %dma_start3A_30 = arith.constant 0 : i32
      %dma_start3A_31 = tpu.memref_slice %arg13[%mul3A_23, %dma_start3A_30] : memref<10112x128xf32, #tpu.memory_space<vmem_shared>> -> memref<632x128xf32, #tpu.memory_space<vmem_shared>>
      tpu.enqueue_dma source(%dma_start3A_31 : memref<632x128xf32, #tpu.memory_space<vmem_shared>>) target(%dma_start3A_29 : memref<632x128xf32, #tpu.memory_space<hbm>>) target_semaphore(%run_scoped3A : memref<!tpu.dma_semaphore, #tpu.memory_space<semaphore_mem>>)
      %dma_wait3A = arith.constant 0 : i32
      %dma_wait3A_32 = tpu.memref_slice %arg6[%add3A_28, %dma_wait3A] : memref<20224x128xf32, #tpu.memory_space<hbm>> -> memref<632x128xf32, #tpu.memory_space<hbm>>
      %dma_wait3A_33 = arith.constant 0 : i32
      %dma_wait3A_34 = tpu.memref_slice %arg13[%mul3A_23, %dma_wait3A_33] : memref<10112x128xf32, #tpu.memory_space<vmem_shared>> -> memref<632x128xf32, #tpu.memory_space<vmem_shared>>
      tpu.wait_dma2 semaphore(%run_scoped3A : memref<!tpu.dma_semaphore, #tpu.memory_space<semaphore_mem>>) src(%dma_wait3A_34 : memref<632x128xf32, #tpu.memory_space<vmem_shared>>) dst(%dma_wait3A_32 : memref<632x128xf32, #tpu.memory_space<hbm>>)
      tpu.yield
    }) : () -> ()
    return
  }
}

#map = affine_map<(d0, d1) -> (0)>
#map1 = affine_map<(d0, d1) -> (0, 0)>
module attributes {stable_mosaic.version = 14 : i64} {
  func.func @body(%arg0: i32, %arg1: i32, %arg2: memref<320000xi32, #tpu.memory_space<hbm>>, %arg3: memref<320000xi32, #tpu.memory_space<hbm>>, %arg4: memref<320000x128xf32, #tpu.memory_space<hbm>>, %arg5: memref<10000x128xf32, #tpu.memory_space<hbm>>, %arg6: memref<20224x128xf32, #tpu.memory_space<hbm>>, %arg7: memref<80xi32, #tpu.memory_space<vmem>>, %arg8: memref<80xi32, #tpu.memory_space<vmem>>, %arg9: memref<80x128xf32, #tpu.memory_space<vmem>>, %arg10: memref<80x128xf32, #tpu.memory_space<vmem>>, %arg11: memref<8x128xf32, #tpu.memory_space<vmem>>, %arg12: memref<!tpu.dma_semaphore, #tpu.memory_space<semaphore_mem>>, %arg13: memref<10112x128xf32, #tpu.memory_space<vmem_shared>>) attributes {dimension_semantics = [#tpu.dimension_semantics<core_parallel>, #tpu.dimension_semantics<subcore_parallel>], iteration_bounds = array<i64: 2, 16>, scalar_prefetch = 0 : i64, scratch_operands = 7 : i64, tpu.core_type = #tpu.core_type<sc_vector_subcore>, window_params = [{transform_indices = #map}, {transform_indices = #map}, {transform_indices = #map1}, {transform_indices = #map1}, {transform_indices = #map1}]} {
    %mul3A = arith.constant 16 : i32
    %mul3A_0 = arith.muli %arg0, %mul3A : i32
    %add3A = arith.addi %mul3A_0, %arg1 : i32
    %scan3A = arith.constant 0 : i32
    %scan3A_1 = arith.constant 0 : i32
    %scan3A_2 = arith.constant 8 : i32
    %scan3A_3 = arith.addi %scan3A_1, %scan3A_2 : i32
    %scan3A_4 = arith.constant 1 : i32
    %scan3A_5 = scf.for %scan3A_29 = %scan3A_1 to %scan3A_3 step %scan3A_4 iter_args(%scan3A_30 = %scan3A) -> (i32)  : i32 {
      %broadcast_in_dim3A = arith.constant 0.000000e+00 : f32
      %broadcast_in_dim3A_31 = vector.broadcast %broadcast_in_dim3A : f32 to vector<16xf32>
      %swap3A = arith.index_cast %scan3A_29 : i32 to index
      %swap3A_32 = arith.constant 0 : index
      %swap3A_33 = tpu.vector_load %arg11[%swap3A, %swap3A_32] {strides = array<i32>} : memref<8x128xf32, #tpu.memory_space<vmem>>, vector<1x16xf32>,
      %swap3A_34 = vector.shape_cast %swap3A_33 : vector<1x16xf32> to vector<16xf32>
      %swap3A_35 = vector.shape_cast %broadcast_in_dim3A_31 : vector<16xf32> to vector<1x16xf32>
      tpu.vector_store %arg11[%swap3A, %swap3A_32], %swap3A_35 {strides = array<i32>} : memref<8x128xf32, #tpu.memory_space<vmem>>, vector<1x16xf32>,
      %broadcast_in_dim3A_36 = arith.constant 0.000000e+00 : f32
      %broadcast_in_dim3A_37 = vector.broadcast %broadcast_in_dim3A_36 : f32 to vector<16xf32>
      %swap3A_38 = arith.index_cast %scan3A_29 : i32 to index
      %swap3A_39 = arith.constant 16 : index
      %swap3A_40 = tpu.vector_load %arg11[%swap3A_38, %swap3A_39] {strides = array<i32>} : memref<8x128xf32, #tpu.memory_space<vmem>>, vector<1x16xf32>,
      %swap3A_41 = vector.shape_cast %swap3A_40 : vector<1x16xf32> to vector<16xf32>
      %swap3A_42 = vector.shape_cast %broadcast_in_dim3A_37 : vector<16xf32> to vector<1x16xf32>
      tpu.vector_store %arg11[%swap3A_38, %swap3A_39], %swap3A_42 {strides = array<i32>} : memref<8x128xf32, #tpu.memory_space<vmem>>, vector<1x16xf32>,
      %broadcast_in_dim3A_43 = arith.constant 0.000000e+00 : f32
      %broadcast_in_dim3A_44 = vector.broadcast %broadcast_in_dim3A_43 : f32 to vector<16xf32>
      %swap3A_45 = arith.index_cast %scan3A_29 : i32 to index
      %swap3A_46 = arith.constant 32 : index
      %swap3A_47 = tpu.vector_load %arg11[%swap3A_45, %swap3A_46] {strides = array<i32>} : memref<8x128xf32, #tpu.memory_space<vmem>>, vector<1x16xf32>,
      %swap3A_48 = vector.shape_cast %swap3A_47 : vector<1x16xf32> to vector<16xf32>
      %swap3A_49 = vector.shape_cast %broadcast_in_dim3A_44 : vector<16xf32> to vector<1x16xf32>
      tpu.vector_store %arg11[%swap3A_45, %swap3A_46], %swap3A_49 {strides = array<i32>} : memref<8x128xf32, #tpu.memory_space<vmem>>, vector<1x16xf32>,
      %broadcast_in_dim3A_50 = arith.constant 0.000000e+00 : f32
      %broadcast_in_dim3A_51 = vector.broadcast %broadcast_in_dim3A_50 : f32 to vector<16xf32>
      %swap3A_52 = arith.index_cast %scan3A_29 : i32 to index
      %swap3A_53 = arith.constant 48 : index
      %swap3A_54 = tpu.vector_load %arg11[%swap3A_52, %swap3A_53] {strides = array<i32>} : memref<8x128xf32, #tpu.memory_space<vmem>>, vector<1x16xf32>,
      %swap3A_55 = vector.shape_cast %swap3A_54 : vector<1x16xf32> to vector<16xf32>
      %swap3A_56 = vector.shape_cast %broadcast_in_dim3A_51 : vector<16xf32> to vector<1x16xf32>
      tpu.vector_store %arg11[%swap3A_52, %swap3A_53], %swap3A_56 {strides = array<i32>} : memref<8x128xf32, #tpu.memory_space<vmem>>, vector<1x16xf32>,
      %broadcast_in_dim3A_57 = arith.constant 0.000000e+00 : f32
      %broadcast_in_dim3A_58 = vector.broadcast %broadcast_in_dim3A_57 : f32 to vector<16xf32>
      %swap3A_59 = arith.index_cast %scan3A_29 : i32 to index
      %swap3A_60 = arith.constant 64 : index
      %swap3A_61 = tpu.vector_load %arg11[%swap3A_59, %swap3A_60] {strides = array<i32>} : memref<8x128xf32, #tpu.memory_space<vmem>>, vector<1x16xf32>,
      %swap3A_62 = vector.shape_cast %swap3A_61 : vector<1x16xf32> to vector<16xf32>
      %swap3A_63 = vector.shape_cast %broadcast_in_dim3A_58 : vector<16xf32> to vector<1x16xf32>
      tpu.vector_store %arg11[%swap3A_59, %swap3A_60], %swap3A_63 {strides = array<i32>} : memref<8x128xf32, #tpu.memory_space<vmem>>, vector<1x16xf32>,
      %broadcast_in_dim3A_64 = arith.constant 0.000000e+00 : f32
      %broadcast_in_dim3A_65 = vector.broadcast %broadcast_in_dim3A_64 : f32 to vector<16xf32>
      %swap3A_66 = arith.index_cast %scan3A_29 : i32 to index
      %swap3A_67 = arith.constant 80 : index
      %swap3A_68 = tpu.vector_load %arg11[%swap3A_66, %swap3A_67] {strides = array<i32>} : memref<8x128xf32, #tpu.memory_space<vmem>>, vector<1x16xf32>,
      %swap3A_69 = vector.shape_cast %swap3A_68 : vector<1x16xf32> to vector<16xf32>
      %swap3A_70 = vector.shape_cast %broadcast_in_dim3A_65 : vector<16xf32> to vector<1x16xf32>
      tpu.vector_store %arg11[%swap3A_66, %swap3A_67], %swap3A_70 {strides = array<i32>} : memref<8x128xf32, #tpu.memory_space<vmem>>, vector<1x16xf32>,
      %broadcast_in_dim3A_71 = arith.constant 0.000000e+00 : f32
      %broadcast_in_dim3A_72 = vector.broadcast %broadcast_in_dim3A_71 : f32 to vector<16xf32>
      %swap3A_73 = arith.index_cast %scan3A_29 : i32 to index
      %swap3A_74 = arith.constant 96 : index
      %swap3A_75 = tpu.vector_load %arg11[%swap3A_73, %swap3A_74] {strides = array<i32>} : memref<8x128xf32, #tpu.memory_space<vmem>>, vector<1x16xf32>,
      %swap3A_76 = vector.shape_cast %swap3A_75 : vector<1x16xf32> to vector<16xf32>
      %swap3A_77 = vector.shape_cast %broadcast_in_dim3A_72 : vector<16xf32> to vector<1x16xf32>
      tpu.vector_store %arg11[%swap3A_73, %swap3A_74], %swap3A_77 {strides = array<i32>} : memref<8x128xf32, #tpu.memory_space<vmem>>, vector<1x16xf32>,
      %broadcast_in_dim3A_78 = arith.constant 0.000000e+00 : f32
      %broadcast_in_dim3A_79 = vector.broadcast %broadcast_in_dim3A_78 : f32 to vector<16xf32>
      %swap3A_80 = arith.index_cast %scan3A_29 : i32 to index
      %swap3A_81 = arith.constant 112 : index
      %swap3A_82 = tpu.vector_load %arg11[%swap3A_80, %swap3A_81] {strides = array<i32>} : memref<8x128xf32, #tpu.memory_space<vmem>>, vector<1x16xf32>,
      %swap3A_83 = vector.shape_cast %swap3A_82 : vector<1x16xf32> to vector<16xf32>
      %swap3A_84 = vector.shape_cast %broadcast_in_dim3A_79 : vector<16xf32> to vector<1x16xf32>
      tpu.vector_store %arg11[%swap3A_80, %swap3A_81], %swap3A_84 {strides = array<i32>} : memref<8x128xf32, #tpu.memory_space<vmem>>, vector<1x16xf32>,
      %scan3A_85 = arith.constant 0 : i32
      scf.yield %scan3A_85 : i32
    }
    %scan3A_6 = arith.constant 8 : i32
    %scan3A_7 = arith.constant 0 : i32
    %scan3A_8 = arith.constant 0 : i32
    %scan3A_9 = arith.constant 79 : i32
    %scan3A_10 = arith.addi %scan3A_8, %scan3A_9 : i32
    %scan3A_11 = arith.constant 1 : i32
    %scan3A_12 = scf.for %scan3A_29 = %scan3A_8 to %scan3A_10 step %scan3A_11 iter_args(%scan3A_30 = %scan3A_7) -> (i32)  : i32 {
      %mul3A_31 = arith.constant 632 : i32
      %mul3A_32 = arith.muli %arg1, %mul3A_31 : i32
      %mul3A_33 = arith.constant 8 : i32
      %mul3A_34 = arith.muli %scan3A_29, %mul3A_33 : i32
      %add3A_35 = arith.addi %mul3A_32, %mul3A_34 : i32
      "tpu.region"() ({
        %run_scoped3A = tpu.sem_alloc : memref<!tpu.dma_semaphore, #tpu.memory_space<semaphore_mem>>
        %dma_start3A = arith.constant 0 : i32
        %dma_start3A_37 = tpu.memref_slice %arg13[%add3A_35, %dma_start3A] : memref<10112x128xf32, #tpu.memory_space<vmem_shared>> -> memref<8x128xf32, #tpu.memory_space<vmem_shared>>
        %dma_start3A_38 = arith.constant 0 : i32
        %dma_start3A_39 = tpu.memref_slice %arg13[%add3A_35, %dma_start3A_38] : memref<10112x128xf32, #tpu.memory_space<vmem_shared>> -> memref<8x128xf32, #tpu.memory_space<vmem_shared>>
        tpu.enqueue_dma source(%arg11 : memref<8x128xf32, #tpu.memory_space<vmem>>) target(%dma_start3A_39 : memref<8x128xf32, #tpu.memory_space<vmem_shared>>) target_semaphore(%run_scoped3A : memref<!tpu.dma_semaphore, #tpu.memory_space<semaphore_mem>>)
        %dma_wait3A = arith.constant 0 : i32
        %dma_wait3A_40 = tpu.memref_slice %arg13[%add3A_35, %dma_wait3A] : memref<10112x128xf32, #tpu.memory_space<vmem_shared>> -> memref<8x128xf32, #tpu.memory_space<vmem_shared>>
        %dma_wait3A_41 = arith.constant 0 : i32
        %dma_wait3A_42 = tpu.memref_slice %arg13[%add3A_35, %dma_wait3A_41] : memref<10112x128xf32, #tpu.memory_space<vmem_shared>> -> memref<8x128xf32, #tpu.memory_space<vmem_shared>>
        tpu.wait_dma2 semaphore(%run_scoped3A : memref<!tpu.dma_semaphore, #tpu.memory_space<semaphore_mem>>) src(%arg11 : memref<8x128xf32, #tpu.memory_space<vmem>>) dst(%dma_wait3A_42 : memref<8x128xf32, #tpu.memory_space<vmem_shared>>)
        tpu.yield
      }) : () -> ()
      %scan3A_36 = arith.constant 0 : i32
      scf.yield %scan3A_36 : i32
    }
    %scan3A_13 = arith.constant 79 : i32
    %barrier3A = arith.constant 0 : index
    tpu.barrier barrier_id(%barrier3A)
    %scan3A_14 = arith.constant 0 : i32
    %scan3A_15 = arith.constant 0 : i32
    %scan3A_16 = arith.constant 125 : i32
    %scan3A_17 = arith.addi %scan3A_15, %scan3A_16 : i32
    %scan3A_18 = arith.constant 1 : i32
    %scan3A_19 = scf.for %scan3A_29 = %scan3A_15 to %scan3A_17 step %scan3A_18 iter_args(%scan3A_30 = %scan3A_14) -> (i32)  : i32 {
      %mul3A_31 = arith.constant 10000 : i32
      %mul3A_32 = arith.muli %add3A, %mul3A_31 : i32
      %mul3A_33 = arith.constant 80 : i32
      %mul3A_34 = arith.muli %scan3A_29, %mul3A_33 : i32
      %add3A_35 = arith.addi %mul3A_32, %mul3A_34 : i32
      "tpu.region"() ({
        %run_scoped3A = tpu.sem_alloc : memref<!tpu.dma_semaphore, #tpu.memory_space<semaphore_mem>>
        %dma_start3A_48 = tpu.memref_slice %arg2[%add3A_35] : memref<320000xi32, #tpu.memory_space<hbm>> -> memref<80xi32, #tpu.memory_space<hbm>>
        %dma_start3A_49 = tpu.memref_slice %arg2[%add3A_35] : memref<320000xi32, #tpu.memory_space<hbm>> -> memref<80xi32, #tpu.memory_space<hbm>>
        tpu.enqueue_dma source(%dma_start3A_49 : memref<80xi32, #tpu.memory_space<hbm>>) target(%arg7 : memref<80xi32, #tpu.memory_space<vmem>>) target_semaphore(%run_scoped3A : memref<!tpu.dma_semaphore, #tpu.memory_space<semaphore_mem>>)
        %dma_wait3A_50 = tpu.memref_slice %arg2[%add3A_35] : memref<320000xi32, #tpu.memory_space<hbm>> -> memref<80xi32, #tpu.memory_space<hbm>>
        %dma_wait3A_51 = tpu.memref_slice %arg2[%add3A_35] : memref<320000xi32, #tpu.memory_space<hbm>> -> memref<80xi32, #tpu.memory_space<hbm>>
        tpu.wait_dma2 semaphore(%run_scoped3A : memref<!tpu.dma_semaphore, #tpu.memory_space<semaphore_mem>>) src(%dma_wait3A_51 : memref<80xi32, #tpu.memory_space<hbm>>) dst(%arg7 : memref<80xi32, #tpu.memory_space<vmem>>)
        tpu.yield
      }) : () -> ()
      "tpu.region"() ({
        %run_scoped3A = tpu.sem_alloc : memref<!tpu.dma_semaphore, #tpu.memory_space<semaphore_mem>>
        %dma_start3A_48 = tpu.memref_slice %arg3[%add3A_35] : memref<320000xi32, #tpu.memory_space<hbm>> -> memref<80xi32, #tpu.memory_space<hbm>>
        %dma_start3A_49 = tpu.memref_slice %arg3[%add3A_35] : memref<320000xi32, #tpu.memory_space<hbm>> -> memref<80xi32, #tpu.memory_space<hbm>>
        tpu.enqueue_dma source(%dma_start3A_49 : memref<80xi32, #tpu.memory_space<hbm>>) target(%arg8 : memref<80xi32, #tpu.memory_space<vmem>>) target_semaphore(%run_scoped3A : memref<!tpu.dma_semaphore, #tpu.memory_space<semaphore_mem>>)
        %dma_wait3A_50 = tpu.memref_slice %arg3[%add3A_35] : memref<320000xi32, #tpu.memory_space<hbm>> -> memref<80xi32, #tpu.memory_space<hbm>>
        %dma_wait3A_51 = tpu.memref_slice %arg3[%add3A_35] : memref<320000xi32, #tpu.memory_space<hbm>> -> memref<80xi32, #tpu.memory_space<hbm>>
        tpu.wait_dma2 semaphore(%run_scoped3A : memref<!tpu.dma_semaphore, #tpu.memory_space<semaphore_mem>>) src(%dma_wait3A_51 : memref<80xi32, #tpu.memory_space<hbm>>) dst(%arg8 : memref<80xi32, #tpu.memory_space<vmem>>)
        tpu.yield
      }) : () -> ()
      %dma_start3A = arith.constant 0 : i32
      %dma_start3A_36 = arith.constant 0 : i32
      %dma_start3A_37 = tpu.memref_slice %arg5[%dma_start3A, %dma_start3A_36] : memref<10000x128xf32, #tpu.memory_space<hbm>> -> memref<10000x128xf32, #tpu.memory_space<hbm>>
      tpu.enqueue_indirect_dma source(%dma_start3A_37 : memref<10000x128xf32, #tpu.memory_space<hbm>>) target(%arg9 : memref<80x128xf32, #tpu.memory_space<vmem>>) offsets(%arg7 : memref<80xi32, #tpu.memory_space<vmem>>) semaphore(%arg12 : memref<!tpu.dma_semaphore, #tpu.memory_space<semaphore_mem>>)
      "tpu.region"() ({
        %run_scoped3A = tpu.sem_alloc : memref<!tpu.dma_semaphore, #tpu.memory_space<semaphore_mem>>
        %dma_start3A_48 = arith.constant 0 : i32
        %dma_start3A_49 = tpu.memref_slice %arg4[%add3A_35, %dma_start3A_48] : memref<320000x128xf32, #tpu.memory_space<hbm>> -> memref<80x128xf32, #tpu.memory_space<hbm>>
        %dma_start3A_50 = arith.constant 0 : i32
        %dma_start3A_51 = tpu.memref_slice %arg4[%add3A_35, %dma_start3A_50] : memref<320000x128xf32, #tpu.memory_space<hbm>> -> memref<80x128xf32, #tpu.memory_space<hbm>>
        tpu.enqueue_dma source(%dma_start3A_51 : memref<80x128xf32, #tpu.memory_space<hbm>>) target(%arg10 : memref<80x128xf32, #tpu.memory_space<vmem>>) target_semaphore(%run_scoped3A : memref<!tpu.dma_semaphore, #tpu.memory_space<semaphore_mem>>)
        %dma_wait3A_52 = arith.constant 0 : i32
        %dma_wait3A_53 = tpu.memref_slice %arg4[%add3A_35, %dma_wait3A_52] : memref<320000x128xf32, #tpu.memory_space<hbm>> -> memref<80x128xf32, #tpu.memory_space<hbm>>
        %dma_wait3A_54 = arith.constant 0 : i32
        %dma_wait3A_55 = tpu.memref_slice %arg4[%add3A_35, %dma_wait3A_54] : memref<320000x128xf32, #tpu.memory_space<hbm>> -> memref<80x128xf32, #tpu.memory_space<hbm>>
        tpu.wait_dma2 semaphore(%run_scoped3A : memref<!tpu.dma_semaphore, #tpu.memory_space<semaphore_mem>>) src(%dma_wait3A_55 : memref<80x128xf32, #tpu.memory_space<hbm>>) dst(%arg10 : memref<80x128xf32, #tpu.memory_space<vmem>>)
        tpu.yield
      }) : () -> ()
      %dma_wait3A = arith.constant 0 : i32
      %dma_wait3A_38 = arith.constant 0 : i32
      %dma_wait3A_39 = tpu.memref_slice %arg5[%dma_wait3A, %dma_wait3A_38] : memref<10000x128xf32, #tpu.memory_space<hbm>> -> memref<10000x128xf32, #tpu.memory_space<hbm>>
      tpu.wait_indirect_dma semaphore(%arg12 : memref<!tpu.dma_semaphore, #tpu.memory_space<semaphore_mem>>) src(%dma_wait3A_39 : memref<10000x128xf32, #tpu.memory_space<hbm>>) dst(%arg9 : memref<80x128xf32, #tpu.memory_space<vmem>>)
      %scan3A_40 = arith.constant 0 : i32
      %scan3A_41 = arith.constant 0 : i32
      %scan3A_42 = arith.constant 80 : i32
      %scan3A_43 = arith.addi %scan3A_41, %scan3A_42 : i32
      %scan3A_44 = arith.constant 1 : i32
      %scan3A_45 = scf.for %scan3A_48 = %scan3A_41 to %scan3A_43 step %scan3A_44 iter_args(%scan3A_49 = %scan3A_40) -> (i32)  : i32 {
        %get3A = arith.index_cast %scan3A_48 : i32 to index
        %get3A_50 = arith.constant 0 : index
        %get3A_51 = tpu.vector_load %arg9[%get3A, %get3A_50] {strides = array<i32>} : memref<80x128xf32, #tpu.memory_space<vmem>>, vector<1x16xf32>,
        %get3A_52 = vector.shape_cast %get3A_51 : vector<1x16xf32> to vector<16xf32>
        %get3A_53 = arith.index_cast %scan3A_48 : i32 to index
        %get3A_54 = arith.constant 0 : index
        %get3A_55 = tpu.vector_load %arg10[%get3A_53, %get3A_54] {strides = array<i32>} : memref<80x128xf32, #tpu.memory_space<vmem>>, vector<1x16xf32>,
        %get3A_56 = vector.shape_cast %get3A_55 : vector<1x16xf32> to vector<16xf32>
        %add3A_57 = arith.addf %get3A_52, %get3A_56 : vector<16xf32>
        %max3A = arith.constant 0.000000e+00 : f32
        %max3A_58 = vector.broadcast %max3A : f32 to vector<16xf32>
        %max3A_59 = arith.maximumf %add3A_57, %max3A_58 : vector<16xf32>
        %swap3A = arith.index_cast %scan3A_48 : i32 to index
        %swap3A_60 = arith.constant 0 : index
        %swap3A_61 = tpu.vector_load %arg9[%swap3A, %swap3A_60] {strides = array<i32>} : memref<80x128xf32, #tpu.memory_space<vmem>>, vector<1x16xf32>,
        %swap3A_62 = vector.shape_cast %swap3A_61 : vector<1x16xf32> to vector<16xf32>
        %swap3A_63 = vector.shape_cast %max3A_59 : vector<16xf32> to vector<1x16xf32>
        tpu.vector_store %arg9[%swap3A, %swap3A_60], %swap3A_63 {strides = array<i32>} : memref<80x128xf32, #tpu.memory_space<vmem>>, vector<1x16xf32>,
        %get3A_64 = arith.index_cast %scan3A_48 : i32 to index
        %get3A_65 = arith.constant 16 : index
        %get3A_66 = tpu.vector_load %arg9[%get3A_64, %get3A_65] {strides = array<i32>} : memref<80x128xf32, #tpu.memory_space<vmem>>, vector<1x16xf32>,
        %get3A_67 = vector.shape_cast %get3A_66 : vector<1x16xf32> to vector<16xf32>
        %get3A_68 = arith.index_cast %scan3A_48 : i32 to index
        %get3A_69 = arith.constant 16 : index
        %get3A_70 = tpu.vector_load %arg10[%get3A_68, %get3A_69] {strides = array<i32>} : memref<80x128xf32, #tpu.memory_space<vmem>>, vector<1x16xf32>,
        %get3A_71 = vector.shape_cast %get3A_70 : vector<1x16xf32> to vector<16xf32>
        %add3A_72 = arith.addf %get3A_67, %get3A_71 : vector<16xf32>
        %max3A_73 = arith.constant 0.000000e+00 : f32
        %max3A_74 = vector.broadcast %max3A_73 : f32 to vector<16xf32>
        %max3A_75 = arith.maximumf %add3A_72, %max3A_74 : vector<16xf32>
        %swap3A_76 = arith.index_cast %scan3A_48 : i32 to index
        %swap3A_77 = arith.constant 16 : index
        %swap3A_78 = tpu.vector_load %arg9[%swap3A_76, %swap3A_77] {strides = array<i32>} : memref<80x128xf32, #tpu.memory_space<vmem>>, vector<1x16xf32>,
        %swap3A_79 = vector.shape_cast %swap3A_78 : vector<1x16xf32> to vector<16xf32>
        %swap3A_80 = vector.shape_cast %max3A_75 : vector<16xf32> to vector<1x16xf32>
        tpu.vector_store %arg9[%swap3A_76, %swap3A_77], %swap3A_80 {strides = array<i32>} : memref<80x128xf32, #tpu.memory_space<vmem>>, vector<1x16xf32>,
        %get3A_81 = arith.index_cast %scan3A_48 : i32 to index
        %get3A_82 = arith.constant 32 : index
        %get3A_83 = tpu.vector_load %arg9[%get3A_81, %get3A_82] {strides = array<i32>} : memref<80x128xf32, #tpu.memory_space<vmem>>, vector<1x16xf32>,
        %get3A_84 = vector.shape_cast %get3A_83 : vector<1x16xf32> to vector<16xf32>
        %get3A_85 = arith.index_cast %scan3A_48 : i32 to index
        %get3A_86 = arith.constant 32 : index
        %get3A_87 = tpu.vector_load %arg10[%get3A_85, %get3A_86] {strides = array<i32>} : memref<80x128xf32, #tpu.memory_space<vmem>>, vector<1x16xf32>,
        %get3A_88 = vector.shape_cast %get3A_87 : vector<1x16xf32> to vector<16xf32>
        %add3A_89 = arith.addf %get3A_84, %get3A_88 : vector<16xf32>
        %max3A_90 = arith.constant 0.000000e+00 : f32
        %max3A_91 = vector.broadcast %max3A_90 : f32 to vector<16xf32>
        %max3A_92 = arith.maximumf %add3A_89, %max3A_91 : vector<16xf32>
        %swap3A_93 = arith.index_cast %scan3A_48 : i32 to index
        %swap3A_94 = arith.constant 32 : index
        %swap3A_95 = tpu.vector_load %arg9[%swap3A_93, %swap3A_94] {strides = array<i32>} : memref<80x128xf32, #tpu.memory_space<vmem>>, vector<1x16xf32>,
        %swap3A_96 = vector.shape_cast %swap3A_95 : vector<1x16xf32> to vector<16xf32>
        %swap3A_97 = vector.shape_cast %max3A_92 : vector<16xf32> to vector<1x16xf32>
        tpu.vector_store %arg9[%swap3A_93, %swap3A_94], %swap3A_97 {strides = array<i32>} : memref<80x128xf32, #tpu.memory_space<vmem>>, vector<1x16xf32>,
        %get3A_98 = arith.index_cast %scan3A_48 : i32 to index
        %get3A_99 = arith.constant 48 : index
        %get3A_100 = tpu.vector_load %arg9[%get3A_98, %get3A_99] {strides = array<i32>} : memref<80x128xf32, #tpu.memory_space<vmem>>, vector<1x16xf32>,
        %get3A_101 = vector.shape_cast %get3A_100 : vector<1x16xf32> to vector<16xf32>
        %get3A_102 = arith.index_cast %scan3A_48 : i32 to index
        %get3A_103 = arith.constant 48 : index
        %get3A_104 = tpu.vector_load %arg10[%get3A_102, %get3A_103] {strides = array<i32>} : memref<80x128xf32, #tpu.memory_space<vmem>>, vector<1x16xf32>,
        %get3A_105 = vector.shape_cast %get3A_104 : vector<1x16xf32> to vector<16xf32>
        %add3A_106 = arith.addf %get3A_101, %get3A_105 : vector<16xf32>
        %max3A_107 = arith.constant 0.000000e+00 : f32
        %max3A_108 = vector.broadcast %max3A_107 : f32 to vector<16xf32>
        %max3A_109 = arith.maximumf %add3A_106, %max3A_108 : vector<16xf32>
        %swap3A_110 = arith.index_cast %scan3A_48 : i32 to index
        %swap3A_111 = arith.constant 48 : index
        %swap3A_112 = tpu.vector_load %arg9[%swap3A_110, %swap3A_111] {strides = array<i32>} : memref<80x128xf32, #tpu.memory_space<vmem>>, vector<1x16xf32>,
        %swap3A_113 = vector.shape_cast %swap3A_112 : vector<1x16xf32> to vector<16xf32>
        %swap3A_114 = vector.shape_cast %max3A_109 : vector<16xf32> to vector<1x16xf32>
        tpu.vector_store %arg9[%swap3A_110, %swap3A_111], %swap3A_114 {strides = array<i32>} : memref<80x128xf32, #tpu.memory_space<vmem>>, vector<1x16xf32>,
        %get3A_115 = arith.index_cast %scan3A_48 : i32 to index
        %get3A_116 = arith.constant 64 : index
        %get3A_117 = tpu.vector_load %arg9[%get3A_115, %get3A_116] {strides = array<i32>} : memref<80x128xf32, #tpu.memory_space<vmem>>, vector<1x16xf32>,
        %get3A_118 = vector.shape_cast %get3A_117 : vector<1x16xf32> to vector<16xf32>
        %get3A_119 = arith.index_cast %scan3A_48 : i32 to index
        %get3A_120 = arith.constant 64 : index
        %get3A_121 = tpu.vector_load %arg10[%get3A_119, %get3A_120] {strides = array<i32>} : memref<80x128xf32, #tpu.memory_space<vmem>>, vector<1x16xf32>,
        %get3A_122 = vector.shape_cast %get3A_121 : vector<1x16xf32> to vector<16xf32>
        %add3A_123 = arith.addf %get3A_118, %get3A_122 : vector<16xf32>
        %max3A_124 = arith.constant 0.000000e+00 : f32
        %max3A_125 = vector.broadcast %max3A_124 : f32 to vector<16xf32>
        %max3A_126 = arith.maximumf %add3A_123, %max3A_125 : vector<16xf32>
        %swap3A_127 = arith.index_cast %scan3A_48 : i32 to index
        %swap3A_128 = arith.constant 64 : index
        %swap3A_129 = tpu.vector_load %arg9[%swap3A_127, %swap3A_128] {strides = array<i32>} : memref<80x128xf32, #tpu.memory_space<vmem>>, vector<1x16xf32>,
        %swap3A_130 = vector.shape_cast %swap3A_129 : vector<1x16xf32> to vector<16xf32>
        %swap3A_131 = vector.shape_cast %max3A_126 : vector<16xf32> to vector<1x16xf32>
        tpu.vector_store %arg9[%swap3A_127, %swap3A_128], %swap3A_131 {strides = array<i32>} : memref<80x128xf32, #tpu.memory_space<vmem>>, vector<1x16xf32>,
        %get3A_132 = arith.index_cast %scan3A_48 : i32 to index
        %get3A_133 = arith.constant 80 : index
        %get3A_134 = tpu.vector_load %arg9[%get3A_132, %get3A_133] {strides = array<i32>} : memref<80x128xf32, #tpu.memory_space<vmem>>, vector<1x16xf32>,
        %get3A_135 = vector.shape_cast %get3A_134 : vector<1x16xf32> to vector<16xf32>
        %get3A_136 = arith.index_cast %scan3A_48 : i32 to index
        %get3A_137 = arith.constant 80 : index
        %get3A_138 = tpu.vector_load %arg10[%get3A_136, %get3A_137] {strides = array<i32>} : memref<80x128xf32, #tpu.memory_space<vmem>>, vector<1x16xf32>,
        %get3A_139 = vector.shape_cast %get3A_138 : vector<1x16xf32> to vector<16xf32>
        %add3A_140 = arith.addf %get3A_135, %get3A_139 : vector<16xf32>
        %max3A_141 = arith.constant 0.000000e+00 : f32
        %max3A_142 = vector.broadcast %max3A_141 : f32 to vector<16xf32>
        %max3A_143 = arith.maximumf %add3A_140, %max3A_142 : vector<16xf32>
        %swap3A_144 = arith.index_cast %scan3A_48 : i32 to index
        %swap3A_145 = arith.constant 80 : index
        %swap3A_146 = tpu.vector_load %arg9[%swap3A_144, %swap3A_145] {strides = array<i32>} : memref<80x128xf32, #tpu.memory_space<vmem>>, vector<1x16xf32>,
        %swap3A_147 = vector.shape_cast %swap3A_146 : vector<1x16xf32> to vector<16xf32>
        %swap3A_148 = vector.shape_cast %max3A_143 : vector<16xf32> to vector<1x16xf32>
        tpu.vector_store %arg9[%swap3A_144, %swap3A_145], %swap3A_148 {strides = array<i32>} : memref<80x128xf32, #tpu.memory_space<vmem>>, vector<1x16xf32>,
        %get3A_149 = arith.index_cast %scan3A_48 : i32 to index
        %get3A_150 = arith.constant 96 : index
        %get3A_151 = tpu.vector_load %arg9[%get3A_149, %get3A_150] {strides = array<i32>} : memref<80x128xf32, #tpu.memory_space<vmem>>, vector<1x16xf32>,
        %get3A_152 = vector.shape_cast %get3A_151 : vector<1x16xf32> to vector<16xf32>
        %get3A_153 = arith.index_cast %scan3A_48 : i32 to index
        %get3A_154 = arith.constant 96 : index
        %get3A_155 = tpu.vector_load %arg10[%get3A_153, %get3A_154] {strides = array<i32>} : memref<80x128xf32, #tpu.memory_space<vmem>>, vector<1x16xf32>,
        %get3A_156 = vector.shape_cast %get3A_155 : vector<1x16xf32> to vector<16xf32>
        %add3A_157 = arith.addf %get3A_152, %get3A_156 : vector<16xf32>
        %max3A_158 = arith.constant 0.000000e+00 : f32
        %max3A_159 = vector.broadcast %max3A_158 : f32 to vector<16xf32>
        %max3A_160 = arith.maximumf %add3A_157, %max3A_159 : vector<16xf32>
        %swap3A_161 = arith.index_cast %scan3A_48 : i32 to index
        %swap3A_162 = arith.constant 96 : index
        %swap3A_163 = tpu.vector_load %arg9[%swap3A_161, %swap3A_162] {strides = array<i32>} : memref<80x128xf32, #tpu.memory_space<vmem>>, vector<1x16xf32>,
        %swap3A_164 = vector.shape_cast %swap3A_163 : vector<1x16xf32> to vector<16xf32>
        %swap3A_165 = vector.shape_cast %max3A_160 : vector<16xf32> to vector<1x16xf32>
        tpu.vector_store %arg9[%swap3A_161, %swap3A_162], %swap3A_165 {strides = array<i32>} : memref<80x128xf32, #tpu.memory_space<vmem>>, vector<1x16xf32>,
        %get3A_166 = arith.index_cast %scan3A_48 : i32 to index
        %get3A_167 = arith.constant 112 : index
        %get3A_168 = tpu.vector_load %arg9[%get3A_166, %get3A_167] {strides = array<i32>} : memref<80x128xf32, #tpu.memory_space<vmem>>, vector<1x16xf32>,
        %get3A_169 = vector.shape_cast %get3A_168 : vector<1x16xf32> to vector<16xf32>
        %get3A_170 = arith.index_cast %scan3A_48 : i32 to index
        %get3A_171 = arith.constant 112 : index
        %get3A_172 = tpu.vector_load %arg10[%get3A_170, %get3A_171] {strides = array<i32>} : memref<80x128xf32, #tpu.memory_space<vmem>>, vector<1x16xf32>,
        %get3A_173 = vector.shape_cast %get3A_172 : vector<1x16xf32> to vector<16xf32>
        %add3A_174 = arith.addf %get3A_169, %get3A_173 : vector<16xf32>
        %max3A_175 = arith.constant 0.000000e+00 : f32
        %max3A_176 = vector.broadcast %max3A_175 : f32 to vector<16xf32>
        %max3A_177 = arith.maximumf %add3A_174, %max3A_176 : vector<16xf32>
        %swap3A_178 = arith.index_cast %scan3A_48 : i32 to index
        %swap3A_179 = arith.constant 112 : index
        %swap3A_180 = tpu.vector_load %arg9[%swap3A_178, %swap3A_179] {strides = array<i32>} : memref<80x128xf32, #tpu.memory_space<vmem>>, vector<1x16xf32>,
        %swap3A_181 = vector.shape_cast %swap3A_180 : vector<1x16xf32> to vector<16xf32>
        %swap3A_182 = vector.shape_cast %max3A_177 : vector<16xf32> to vector<1x16xf32>
        tpu.vector_store %arg9[%swap3A_178, %swap3A_179], %swap3A_182 {strides = array<i32>} : memref<80x128xf32, #tpu.memory_space<vmem>>, vector<1x16xf32>,
        %scan3A_183 = arith.constant 0 : i32
        scf.yield %scan3A_183 : i32
      }
      %scan3A_46 = arith.constant 80 : i32
      "tpu.region"() ({
        %run_scoped3A = tpu.sem_alloc : memref<!tpu.dma_semaphore, #tpu.memory_space<semaphore_mem>>
        %dma_start3A_48 = arith.constant 0 : i32
        %dma_start3A_49 = arith.constant 0 : i32
        %dma_start3A_50 = tpu.memref_slice %arg13[%dma_start3A_48, %dma_start3A_49] : memref<10112x128xf32, #tpu.memory_space<vmem_shared>> -> memref<10112x128xf32, #tpu.memory_space<vmem_shared>>
        tpu.enqueue_indirect_dma source(%arg9 : memref<80x128xf32, #tpu.memory_space<vmem>>) target(%dma_start3A_50 : memref<10112x128xf32, #tpu.memory_space<vmem_shared>>) offsets(%arg8 : memref<80xi32, #tpu.memory_space<vmem>>) semaphore(%run_scoped3A : memref<!tpu.dma_semaphore, #tpu.memory_space<semaphore_mem>>) {add = true}
        %dma_wait3A_51 = arith.constant 0 : i32
        %dma_wait3A_52 = arith.constant 0 : i32
        %dma_wait3A_53 = tpu.memref_slice %arg13[%dma_wait3A_51, %dma_wait3A_52] : memref<10112x128xf32, #tpu.memory_space<vmem_shared>> -> memref<10112x128xf32, #tpu.memory_space<vmem_shared>>
        tpu.wait_indirect_dma semaphore(%run_scoped3A : memref<!tpu.dma_semaphore, #tpu.memory_space<semaphore_mem>>) src(%arg9 : memref<80x128xf32, #tpu.memory_space<vmem>>) dst(%dma_wait3A_53 : memref<10112x128xf32, #tpu.memory_space<vmem_shared>>)
        tpu.yield
      }) : () -> ()
      %scan3A_47 = arith.constant 0 : i32
      scf.yield %scan3A_47 : i32
    }
    %scan3A_20 = arith.constant 125 : i32
    %barrier3A_21 = arith.constant 0 : index
    tpu.barrier barrier_id(%barrier3A_21)
    %mul3A_22 = arith.constant 632 : i32
    %mul3A_23 = arith.muli %arg1, %mul3A_22 : i32
    %mul3A_24 = arith.constant 10112 : i32
    %mul3A_25 = arith.muli %arg0, %mul3A_24 : i32
    %mul3A_26 = arith.constant 632 : i32
    %mul3A_27 = arith.muli %arg1, %mul3A_26 : i32
    %add3A_28 = arith.addi %mul3A_25, %mul3A_27 : i32
    "tpu.region"() ({
      %run_scoped3A = tpu.sem_alloc : memref<!tpu.dma_semaphore, #tpu.memory_space<semaphore_mem>>
      %dma_start3A = arith.constant 0 : i32
      %dma_start3A_29 = tpu.memref_slice %arg6[%add3A_28, %dma_start3A] : memref<20224x128xf32, #tpu.memory_space<hbm>> -> memref<632x128xf32, #tpu.memory_space<hbm>>
      %dma_start3A_30 = arith.constant 0 : i32
      %dma_start3A_31 = tpu.memref_slice %arg13[%mul3A_23, %dma_start3A_30] : memref<10112x128xf32, #tpu.memory_space<vmem_shared>> -> memref<632x128xf32, #tpu.memory_space<vmem_shared>>
      tpu.enqueue_dma source(%dma_start3A_31 : memref<632x128xf32, #tpu.memory_space<vmem_shared>>) target(%dma_start3A_29 : memref<632x128xf32, #tpu.memory_space<hbm>>) target_semaphore(%run_scoped3A : memref<!tpu.dma_semaphore, #tpu.memory_space<semaphore_mem>>)
      %dma_wait3A = arith.constant 0 : i32
      %dma_wait3A_32 = tpu.memref_slice %arg6[%add3A_28, %dma_wait3A] : memref<20224x128xf32, #tpu.memory_space<hbm>> -> memref<632x128xf32, #tpu.memory_space<hbm>>
      %dma_wait3A_33 = arith.constant 0 : i32
      %dma_wait3A_34 = tpu.memref_slice %arg13[%mul3A_23, %dma_wait3A_33] : memref<10112x128xf32, #tpu.memory_space<vmem_shared>> -> memref<632x128xf32, #tpu.memory_space<vmem_shared>>
      tpu.wait_dma2 semaphore(%run_scoped3A : memref<!tpu.dma_semaphore, #tpu.memory_space<semaphore_mem>>) src(%dma_wait3A_34 : memref<632x128xf32, #tpu.memory_space<vmem_shared>>) dst(%dma_wait3A_32 : memref<632x128xf32, #tpu.memory_space<hbm>>)
      tpu.yield
    }) : () -> ()
    return
  }
}

#map = affine_map<(d0, d1) -> (0)>
#map1 = affine_map<(d0, d1) -> (0, 0)>
module attributes {stable_mosaic.version = 14 : i64} {
  func.func @deg_kernel(%arg0: i32, %arg1: i32, %arg2: memref<320000xi32, #tpu.memory_space<hbm>>, %arg3: memref<20224x128xf32, #tpu.memory_space<hbm>>, %arg4: memref<80xi32, #tpu.memory_space<vmem>>, %arg5: memref<80x128xf32, #tpu.memory_space<vmem>>, %arg6: memref<8x128xf32, #tpu.memory_space<vmem>>, %arg7: memref<10112x128xf32, #tpu.memory_space<vmem_shared>>) attributes {dimension_semantics = [#tpu.dimension_semantics<core_parallel>, #tpu.dimension_semantics<subcore_parallel>], iteration_bounds = array<i64: 2, 16>, scalar_prefetch = 0 : i64, scratch_operands = 4 : i64, tpu.core_type = #tpu.core_type<sc_vector_subcore>, window_params = [{transform_indices = #map}, {transform_indices = #map1}]} {
    %mul3A = arith.constant 16 : i32
    %mul3A_0 = arith.muli %arg0, %mul3A : i32
    %add3A = arith.addi %mul3A_0, %arg1 : i32
    %scan3A = arith.constant 0 : i32
    %scan3A_1 = arith.constant 0 : i32
    %scan3A_2 = arith.constant 80 : i32
    %scan3A_3 = arith.addi %scan3A_1, %scan3A_2 : i32
    %scan3A_4 = arith.constant 1 : i32
    %scan3A_5 = scf.for %scan3A_36 = %scan3A_1 to %scan3A_3 step %scan3A_4 iter_args(%scan3A_37 = %scan3A) -> (i32)  : i32 {
      %broadcast_in_dim3A = arith.constant 1.000000e+00 : f32
      %broadcast_in_dim3A_38 = vector.broadcast %broadcast_in_dim3A : f32 to vector<16xf32>
      %swap3A = arith.index_cast %scan3A_36 : i32 to index
      %swap3A_39 = arith.constant 0 : index
      %swap3A_40 = tpu.vector_load %arg5[%swap3A, %swap3A_39] {strides = array<i32>} : memref<80x128xf32, #tpu.memory_space<vmem>>, vector<1x16xf32>,
      %swap3A_41 = vector.shape_cast %swap3A_40 : vector<1x16xf32> to vector<16xf32>
      %swap3A_42 = vector.shape_cast %broadcast_in_dim3A_38 : vector<16xf32> to vector<1x16xf32>
      tpu.vector_store %arg5[%swap3A, %swap3A_39], %swap3A_42 {strides = array<i32>} : memref<80x128xf32, #tpu.memory_space<vmem>>, vector<1x16xf32>,
      %broadcast_in_dim3A_43 = arith.constant 1.000000e+00 : f32
      %broadcast_in_dim3A_44 = vector.broadcast %broadcast_in_dim3A_43 : f32 to vector<16xf32>
      %swap3A_45 = arith.index_cast %scan3A_36 : i32 to index
      %swap3A_46 = arith.constant 16 : index
      %swap3A_47 = tpu.vector_load %arg5[%swap3A_45, %swap3A_46] {strides = array<i32>} : memref<80x128xf32, #tpu.memory_space<vmem>>, vector<1x16xf32>,
      %swap3A_48 = vector.shape_cast %swap3A_47 : vector<1x16xf32> to vector<16xf32>
      %swap3A_49 = vector.shape_cast %broadcast_in_dim3A_44 : vector<16xf32> to vector<1x16xf32>
      tpu.vector_store %arg5[%swap3A_45, %swap3A_46], %swap3A_49 {strides = array<i32>} : memref<80x128xf32, #tpu.memory_space<vmem>>, vector<1x16xf32>,
      %broadcast_in_dim3A_50 = arith.constant 1.000000e+00 : f32
      %broadcast_in_dim3A_51 = vector.broadcast %broadcast_in_dim3A_50 : f32 to vector<16xf32>
      %swap3A_52 = arith.index_cast %scan3A_36 : i32 to index
      %swap3A_53 = arith.constant 32 : index
      %swap3A_54 = tpu.vector_load %arg5[%swap3A_52, %swap3A_53] {strides = array<i32>} : memref<80x128xf32, #tpu.memory_space<vmem>>, vector<1x16xf32>,
      %swap3A_55 = vector.shape_cast %swap3A_54 : vector<1x16xf32> to vector<16xf32>
      %swap3A_56 = vector.shape_cast %broadcast_in_dim3A_51 : vector<16xf32> to vector<1x16xf32>
      tpu.vector_store %arg5[%swap3A_52, %swap3A_53], %swap3A_56 {strides = array<i32>} : memref<80x128xf32, #tpu.memory_space<vmem>>, vector<1x16xf32>,
      %broadcast_in_dim3A_57 = arith.constant 1.000000e+00 : f32
      %broadcast_in_dim3A_58 = vector.broadcast %broadcast_in_dim3A_57 : f32 to vector<16xf32>
      %swap3A_59 = arith.index_cast %scan3A_36 : i32 to index
      %swap3A_60 = arith.constant 48 : index
      %swap3A_61 = tpu.vector_load %arg5[%swap3A_59, %swap3A_60] {strides = array<i32>} : memref<80x128xf32, #tpu.memory_space<vmem>>, vector<1x16xf32>,
      %swap3A_62 = vector.shape_cast %swap3A_61 : vector<1x16xf32> to vector<16xf32>
      %swap3A_63 = vector.shape_cast %broadcast_in_dim3A_58 : vector<16xf32> to vector<1x16xf32>
      tpu.vector_store %arg5[%swap3A_59, %swap3A_60], %swap3A_63 {strides = array<i32>} : memref<80x128xf32, #tpu.memory_space<vmem>>, vector<1x16xf32>,
      %broadcast_in_dim3A_64 = arith.constant 1.000000e+00 : f32
      %broadcast_in_dim3A_65 = vector.broadcast %broadcast_in_dim3A_64 : f32 to vector<16xf32>
      %swap3A_66 = arith.index_cast %scan3A_36 : i32 to index
      %swap3A_67 = arith.constant 64 : index
      %swap3A_68 = tpu.vector_load %arg5[%swap3A_66, %swap3A_67] {strides = array<i32>} : memref<80x128xf32, #tpu.memory_space<vmem>>, vector<1x16xf32>,
      %swap3A_69 = vector.shape_cast %swap3A_68 : vector<1x16xf32> to vector<16xf32>
      %swap3A_70 = vector.shape_cast %broadcast_in_dim3A_65 : vector<16xf32> to vector<1x16xf32>
      tpu.vector_store %arg5[%swap3A_66, %swap3A_67], %swap3A_70 {strides = array<i32>} : memref<80x128xf32, #tpu.memory_space<vmem>>, vector<1x16xf32>,
      %broadcast_in_dim3A_71 = arith.constant 1.000000e+00 : f32
      %broadcast_in_dim3A_72 = vector.broadcast %broadcast_in_dim3A_71 : f32 to vector<16xf32>
      %swap3A_73 = arith.index_cast %scan3A_36 : i32 to index
      %swap3A_74 = arith.constant 80 : index
      %swap3A_75 = tpu.vector_load %arg5[%swap3A_73, %swap3A_74] {strides = array<i32>} : memref<80x128xf32, #tpu.memory_space<vmem>>, vector<1x16xf32>,
      %swap3A_76 = vector.shape_cast %swap3A_75 : vector<1x16xf32> to vector<16xf32>
      %swap3A_77 = vector.shape_cast %broadcast_in_dim3A_72 : vector<16xf32> to vector<1x16xf32>
      tpu.vector_store %arg5[%swap3A_73, %swap3A_74], %swap3A_77 {strides = array<i32>} : memref<80x128xf32, #tpu.memory_space<vmem>>, vector<1x16xf32>,
      %broadcast_in_dim3A_78 = arith.constant 1.000000e+00 : f32
      %broadcast_in_dim3A_79 = vector.broadcast %broadcast_in_dim3A_78 : f32 to vector<16xf32>
      %swap3A_80 = arith.index_cast %scan3A_36 : i32 to index
      %swap3A_81 = arith.constant 96 : index
      %swap3A_82 = tpu.vector_load %arg5[%swap3A_80, %swap3A_81] {strides = array<i32>} : memref<80x128xf32, #tpu.memory_space<vmem>>, vector<1x16xf32>,
      %swap3A_83 = vector.shape_cast %swap3A_82 : vector<1x16xf32> to vector<16xf32>
      %swap3A_84 = vector.shape_cast %broadcast_in_dim3A_79 : vector<16xf32> to vector<1x16xf32>
      tpu.vector_store %arg5[%swap3A_80, %swap3A_81], %swap3A_84 {strides = array<i32>} : memref<80x128xf32, #tpu.memory_space<vmem>>, vector<1x16xf32>,
      %broadcast_in_dim3A_85 = arith.constant 1.000000e+00 : f32
      %broadcast_in_dim3A_86 = vector.broadcast %broadcast_in_dim3A_85 : f32 to vector<16xf32>
      %swap3A_87 = arith.index_cast %scan3A_36 : i32 to index
      %swap3A_88 = arith.constant 112 : index
      %swap3A_89 = tpu.vector_load %arg5[%swap3A_87, %swap3A_88] {strides = array<i32>} : memref<80x128xf32, #tpu.memory_space<vmem>>, vector<1x16xf32>,
      %swap3A_90 = vector.shape_cast %swap3A_89 : vector<1x16xf32> to vector<16xf32>
      %swap3A_91 = vector.shape_cast %broadcast_in_dim3A_86 : vector<16xf32> to vector<1x16xf32>
      tpu.vector_store %arg5[%swap3A_87, %swap3A_88], %swap3A_91 {strides = array<i32>} : memref<80x128xf32, #tpu.memory_space<vmem>>, vector<1x16xf32>,
      %scan3A_92 = arith.constant 0 : i32
      scf.yield %scan3A_92 : i32
    }
    %scan3A_6 = arith.constant 80 : i32
    %scan3A_7 = arith.constant 0 : i32
    %scan3A_8 = arith.constant 0 : i32
    %scan3A_9 = arith.constant 8 : i32
    %scan3A_10 = arith.addi %scan3A_8, %scan3A_9 : i32
    %scan3A_11 = arith.constant 1 : i32
    %scan3A_12 = scf.for %scan3A_36 = %scan3A_8 to %scan3A_10 step %scan3A_11 iter_args(%scan3A_37 = %scan3A_7) -> (i32)  : i32 {
      %broadcast_in_dim3A = arith.constant 0.000000e+00 : f32
      %broadcast_in_dim3A_38 = vector.broadcast %broadcast_in_dim3A : f32 to vector<16xf32>
      %swap3A = arith.index_cast %scan3A_36 : i32 to index
      %swap3A_39 = arith.constant 0 : index
      %swap3A_40 = tpu.vector_load %arg6[%swap3A, %swap3A_39] {strides = array<i32>} : memref<8x128xf32, #tpu.memory_space<vmem>>, vector<1x16xf32>,
      %swap3A_41 = vector.shape_cast %swap3A_40 : vector<1x16xf32> to vector<16xf32>
      %swap3A_42 = vector.shape_cast %broadcast_in_dim3A_38 : vector<16xf32> to vector<1x16xf32>
      tpu.vector_store %arg6[%swap3A, %swap3A_39], %swap3A_42 {strides = array<i32>} : memref<8x128xf32, #tpu.memory_space<vmem>>, vector<1x16xf32>,
      %broadcast_in_dim3A_43 = arith.constant 0.000000e+00 : f32
      %broadcast_in_dim3A_44 = vector.broadcast %broadcast_in_dim3A_43 : f32 to vector<16xf32>
      %swap3A_45 = arith.index_cast %scan3A_36 : i32 to index
      %swap3A_46 = arith.constant 16 : index
      %swap3A_47 = tpu.vector_load %arg6[%swap3A_45, %swap3A_46] {strides = array<i32>} : memref<8x128xf32, #tpu.memory_space<vmem>>, vector<1x16xf32>,
      %swap3A_48 = vector.shape_cast %swap3A_47 : vector<1x16xf32> to vector<16xf32>
      %swap3A_49 = vector.shape_cast %broadcast_in_dim3A_44 : vector<16xf32> to vector<1x16xf32>
      tpu.vector_store %arg6[%swap3A_45, %swap3A_46], %swap3A_49 {strides = array<i32>} : memref<8x128xf32, #tpu.memory_space<vmem>>, vector<1x16xf32>,
      %broadcast_in_dim3A_50 = arith.constant 0.000000e+00 : f32
      %broadcast_in_dim3A_51 = vector.broadcast %broadcast_in_dim3A_50 : f32 to vector<16xf32>
      %swap3A_52 = arith.index_cast %scan3A_36 : i32 to index
      %swap3A_53 = arith.constant 32 : index
      %swap3A_54 = tpu.vector_load %arg6[%swap3A_52, %swap3A_53] {strides = array<i32>} : memref<8x128xf32, #tpu.memory_space<vmem>>, vector<1x16xf32>,
      %swap3A_55 = vector.shape_cast %swap3A_54 : vector<1x16xf32> to vector<16xf32>
      %swap3A_56 = vector.shape_cast %broadcast_in_dim3A_51 : vector<16xf32> to vector<1x16xf32>
      tpu.vector_store %arg6[%swap3A_52, %swap3A_53], %swap3A_56 {strides = array<i32>} : memref<8x128xf32, #tpu.memory_space<vmem>>, vector<1x16xf32>,
      %broadcast_in_dim3A_57 = arith.constant 0.000000e+00 : f32
      %broadcast_in_dim3A_58 = vector.broadcast %broadcast_in_dim3A_57 : f32 to vector<16xf32>
      %swap3A_59 = arith.index_cast %scan3A_36 : i32 to index
      %swap3A_60 = arith.constant 48 : index
      %swap3A_61 = tpu.vector_load %arg6[%swap3A_59, %swap3A_60] {strides = array<i32>} : memref<8x128xf32, #tpu.memory_space<vmem>>, vector<1x16xf32>,
      %swap3A_62 = vector.shape_cast %swap3A_61 : vector<1x16xf32> to vector<16xf32>
      %swap3A_63 = vector.shape_cast %broadcast_in_dim3A_58 : vector<16xf32> to vector<1x16xf32>
      tpu.vector_store %arg6[%swap3A_59, %swap3A_60], %swap3A_63 {strides = array<i32>} : memref<8x128xf32, #tpu.memory_space<vmem>>, vector<1x16xf32>,
      %broadcast_in_dim3A_64 = arith.constant 0.000000e+00 : f32
      %broadcast_in_dim3A_65 = vector.broadcast %broadcast_in_dim3A_64 : f32 to vector<16xf32>
      %swap3A_66 = arith.index_cast %scan3A_36 : i32 to index
      %swap3A_67 = arith.constant 64 : index
      %swap3A_68 = tpu.vector_load %arg6[%swap3A_66, %swap3A_67] {strides = array<i32>} : memref<8x128xf32, #tpu.memory_space<vmem>>, vector<1x16xf32>,
      %swap3A_69 = vector.shape_cast %swap3A_68 : vector<1x16xf32> to vector<16xf32>
      %swap3A_70 = vector.shape_cast %broadcast_in_dim3A_65 : vector<16xf32> to vector<1x16xf32>
      tpu.vector_store %arg6[%swap3A_66, %swap3A_67], %swap3A_70 {strides = array<i32>} : memref<8x128xf32, #tpu.memory_space<vmem>>, vector<1x16xf32>,
      %broadcast_in_dim3A_71 = arith.constant 0.000000e+00 : f32
      %broadcast_in_dim3A_72 = vector.broadcast %broadcast_in_dim3A_71 : f32 to vector<16xf32>
      %swap3A_73 = arith.index_cast %scan3A_36 : i32 to index
      %swap3A_74 = arith.constant 80 : index
      %swap3A_75 = tpu.vector_load %arg6[%swap3A_73, %swap3A_74] {strides = array<i32>} : memref<8x128xf32, #tpu.memory_space<vmem>>, vector<1x16xf32>,
      %swap3A_76 = vector.shape_cast %swap3A_75 : vector<1x16xf32> to vector<16xf32>
      %swap3A_77 = vector.shape_cast %broadcast_in_dim3A_72 : vector<16xf32> to vector<1x16xf32>
      tpu.vector_store %arg6[%swap3A_73, %swap3A_74], %swap3A_77 {strides = array<i32>} : memref<8x128xf32, #tpu.memory_space<vmem>>, vector<1x16xf32>,
      %broadcast_in_dim3A_78 = arith.constant 0.000000e+00 : f32
      %broadcast_in_dim3A_79 = vector.broadcast %broadcast_in_dim3A_78 : f32 to vector<16xf32>
      %swap3A_80 = arith.index_cast %scan3A_36 : i32 to index
      %swap3A_81 = arith.constant 96 : index
      %swap3A_82 = tpu.vector_load %arg6[%swap3A_80, %swap3A_81] {strides = array<i32>} : memref<8x128xf32, #tpu.memory_space<vmem>>, vector<1x16xf32>,
      %swap3A_83 = vector.shape_cast %swap3A_82 : vector<1x16xf32> to vector<16xf32>
      %swap3A_84 = vector.shape_cast %broadcast_in_dim3A_79 : vector<16xf32> to vector<1x16xf32>
      tpu.vector_store %arg6[%swap3A_80, %swap3A_81], %swap3A_84 {strides = array<i32>} : memref<8x128xf32, #tpu.memory_space<vmem>>, vector<1x16xf32>,
      %broadcast_in_dim3A_85 = arith.constant 0.000000e+00 : f32
      %broadcast_in_dim3A_86 = vector.broadcast %broadcast_in_dim3A_85 : f32 to vector<16xf32>
      %swap3A_87 = arith.index_cast %scan3A_36 : i32 to index
      %swap3A_88 = arith.constant 112 : index
      %swap3A_89 = tpu.vector_load %arg6[%swap3A_87, %swap3A_88] {strides = array<i32>} : memref<8x128xf32, #tpu.memory_space<vmem>>, vector<1x16xf32>,
      %swap3A_90 = vector.shape_cast %swap3A_89 : vector<1x16xf32> to vector<16xf32>
      %swap3A_91 = vector.shape_cast %broadcast_in_dim3A_86 : vector<16xf32> to vector<1x16xf32>
      tpu.vector_store %arg6[%swap3A_87, %swap3A_88], %swap3A_91 {strides = array<i32>} : memref<8x128xf32, #tpu.memory_space<vmem>>, vector<1x16xf32>,
      %scan3A_92 = arith.constant 0 : i32
      scf.yield %scan3A_92 : i32
    }
    %scan3A_13 = arith.constant 8 : i32
    %scan3A_14 = arith.constant 0 : i32
    %scan3A_15 = arith.constant 0 : i32
    %scan3A_16 = arith.constant 79 : i32
    %scan3A_17 = arith.addi %scan3A_15, %scan3A_16 : i32
    %scan3A_18 = arith.constant 1 : i32
    %scan3A_19 = scf.for %scan3A_36 = %scan3A_15 to %scan3A_17 step %scan3A_18 iter_args(%scan3A_37 = %scan3A_14) -> (i32)  : i32 {
      %mul3A_38 = arith.constant 632 : i32
      %mul3A_39 = arith.muli %arg1, %mul3A_38 : i32
      %mul3A_40 = arith.constant 8 : i32
      %mul3A_41 = arith.muli %scan3A_36, %mul3A_40 : i32
      %add3A_42 = arith.addi %mul3A_39, %mul3A_41 : i32
      "tpu.region"() ({
        %run_scoped3A = tpu.sem_alloc : memref<!tpu.dma_semaphore, #tpu.memory_space<semaphore_mem>>
        %dma_start3A = arith.constant 0 : i32
        %dma_start3A_44 = tpu.memref_slice %arg7[%add3A_42, %dma_start3A] : memref<10112x128xf32, #tpu.memory_space<vmem_shared>> -> memref<8x128xf32, #tpu.memory_space<vmem_shared>>
        %dma_start3A_45 = arith.constant 0 : i32
        %dma_start3A_46 = tpu.memref_slice %arg7[%add3A_42, %dma_start3A_45] : memref<10112x128xf32, #tpu.memory_space<vmem_shared>> -> memref<8x128xf32, #tpu.memory_space<vmem_shared>>
        tpu.enqueue_dma source(%arg6 : memref<8x128xf32, #tpu.memory_space<vmem>>) target(%dma_start3A_46 : memref<8x128xf32, #tpu.memory_space<vmem_shared>>) target_semaphore(%run_scoped3A : memref<!tpu.dma_semaphore, #tpu.memory_space<semaphore_mem>>)
        %dma_wait3A = arith.constant 0 : i32
        %dma_wait3A_47 = tpu.memref_slice %arg7[%add3A_42, %dma_wait3A] : memref<10112x128xf32, #tpu.memory_space<vmem_shared>> -> memref<8x128xf32, #tpu.memory_space<vmem_shared>>
        %dma_wait3A_48 = arith.constant 0 : i32
        %dma_wait3A_49 = tpu.memref_slice %arg7[%add3A_42, %dma_wait3A_48] : memref<10112x128xf32, #tpu.memory_space<vmem_shared>> -> memref<8x128xf32, #tpu.memory_space<vmem_shared>>
        tpu.wait_dma2 semaphore(%run_scoped3A : memref<!tpu.dma_semaphore, #tpu.memory_space<semaphore_mem>>) src(%arg6 : memref<8x128xf32, #tpu.memory_space<vmem>>) dst(%dma_wait3A_49 : memref<8x128xf32, #tpu.memory_space<vmem_shared>>)
        tpu.yield
      }) : () -> ()
      %scan3A_43 = arith.constant 0 : i32
      scf.yield %scan3A_43 : i32
    }
    %scan3A_20 = arith.constant 79 : i32
    %barrier3A = arith.constant 0 : index
    tpu.barrier barrier_id(%barrier3A)
    %scan3A_21 = arith.constant 0 : i32
    %scan3A_22 = arith.constant 0 : i32
    %scan3A_23 = arith.constant 125 : i32
    %scan3A_24 = arith.addi %scan3A_22, %scan3A_23 : i32
    %scan3A_25 = arith.constant 1 : i32
    %scan3A_26 = scf.for %scan3A_36 = %scan3A_22 to %scan3A_24 step %scan3A_25 iter_args(%scan3A_37 = %scan3A_21) -> (i32)  : i32 {
      %mul3A_38 = arith.constant 10000 : i32
      %mul3A_39 = arith.muli %add3A, %mul3A_38 : i32
      %mul3A_40 = arith.constant 80 : i32
      %mul3A_41 = arith.muli %scan3A_36, %mul3A_40 : i32
      %add3A_42 = arith.addi %mul3A_39, %mul3A_41 : i32
      "tpu.region"() ({
        %run_scoped3A = tpu.sem_alloc : memref<!tpu.dma_semaphore, #tpu.memory_space<semaphore_mem>>
        %dma_start3A = tpu.memref_slice %arg2[%add3A_42] : memref<320000xi32, #tpu.memory_space<hbm>> -> memref<80xi32, #tpu.memory_space<hbm>>
        %dma_start3A_44 = tpu.memref_slice %arg2[%add3A_42] : memref<320000xi32, #tpu.memory_space<hbm>> -> memref<80xi32, #tpu.memory_space<hbm>>
        tpu.enqueue_dma source(%dma_start3A_44 : memref<80xi32, #tpu.memory_space<hbm>>) target(%arg4 : memref<80xi32, #tpu.memory_space<vmem>>) target_semaphore(%run_scoped3A : memref<!tpu.dma_semaphore, #tpu.memory_space<semaphore_mem>>)
        %dma_wait3A = tpu.memref_slice %arg2[%add3A_42] : memref<320000xi32, #tpu.memory_space<hbm>> -> memref<80xi32, #tpu.memory_space<hbm>>
        %dma_wait3A_45 = tpu.memref_slice %arg2[%add3A_42] : memref<320000xi32, #tpu.memory_space<hbm>> -> memref<80xi32, #tpu.memory_space<hbm>>
        tpu.wait_dma2 semaphore(%run_scoped3A : memref<!tpu.dma_semaphore, #tpu.memory_space<semaphore_mem>>) src(%dma_wait3A_45 : memref<80xi32, #tpu.memory_space<hbm>>) dst(%arg4 : memref<80xi32, #tpu.memory_space<vmem>>)
        tpu.yield
      }) : () -> ()
      "tpu.region"() ({
        %run_scoped3A = tpu.sem_alloc : memref<!tpu.dma_semaphore, #tpu.memory_space<semaphore_mem>>
        %dma_start3A = arith.constant 0 : i32
        %dma_start3A_44 = arith.constant 0 : i32
        %dma_start3A_45 = tpu.memref_slice %arg7[%dma_start3A, %dma_start3A_44] : memref<10112x128xf32, #tpu.memory_space<vmem_shared>> -> memref<10112x128xf32, #tpu.memory_space<vmem_shared>>
        tpu.enqueue_indirect_dma source(%arg5 : memref<80x128xf32, #tpu.memory_space<vmem>>) target(%dma_start3A_45 : memref<10112x128xf32, #tpu.memory_space<vmem_shared>>) offsets(%arg4 : memref<80xi32, #tpu.memory_space<vmem>>) semaphore(%run_scoped3A : memref<!tpu.dma_semaphore, #tpu.memory_space<semaphore_mem>>) {add = true}
        %dma_wait3A = arith.constant 0 : i32
        %dma_wait3A_46 = arith.constant 0 : i32
        %dma_wait3A_47 = tpu.memref_slice %arg7[%dma_wait3A, %dma_wait3A_46] : memref<10112x128xf32, #tpu.memory_space<vmem_shared>> -> memref<10112x128xf32, #tpu.memory_space<vmem_shared>>
        tpu.wait_indirect_dma semaphore(%run_scoped3A : memref<!tpu.dma_semaphore, #tpu.memory_space<semaphore_mem>>) src(%arg5 : memref<80x128xf32, #tpu.memory_space<vmem>>) dst(%dma_wait3A_47 : memref<10112x128xf32, #tpu.memory_space<vmem_shared>>)
        tpu.yield
      }) : () -> ()
      %scan3A_43 = arith.constant 0 : i32
      scf.yield %scan3A_43 : i32
    }
    %scan3A_27 = arith.constant 125 : i32
    %barrier3A_28 = arith.constant 0 : index
    tpu.barrier barrier_id(%barrier3A_28)
    %mul3A_29 = arith.constant 632 : i32
    %mul3A_30 = arith.muli %arg1, %mul3A_29 : i32
    %mul3A_31 = arith.constant 10112 : i32
    %mul3A_32 = arith.muli %arg0, %mul3A_31 : i32
    %mul3A_33 = arith.constant 632 : i32
    %mul3A_34 = arith.muli %arg1, %mul3A_33 : i32
    %add3A_35 = arith.addi %mul3A_32, %mul3A_34 : i32
    "tpu.region"() ({
      %run_scoped3A = tpu.sem_alloc : memref<!tpu.dma_semaphore, #tpu.memory_space<semaphore_mem>>
      %dma_start3A = arith.constant 0 : i32
      %dma_start3A_36 = tpu.memref_slice %arg3[%add3A_35, %dma_start3A] : memref<20224x128xf32, #tpu.memory_space<hbm>> -> memref<632x128xf32, #tpu.memory_space<hbm>>
      %dma_start3A_37 = arith.constant 0 : i32
      %dma_start3A_38 = tpu.memref_slice %arg7[%mul3A_30, %dma_start3A_37] : memref<10112x128xf32, #tpu.memory_space<vmem_shared>> -> memref<632x128xf32, #tpu.memory_space<vmem_shared>>
      tpu.enqueue_dma source(%dma_start3A_38 : memref<632x128xf32, #tpu.memory_space<vmem_shared>>) target(%dma_start3A_36 : memref<632x128xf32, #tpu.memory_space<hbm>>) target_semaphore(%run_scoped3A : memref<!tpu.dma_semaphore, #tpu.memory_space<semaphore_mem>>)
      %dma_wait3A = arith.constant 0 : i32
      %dma_wait3A_39 = tpu.memref_slice %arg3[%add3A_35, %dma_wait3A] : memref<20224x128xf32, #tpu.memory_space<hbm>> -> memref<632x128xf32, #tpu.memory_space<hbm>>
      %dma_wait3A_40 = arith.constant 0 : i32
      %dma_wait3A_41 = tpu.memref_slice %arg7[%mul3A_30, %dma_wait3A_40] : memref<10112x128xf32, #tpu.memory_space<vmem_shared>> -> memref<632x128xf32, #tpu.memory_space<vmem_shared>>
      tpu.wait_dma2 semaphore(%run_scoped3A : memref<!tpu.dma_semaphore, #tpu.memory_space<semaphore_mem>>) src(%dma_wait3A_41 : memref<632x128xf32, #tpu.memory_space<vmem_shared>>) dst(%dma_wait3A_39 : memref<632x128xf32, #tpu.memory_space<hbm>>)
      tpu.yield
    }) : () -> ()
    return
  }
}

#map = affine_map<(d0, d1) -> (0)>
#map1 = affine_map<(d0, d1) -> (0, 0)>
module attributes {stable_mosaic.version = 14 : i64} {
  func.func @body(%arg0: i32, %arg1: i32, %arg2: memref<320000xi32, #tpu.memory_space<hbm>>, %arg3: memref<320000xi32, #tpu.memory_space<hbm>>, %arg4: memref<320000x128xf32, #tpu.memory_space<hbm>>, %arg5: memref<10000x128xf32, #tpu.memory_space<hbm>>, %arg6: memref<10000x128xf32, #tpu.memory_space<hbm>>, %arg7: memref<20224x128xf32, #tpu.memory_space<hbm>>, %arg8: memref<80xi32, #tpu.memory_space<vmem>>, %arg9: memref<80xi32, #tpu.memory_space<vmem>>, %arg10: memref<80x128xf32, #tpu.memory_space<vmem>>, %arg11: memref<80x128xf32, #tpu.memory_space<vmem>>, %arg12: memref<8x128xf32, #tpu.memory_space<vmem>>, %arg13: memref<!tpu.dma_semaphore, #tpu.memory_space<semaphore_mem>>, %arg14: memref<10112x128xf32, #tpu.memory_space<vmem_shared>>, %arg15: memref<80x128xf32, #tpu.memory_space<vmem>>) attributes {dimension_semantics = [#tpu.dimension_semantics<core_parallel>, #tpu.dimension_semantics<subcore_parallel>], iteration_bounds = array<i64: 2, 16>, scalar_prefetch = 0 : i64, scratch_operands = 8 : i64, tpu.core_type = #tpu.core_type<sc_vector_subcore>, window_params = [{transform_indices = #map}, {transform_indices = #map}, {transform_indices = #map1}, {transform_indices = #map1}, {transform_indices = #map1}, {transform_indices = #map1}]} {
    %mul3A = arith.constant 16 : i32
    %mul3A_0 = arith.muli %arg0, %mul3A : i32
    %add3A = arith.addi %mul3A_0, %arg1 : i32
    %scan3A = arith.constant 0 : i32
    %scan3A_1 = arith.constant 0 : i32
    %scan3A_2 = arith.constant 8 : i32
    %scan3A_3 = arith.addi %scan3A_1, %scan3A_2 : i32
    %scan3A_4 = arith.constant 1 : i32
    %scan3A_5 = scf.for %scan3A_29 = %scan3A_1 to %scan3A_3 step %scan3A_4 iter_args(%scan3A_30 = %scan3A) -> (i32)  : i32 {
      %broadcast_in_dim3A = arith.constant 0.000000e+00 : f32
      %broadcast_in_dim3A_31 = vector.broadcast %broadcast_in_dim3A : f32 to vector<16xf32>
      %swap3A = arith.index_cast %scan3A_29 : i32 to index
      %swap3A_32 = arith.constant 0 : index
      %swap3A_33 = tpu.vector_load %arg12[%swap3A, %swap3A_32] {strides = array<i32>} : memref<8x128xf32, #tpu.memory_space<vmem>>, vector<1x16xf32>,
      %swap3A_34 = vector.shape_cast %swap3A_33 : vector<1x16xf32> to vector<16xf32>
      %swap3A_35 = vector.shape_cast %broadcast_in_dim3A_31 : vector<16xf32> to vector<1x16xf32>
      tpu.vector_store %arg12[%swap3A, %swap3A_32], %swap3A_35 {strides = array<i32>} : memref<8x128xf32, #tpu.memory_space<vmem>>, vector<1x16xf32>,
      %broadcast_in_dim3A_36 = arith.constant 0.000000e+00 : f32
      %broadcast_in_dim3A_37 = vector.broadcast %broadcast_in_dim3A_36 : f32 to vector<16xf32>
      %swap3A_38 = arith.index_cast %scan3A_29 : i32 to index
      %swap3A_39 = arith.constant 16 : index
      %swap3A_40 = tpu.vector_load %arg12[%swap3A_38, %swap3A_39] {strides = array<i32>} : memref<8x128xf32, #tpu.memory_space<vmem>>, vector<1x16xf32>,
      %swap3A_41 = vector.shape_cast %swap3A_40 : vector<1x16xf32> to vector<16xf32>
      %swap3A_42 = vector.shape_cast %broadcast_in_dim3A_37 : vector<16xf32> to vector<1x16xf32>
      tpu.vector_store %arg12[%swap3A_38, %swap3A_39], %swap3A_42 {strides = array<i32>} : memref<8x128xf32, #tpu.memory_space<vmem>>, vector<1x16xf32>,
      %broadcast_in_dim3A_43 = arith.constant 0.000000e+00 : f32
      %broadcast_in_dim3A_44 = vector.broadcast %broadcast_in_dim3A_43 : f32 to vector<16xf32>
      %swap3A_45 = arith.index_cast %scan3A_29 : i32 to index
      %swap3A_46 = arith.constant 32 : index
      %swap3A_47 = tpu.vector_load %arg12[%swap3A_45, %swap3A_46] {strides = array<i32>} : memref<8x128xf32, #tpu.memory_space<vmem>>, vector<1x16xf32>,
      %swap3A_48 = vector.shape_cast %swap3A_47 : vector<1x16xf32> to vector<16xf32>
      %swap3A_49 = vector.shape_cast %broadcast_in_dim3A_44 : vector<16xf32> to vector<1x16xf32>
      tpu.vector_store %arg12[%swap3A_45, %swap3A_46], %swap3A_49 {strides = array<i32>} : memref<8x128xf32, #tpu.memory_space<vmem>>, vector<1x16xf32>,
      %broadcast_in_dim3A_50 = arith.constant 0.000000e+00 : f32
      %broadcast_in_dim3A_51 = vector.broadcast %broadcast_in_dim3A_50 : f32 to vector<16xf32>
      %swap3A_52 = arith.index_cast %scan3A_29 : i32 to index
      %swap3A_53 = arith.constant 48 : index
      %swap3A_54 = tpu.vector_load %arg12[%swap3A_52, %swap3A_53] {strides = array<i32>} : memref<8x128xf32, #tpu.memory_space<vmem>>, vector<1x16xf32>,
      %swap3A_55 = vector.shape_cast %swap3A_54 : vector<1x16xf32> to vector<16xf32>
      %swap3A_56 = vector.shape_cast %broadcast_in_dim3A_51 : vector<16xf32> to vector<1x16xf32>
      tpu.vector_store %arg12[%swap3A_52, %swap3A_53], %swap3A_56 {strides = array<i32>} : memref<8x128xf32, #tpu.memory_space<vmem>>, vector<1x16xf32>,
      %broadcast_in_dim3A_57 = arith.constant 0.000000e+00 : f32
      %broadcast_in_dim3A_58 = vector.broadcast %broadcast_in_dim3A_57 : f32 to vector<16xf32>
      %swap3A_59 = arith.index_cast %scan3A_29 : i32 to index
      %swap3A_60 = arith.constant 64 : index
      %swap3A_61 = tpu.vector_load %arg12[%swap3A_59, %swap3A_60] {strides = array<i32>} : memref<8x128xf32, #tpu.memory_space<vmem>>, vector<1x16xf32>,
      %swap3A_62 = vector.shape_cast %swap3A_61 : vector<1x16xf32> to vector<16xf32>
      %swap3A_63 = vector.shape_cast %broadcast_in_dim3A_58 : vector<16xf32> to vector<1x16xf32>
      tpu.vector_store %arg12[%swap3A_59, %swap3A_60], %swap3A_63 {strides = array<i32>} : memref<8x128xf32, #tpu.memory_space<vmem>>, vector<1x16xf32>,
      %broadcast_in_dim3A_64 = arith.constant 0.000000e+00 : f32
      %broadcast_in_dim3A_65 = vector.broadcast %broadcast_in_dim3A_64 : f32 to vector<16xf32>
      %swap3A_66 = arith.index_cast %scan3A_29 : i32 to index
      %swap3A_67 = arith.constant 80 : index
      %swap3A_68 = tpu.vector_load %arg12[%swap3A_66, %swap3A_67] {strides = array<i32>} : memref<8x128xf32, #tpu.memory_space<vmem>>, vector<1x16xf32>,
      %swap3A_69 = vector.shape_cast %swap3A_68 : vector<1x16xf32> to vector<16xf32>
      %swap3A_70 = vector.shape_cast %broadcast_in_dim3A_65 : vector<16xf32> to vector<1x16xf32>
      tpu.vector_store %arg12[%swap3A_66, %swap3A_67], %swap3A_70 {strides = array<i32>} : memref<8x128xf32, #tpu.memory_space<vmem>>, vector<1x16xf32>,
      %broadcast_in_dim3A_71 = arith.constant 0.000000e+00 : f32
      %broadcast_in_dim3A_72 = vector.broadcast %broadcast_in_dim3A_71 : f32 to vector<16xf32>
      %swap3A_73 = arith.index_cast %scan3A_29 : i32 to index
      %swap3A_74 = arith.constant 96 : index
      %swap3A_75 = tpu.vector_load %arg12[%swap3A_73, %swap3A_74] {strides = array<i32>} : memref<8x128xf32, #tpu.memory_space<vmem>>, vector<1x16xf32>,
      %swap3A_76 = vector.shape_cast %swap3A_75 : vector<1x16xf32> to vector<16xf32>
      %swap3A_77 = vector.shape_cast %broadcast_in_dim3A_72 : vector<16xf32> to vector<1x16xf32>
      tpu.vector_store %arg12[%swap3A_73, %swap3A_74], %swap3A_77 {strides = array<i32>} : memref<8x128xf32, #tpu.memory_space<vmem>>, vector<1x16xf32>,
      %broadcast_in_dim3A_78 = arith.constant 0.000000e+00 : f32
      %broadcast_in_dim3A_79 = vector.broadcast %broadcast_in_dim3A_78 : f32 to vector<16xf32>
      %swap3A_80 = arith.index_cast %scan3A_29 : i32 to index
      %swap3A_81 = arith.constant 112 : index
      %swap3A_82 = tpu.vector_load %arg12[%swap3A_80, %swap3A_81] {strides = array<i32>} : memref<8x128xf32, #tpu.memory_space<vmem>>, vector<1x16xf32>,
      %swap3A_83 = vector.shape_cast %swap3A_82 : vector<1x16xf32> to vector<16xf32>
      %swap3A_84 = vector.shape_cast %broadcast_in_dim3A_79 : vector<16xf32> to vector<1x16xf32>
      tpu.vector_store %arg12[%swap3A_80, %swap3A_81], %swap3A_84 {strides = array<i32>} : memref<8x128xf32, #tpu.memory_space<vmem>>, vector<1x16xf32>,
      %scan3A_85 = arith.constant 0 : i32
      scf.yield %scan3A_85 : i32
    }
    %scan3A_6 = arith.constant 8 : i32
    %scan3A_7 = arith.constant 0 : i32
    %scan3A_8 = arith.constant 0 : i32
    %scan3A_9 = arith.constant 79 : i32
    %scan3A_10 = arith.addi %scan3A_8, %scan3A_9 : i32
    %scan3A_11 = arith.constant 1 : i32
    %scan3A_12 = scf.for %scan3A_29 = %scan3A_8 to %scan3A_10 step %scan3A_11 iter_args(%scan3A_30 = %scan3A_7) -> (i32)  : i32 {
      %mul3A_31 = arith.constant 632 : i32
      %mul3A_32 = arith.muli %arg1, %mul3A_31 : i32
      %mul3A_33 = arith.constant 8 : i32
      %mul3A_34 = arith.muli %scan3A_29, %mul3A_33 : i32
      %add3A_35 = arith.addi %mul3A_32, %mul3A_34 : i32
      "tpu.region"() ({
        %run_scoped3A = tpu.sem_alloc : memref<!tpu.dma_semaphore, #tpu.memory_space<semaphore_mem>>
        %dma_start3A = arith.constant 0 : i32
        %dma_start3A_37 = tpu.memref_slice %arg14[%add3A_35, %dma_start3A] : memref<10112x128xf32, #tpu.memory_space<vmem_shared>> -> memref<8x128xf32, #tpu.memory_space<vmem_shared>>
        %dma_start3A_38 = arith.constant 0 : i32
        %dma_start3A_39 = tpu.memref_slice %arg14[%add3A_35, %dma_start3A_38] : memref<10112x128xf32, #tpu.memory_space<vmem_shared>> -> memref<8x128xf32, #tpu.memory_space<vmem_shared>>
        tpu.enqueue_dma source(%arg12 : memref<8x128xf32, #tpu.memory_space<vmem>>) target(%dma_start3A_39 : memref<8x128xf32, #tpu.memory_space<vmem_shared>>) target_semaphore(%run_scoped3A : memref<!tpu.dma_semaphore, #tpu.memory_space<semaphore_mem>>)
        %dma_wait3A = arith.constant 0 : i32
        %dma_wait3A_40 = tpu.memref_slice %arg14[%add3A_35, %dma_wait3A] : memref<10112x128xf32, #tpu.memory_space<vmem_shared>> -> memref<8x128xf32, #tpu.memory_space<vmem_shared>>
        %dma_wait3A_41 = arith.constant 0 : i32
        %dma_wait3A_42 = tpu.memref_slice %arg14[%add3A_35, %dma_wait3A_41] : memref<10112x128xf32, #tpu.memory_space<vmem_shared>> -> memref<8x128xf32, #tpu.memory_space<vmem_shared>>
        tpu.wait_dma2 semaphore(%run_scoped3A : memref<!tpu.dma_semaphore, #tpu.memory_space<semaphore_mem>>) src(%arg12 : memref<8x128xf32, #tpu.memory_space<vmem>>) dst(%dma_wait3A_42 : memref<8x128xf32, #tpu.memory_space<vmem_shared>>)
        tpu.yield
      }) : () -> ()
      %scan3A_36 = arith.constant 0 : i32
      scf.yield %scan3A_36 : i32
    }
    %scan3A_13 = arith.constant 79 : i32
    %barrier3A = arith.constant 0 : index
    tpu.barrier barrier_id(%barrier3A)
    %scan3A_14 = arith.constant 0 : i32
    %scan3A_15 = arith.constant 0 : i32
    %scan3A_16 = arith.constant 125 : i32
    %scan3A_17 = arith.addi %scan3A_15, %scan3A_16 : i32
    %scan3A_18 = arith.constant 1 : i32
    %scan3A_19 = scf.for %scan3A_29 = %scan3A_15 to %scan3A_17 step %scan3A_18 iter_args(%scan3A_30 = %scan3A_14) -> (i32)  : i32 {
      %mul3A_31 = arith.constant 10000 : i32
      %mul3A_32 = arith.muli %add3A, %mul3A_31 : i32
      %mul3A_33 = arith.constant 80 : i32
      %mul3A_34 = arith.muli %scan3A_29, %mul3A_33 : i32
      %add3A_35 = arith.addi %mul3A_32, %mul3A_34 : i32
      "tpu.region"() ({
        %run_scoped3A = tpu.sem_alloc : memref<!tpu.dma_semaphore, #tpu.memory_space<semaphore_mem>>
        %dma_start3A_54 = tpu.memref_slice %arg2[%add3A_35] : memref<320000xi32, #tpu.memory_space<hbm>> -> memref<80xi32, #tpu.memory_space<hbm>>
        %dma_start3A_55 = tpu.memref_slice %arg2[%add3A_35] : memref<320000xi32, #tpu.memory_space<hbm>> -> memref<80xi32, #tpu.memory_space<hbm>>
        tpu.enqueue_dma source(%dma_start3A_55 : memref<80xi32, #tpu.memory_space<hbm>>) target(%arg8 : memref<80xi32, #tpu.memory_space<vmem>>) target_semaphore(%run_scoped3A : memref<!tpu.dma_semaphore, #tpu.memory_space<semaphore_mem>>)
        %dma_wait3A_56 = tpu.memref_slice %arg2[%add3A_35] : memref<320000xi32, #tpu.memory_space<hbm>> -> memref<80xi32, #tpu.memory_space<hbm>>
        %dma_wait3A_57 = tpu.memref_slice %arg2[%add3A_35] : memref<320000xi32, #tpu.memory_space<hbm>> -> memref<80xi32, #tpu.memory_space<hbm>>
        tpu.wait_dma2 semaphore(%run_scoped3A : memref<!tpu.dma_semaphore, #tpu.memory_space<semaphore_mem>>) src(%dma_wait3A_57 : memref<80xi32, #tpu.memory_space<hbm>>) dst(%arg8 : memref<80xi32, #tpu.memory_space<vmem>>)
        tpu.yield
      }) : () -> ()
      "tpu.region"() ({
        %run_scoped3A = tpu.sem_alloc : memref<!tpu.dma_semaphore, #tpu.memory_space<semaphore_mem>>
        %dma_start3A_54 = tpu.memref_slice %arg3[%add3A_35] : memref<320000xi32, #tpu.memory_space<hbm>> -> memref<80xi32, #tpu.memory_space<hbm>>
        %dma_start3A_55 = tpu.memref_slice %arg3[%add3A_35] : memref<320000xi32, #tpu.memory_space<hbm>> -> memref<80xi32, #tpu.memory_space<hbm>>
        tpu.enqueue_dma source(%dma_start3A_55 : memref<80xi32, #tpu.memory_space<hbm>>) target(%arg9 : memref<80xi32, #tpu.memory_space<vmem>>) target_semaphore(%run_scoped3A : memref<!tpu.dma_semaphore, #tpu.memory_space<semaphore_mem>>)
        %dma_wait3A_56 = tpu.memref_slice %arg3[%add3A_35] : memref<320000xi32, #tpu.memory_space<hbm>> -> memref<80xi32, #tpu.memory_space<hbm>>
        %dma_wait3A_57 = tpu.memref_slice %arg3[%add3A_35] : memref<320000xi32, #tpu.memory_space<hbm>> -> memref<80xi32, #tpu.memory_space<hbm>>
        tpu.wait_dma2 semaphore(%run_scoped3A : memref<!tpu.dma_semaphore, #tpu.memory_space<semaphore_mem>>) src(%dma_wait3A_57 : memref<80xi32, #tpu.memory_space<hbm>>) dst(%arg9 : memref<80xi32, #tpu.memory_space<vmem>>)
        tpu.yield
      }) : () -> ()
      %dma_start3A = arith.constant 0 : i32
      %dma_start3A_36 = arith.constant 0 : i32
      %dma_start3A_37 = tpu.memref_slice %arg5[%dma_start3A, %dma_start3A_36] : memref<10000x128xf32, #tpu.memory_space<hbm>> -> memref<10000x128xf32, #tpu.memory_space<hbm>>
      tpu.enqueue_indirect_dma source(%dma_start3A_37 : memref<10000x128xf32, #tpu.memory_space<hbm>>) target(%arg10 : memref<80x128xf32, #tpu.memory_space<vmem>>) offsets(%arg8 : memref<80xi32, #tpu.memory_space<vmem>>) semaphore(%arg13 : memref<!tpu.dma_semaphore, #tpu.memory_space<semaphore_mem>>)
      %dma_start3A_38 = arith.constant 0 : i32
      %dma_start3A_39 = arith.constant 0 : i32
      %dma_start3A_40 = tpu.memref_slice %arg6[%dma_start3A_38, %dma_start3A_39] : memref<10000x128xf32, #tpu.memory_space<hbm>> -> memref<10000x128xf32, #tpu.memory_space<hbm>>
      tpu.enqueue_indirect_dma source(%dma_start3A_40 : memref<10000x128xf32, #tpu.memory_space<hbm>>) target(%arg15 : memref<80x128xf32, #tpu.memory_space<vmem>>) offsets(%arg8 : memref<80xi32, #tpu.memory_space<vmem>>) semaphore(%arg13 : memref<!tpu.dma_semaphore, #tpu.memory_space<semaphore_mem>>)
      "tpu.region"() ({
        %run_scoped3A = tpu.sem_alloc : memref<!tpu.dma_semaphore, #tpu.memory_space<semaphore_mem>>
        %dma_start3A_54 = arith.constant 0 : i32
        %dma_start3A_55 = tpu.memref_slice %arg4[%add3A_35, %dma_start3A_54] : memref<320000x128xf32, #tpu.memory_space<hbm>> -> memref<80x128xf32, #tpu.memory_space<hbm>>
        %dma_start3A_56 = arith.constant 0 : i32
        %dma_start3A_57 = tpu.memref_slice %arg4[%add3A_35, %dma_start3A_56] : memref<320000x128xf32, #tpu.memory_space<hbm>> -> memref<80x128xf32, #tpu.memory_space<hbm>>
        tpu.enqueue_dma source(%dma_start3A_57 : memref<80x128xf32, #tpu.memory_space<hbm>>) target(%arg11 : memref<80x128xf32, #tpu.memory_space<vmem>>) target_semaphore(%run_scoped3A : memref<!tpu.dma_semaphore, #tpu.memory_space<semaphore_mem>>)
        %dma_wait3A_58 = arith.constant 0 : i32
        %dma_wait3A_59 = tpu.memref_slice %arg4[%add3A_35, %dma_wait3A_58] : memref<320000x128xf32, #tpu.memory_space<hbm>> -> memref<80x128xf32, #tpu.memory_space<hbm>>
        %dma_wait3A_60 = arith.constant 0 : i32
        %dma_wait3A_61 = tpu.memref_slice %arg4[%add3A_35, %dma_wait3A_60] : memref<320000x128xf32, #tpu.memory_space<hbm>> -> memref<80x128xf32, #tpu.memory_space<hbm>>
        tpu.wait_dma2 semaphore(%run_scoped3A : memref<!tpu.dma_semaphore, #tpu.memory_space<semaphore_mem>>) src(%dma_wait3A_61 : memref<80x128xf32, #tpu.memory_space<hbm>>) dst(%arg11 : memref<80x128xf32, #tpu.memory_space<vmem>>)
        tpu.yield
      }) : () -> ()
      %dma_wait3A = arith.constant 0 : i32
      %dma_wait3A_41 = arith.constant 0 : i32
      %dma_wait3A_42 = tpu.memref_slice %arg5[%dma_wait3A, %dma_wait3A_41] : memref<10000x128xf32, #tpu.memory_space<hbm>> -> memref<10000x128xf32, #tpu.memory_space<hbm>>
      tpu.wait_indirect_dma semaphore(%arg13 : memref<!tpu.dma_semaphore, #tpu.memory_space<semaphore_mem>>) src(%dma_wait3A_42 : memref<10000x128xf32, #tpu.memory_space<hbm>>) dst(%arg10 : memref<80x128xf32, #tpu.memory_space<vmem>>)
      %dma_wait3A_43 = arith.constant 0 : i32
      %dma_wait3A_44 = arith.constant 0 : i32
      %dma_wait3A_45 = tpu.memref_slice %arg6[%dma_wait3A_43, %dma_wait3A_44] : memref<10000x128xf32, #tpu.memory_space<hbm>> -> memref<10000x128xf32, #tpu.memory_space<hbm>>
      tpu.wait_indirect_dma semaphore(%arg13 : memref<!tpu.dma_semaphore, #tpu.memory_space<semaphore_mem>>) src(%dma_wait3A_45 : memref<10000x128xf32, #tpu.memory_space<hbm>>) dst(%arg15 : memref<80x128xf32, #tpu.memory_space<vmem>>)
      %scan3A_46 = arith.constant 0 : i32
      %scan3A_47 = arith.constant 0 : i32
      %scan3A_48 = arith.constant 80 : i32
      %scan3A_49 = arith.addi %scan3A_47, %scan3A_48 : i32
      %scan3A_50 = arith.constant 1 : i32
      %scan3A_51 = scf.for %scan3A_54 = %scan3A_47 to %scan3A_49 step %scan3A_50 iter_args(%scan3A_55 = %scan3A_46) -> (i32)  : i32 {
        %get3A = arith.index_cast %scan3A_54 : i32 to index
        %get3A_56 = arith.constant 0 : index
        %get3A_57 = tpu.vector_load %arg10[%get3A, %get3A_56] {strides = array<i32>} : memref<80x128xf32, #tpu.memory_space<vmem>>, vector<1x16xf32>,
        %get3A_58 = vector.shape_cast %get3A_57 : vector<1x16xf32> to vector<16xf32>
        %get3A_59 = arith.index_cast %scan3A_54 : i32 to index
        %get3A_60 = arith.constant 0 : index
        %get3A_61 = tpu.vector_load %arg11[%get3A_59, %get3A_60] {strides = array<i32>} : memref<80x128xf32, #tpu.memory_space<vmem>>, vector<1x16xf32>,
        %get3A_62 = vector.shape_cast %get3A_61 : vector<1x16xf32> to vector<16xf32>
        %add3A_63 = arith.addf %get3A_58, %get3A_62 : vector<16xf32>
        %max3A = arith.constant 0.000000e+00 : f32
        %max3A_64 = vector.broadcast %max3A : f32 to vector<16xf32>
        %max3A_65 = arith.maximumf %add3A_63, %max3A_64 : vector<16xf32>
        %get3A_66 = arith.index_cast %scan3A_54 : i32 to index
        %get3A_67 = arith.constant 0 : index
        %get3A_68 = tpu.vector_load %arg15[%get3A_66, %get3A_67] {strides = array<i32>} : memref<80x128xf32, #tpu.memory_space<vmem>>, vector<1x16xf32>,
        %get3A_69 = vector.shape_cast %get3A_68 : vector<1x16xf32> to vector<16xf32>
        %mul3A_70 = arith.mulf %max3A_65, %get3A_69 : vector<16xf32>
        %swap3A = arith.index_cast %scan3A_54 : i32 to index
        %swap3A_71 = arith.constant 0 : index
        %swap3A_72 = tpu.vector_load %arg10[%swap3A, %swap3A_71] {strides = array<i32>} : memref<80x128xf32, #tpu.memory_space<vmem>>, vector<1x16xf32>,
        %swap3A_73 = vector.shape_cast %swap3A_72 : vector<1x16xf32> to vector<16xf32>
        %swap3A_74 = vector.shape_cast %mul3A_70 : vector<16xf32> to vector<1x16xf32>
        tpu.vector_store %arg10[%swap3A, %swap3A_71], %swap3A_74 {strides = array<i32>} : memref<80x128xf32, #tpu.memory_space<vmem>>, vector<1x16xf32>,
        %get3A_75 = arith.index_cast %scan3A_54 : i32 to index
        %get3A_76 = arith.constant 16 : index
        %get3A_77 = tpu.vector_load %arg10[%get3A_75, %get3A_76] {strides = array<i32>} : memref<80x128xf32, #tpu.memory_space<vmem>>, vector<1x16xf32>,
        %get3A_78 = vector.shape_cast %get3A_77 : vector<1x16xf32> to vector<16xf32>
        %get3A_79 = arith.index_cast %scan3A_54 : i32 to index
        %get3A_80 = arith.constant 16 : index
        %get3A_81 = tpu.vector_load %arg11[%get3A_79, %get3A_80] {strides = array<i32>} : memref<80x128xf32, #tpu.memory_space<vmem>>, vector<1x16xf32>,
        %get3A_82 = vector.shape_cast %get3A_81 : vector<1x16xf32> to vector<16xf32>
        %add3A_83 = arith.addf %get3A_78, %get3A_82 : vector<16xf32>
        %max3A_84 = arith.constant 0.000000e+00 : f32
        %max3A_85 = vector.broadcast %max3A_84 : f32 to vector<16xf32>
        %max3A_86 = arith.maximumf %add3A_83, %max3A_85 : vector<16xf32>
        %get3A_87 = arith.index_cast %scan3A_54 : i32 to index
        %get3A_88 = arith.constant 16 : index
        %get3A_89 = tpu.vector_load %arg15[%get3A_87, %get3A_88] {strides = array<i32>} : memref<80x128xf32, #tpu.memory_space<vmem>>, vector<1x16xf32>,
        %get3A_90 = vector.shape_cast %get3A_89 : vector<1x16xf32> to vector<16xf32>
        %mul3A_91 = arith.mulf %max3A_86, %get3A_90 : vector<16xf32>
        %swap3A_92 = arith.index_cast %scan3A_54 : i32 to index
        %swap3A_93 = arith.constant 16 : index
        %swap3A_94 = tpu.vector_load %arg10[%swap3A_92, %swap3A_93] {strides = array<i32>} : memref<80x128xf32, #tpu.memory_space<vmem>>, vector<1x16xf32>,
        %swap3A_95 = vector.shape_cast %swap3A_94 : vector<1x16xf32> to vector<16xf32>
        %swap3A_96 = vector.shape_cast %mul3A_91 : vector<16xf32> to vector<1x16xf32>
        tpu.vector_store %arg10[%swap3A_92, %swap3A_93], %swap3A_96 {strides = array<i32>} : memref<80x128xf32, #tpu.memory_space<vmem>>, vector<1x16xf32>,
        %get3A_97 = arith.index_cast %scan3A_54 : i32 to index
        %get3A_98 = arith.constant 32 : index
        %get3A_99 = tpu.vector_load %arg10[%get3A_97, %get3A_98] {strides = array<i32>} : memref<80x128xf32, #tpu.memory_space<vmem>>, vector<1x16xf32>,
        %get3A_100 = vector.shape_cast %get3A_99 : vector<1x16xf32> to vector<16xf32>
        %get3A_101 = arith.index_cast %scan3A_54 : i32 to index
        %get3A_102 = arith.constant 32 : index
        %get3A_103 = tpu.vector_load %arg11[%get3A_101, %get3A_102] {strides = array<i32>} : memref<80x128xf32, #tpu.memory_space<vmem>>, vector<1x16xf32>,
        %get3A_104 = vector.shape_cast %get3A_103 : vector<1x16xf32> to vector<16xf32>
        %add3A_105 = arith.addf %get3A_100, %get3A_104 : vector<16xf32>
        %max3A_106 = arith.constant 0.000000e+00 : f32
        %max3A_107 = vector.broadcast %max3A_106 : f32 to vector<16xf32>
        %max3A_108 = arith.maximumf %add3A_105, %max3A_107 : vector<16xf32>
        %get3A_109 = arith.index_cast %scan3A_54 : i32 to index
        %get3A_110 = arith.constant 32 : index
        %get3A_111 = tpu.vector_load %arg15[%get3A_109, %get3A_110] {strides = array<i32>} : memref<80x128xf32, #tpu.memory_space<vmem>>, vector<1x16xf32>,
        %get3A_112 = vector.shape_cast %get3A_111 : vector<1x16xf32> to vector<16xf32>
        %mul3A_113 = arith.mulf %max3A_108, %get3A_112 : vector<16xf32>
        %swap3A_114 = arith.index_cast %scan3A_54 : i32 to index
        %swap3A_115 = arith.constant 32 : index
        %swap3A_116 = tpu.vector_load %arg10[%swap3A_114, %swap3A_115] {strides = array<i32>} : memref<80x128xf32, #tpu.memory_space<vmem>>, vector<1x16xf32>,
        %swap3A_117 = vector.shape_cast %swap3A_116 : vector<1x16xf32> to vector<16xf32>
        %swap3A_118 = vector.shape_cast %mul3A_113 : vector<16xf32> to vector<1x16xf32>
        tpu.vector_store %arg10[%swap3A_114, %swap3A_115], %swap3A_118 {strides = array<i32>} : memref<80x128xf32, #tpu.memory_space<vmem>>, vector<1x16xf32>,
        %get3A_119 = arith.index_cast %scan3A_54 : i32 to index
        %get3A_120 = arith.constant 48 : index
        %get3A_121 = tpu.vector_load %arg10[%get3A_119, %get3A_120] {strides = array<i32>} : memref<80x128xf32, #tpu.memory_space<vmem>>, vector<1x16xf32>,
        %get3A_122 = vector.shape_cast %get3A_121 : vector<1x16xf32> to vector<16xf32>
        %get3A_123 = arith.index_cast %scan3A_54 : i32 to index
        %get3A_124 = arith.constant 48 : index
        %get3A_125 = tpu.vector_load %arg11[%get3A_123, %get3A_124] {strides = array<i32>} : memref<80x128xf32, #tpu.memory_space<vmem>>, vector<1x16xf32>,
        %get3A_126 = vector.shape_cast %get3A_125 : vector<1x16xf32> to vector<16xf32>
        %add3A_127 = arith.addf %get3A_122, %get3A_126 : vector<16xf32>
        %max3A_128 = arith.constant 0.000000e+00 : f32
        %max3A_129 = vector.broadcast %max3A_128 : f32 to vector<16xf32>
        %max3A_130 = arith.maximumf %add3A_127, %max3A_129 : vector<16xf32>
        %get3A_131 = arith.index_cast %scan3A_54 : i32 to index
        %get3A_132 = arith.constant 48 : index
        %get3A_133 = tpu.vector_load %arg15[%get3A_131, %get3A_132] {strides = array<i32>} : memref<80x128xf32, #tpu.memory_space<vmem>>, vector<1x16xf32>,
        %get3A_134 = vector.shape_cast %get3A_133 : vector<1x16xf32> to vector<16xf32>
        %mul3A_135 = arith.mulf %max3A_130, %get3A_134 : vector<16xf32>
        %swap3A_136 = arith.index_cast %scan3A_54 : i32 to index
        %swap3A_137 = arith.constant 48 : index
        %swap3A_138 = tpu.vector_load %arg10[%swap3A_136, %swap3A_137] {strides = array<i32>} : memref<80x128xf32, #tpu.memory_space<vmem>>, vector<1x16xf32>,
        %swap3A_139 = vector.shape_cast %swap3A_138 : vector<1x16xf32> to vector<16xf32>
        %swap3A_140 = vector.shape_cast %mul3A_135 : vector<16xf32> to vector<1x16xf32>
        tpu.vector_store %arg10[%swap3A_136, %swap3A_137], %swap3A_140 {strides = array<i32>} : memref<80x128xf32, #tpu.memory_space<vmem>>, vector<1x16xf32>,
        %get3A_141 = arith.index_cast %scan3A_54 : i32 to index
        %get3A_142 = arith.constant 64 : index
        %get3A_143 = tpu.vector_load %arg10[%get3A_141, %get3A_142] {strides = array<i32>} : memref<80x128xf32, #tpu.memory_space<vmem>>, vector<1x16xf32>,
        %get3A_144 = vector.shape_cast %get3A_143 : vector<1x16xf32> to vector<16xf32>
        %get3A_145 = arith.index_cast %scan3A_54 : i32 to index
        %get3A_146 = arith.constant 64 : index
        %get3A_147 = tpu.vector_load %arg11[%get3A_145, %get3A_146] {strides = array<i32>} : memref<80x128xf32, #tpu.memory_space<vmem>>, vector<1x16xf32>,
        %get3A_148 = vector.shape_cast %get3A_147 : vector<1x16xf32> to vector<16xf32>
        %add3A_149 = arith.addf %get3A_144, %get3A_148 : vector<16xf32>
        %max3A_150 = arith.constant 0.000000e+00 : f32
        %max3A_151 = vector.broadcast %max3A_150 : f32 to vector<16xf32>
        %max3A_152 = arith.maximumf %add3A_149, %max3A_151 : vector<16xf32>
        %get3A_153 = arith.index_cast %scan3A_54 : i32 to index
        %get3A_154 = arith.constant 64 : index
        %get3A_155 = tpu.vector_load %arg15[%get3A_153, %get3A_154] {strides = array<i32>} : memref<80x128xf32, #tpu.memory_space<vmem>>, vector<1x16xf32>,
        %get3A_156 = vector.shape_cast %get3A_155 : vector<1x16xf32> to vector<16xf32>
        %mul3A_157 = arith.mulf %max3A_152, %get3A_156 : vector<16xf32>
        %swap3A_158 = arith.index_cast %scan3A_54 : i32 to index
        %swap3A_159 = arith.constant 64 : index
        %swap3A_160 = tpu.vector_load %arg10[%swap3A_158, %swap3A_159] {strides = array<i32>} : memref<80x128xf32, #tpu.memory_space<vmem>>, vector<1x16xf32>,
        %swap3A_161 = vector.shape_cast %swap3A_160 : vector<1x16xf32> to vector<16xf32>
        %swap3A_162 = vector.shape_cast %mul3A_157 : vector<16xf32> to vector<1x16xf32>
        tpu.vector_store %arg10[%swap3A_158, %swap3A_159], %swap3A_162 {strides = array<i32>} : memref<80x128xf32, #tpu.memory_space<vmem>>, vector<1x16xf32>,
        %get3A_163 = arith.index_cast %scan3A_54 : i32 to index
        %get3A_164 = arith.constant 80 : index
        %get3A_165 = tpu.vector_load %arg10[%get3A_163, %get3A_164] {strides = array<i32>} : memref<80x128xf32, #tpu.memory_space<vmem>>, vector<1x16xf32>,
        %get3A_166 = vector.shape_cast %get3A_165 : vector<1x16xf32> to vector<16xf32>
        %get3A_167 = arith.index_cast %scan3A_54 : i32 to index
        %get3A_168 = arith.constant 80 : index
        %get3A_169 = tpu.vector_load %arg11[%get3A_167, %get3A_168] {strides = array<i32>} : memref<80x128xf32, #tpu.memory_space<vmem>>, vector<1x16xf32>,
        %get3A_170 = vector.shape_cast %get3A_169 : vector<1x16xf32> to vector<16xf32>
        %add3A_171 = arith.addf %get3A_166, %get3A_170 : vector<16xf32>
        %max3A_172 = arith.constant 0.000000e+00 : f32
        %max3A_173 = vector.broadcast %max3A_172 : f32 to vector<16xf32>
        %max3A_174 = arith.maximumf %add3A_171, %max3A_173 : vector<16xf32>
        %get3A_175 = arith.index_cast %scan3A_54 : i32 to index
        %get3A_176 = arith.constant 80 : index
        %get3A_177 = tpu.vector_load %arg15[%get3A_175, %get3A_176] {strides = array<i32>} : memref<80x128xf32, #tpu.memory_space<vmem>>, vector<1x16xf32>,
        %get3A_178 = vector.shape_cast %get3A_177 : vector<1x16xf32> to vector<16xf32>
        %mul3A_179 = arith.mulf %max3A_174, %get3A_178 : vector<16xf32>
        %swap3A_180 = arith.index_cast %scan3A_54 : i32 to index
        %swap3A_181 = arith.constant 80 : index
        %swap3A_182 = tpu.vector_load %arg10[%swap3A_180, %swap3A_181] {strides = array<i32>} : memref<80x128xf32, #tpu.memory_space<vmem>>, vector<1x16xf32>,
        %swap3A_183 = vector.shape_cast %swap3A_182 : vector<1x16xf32> to vector<16xf32>
        %swap3A_184 = vector.shape_cast %mul3A_179 : vector<16xf32> to vector<1x16xf32>
        tpu.vector_store %arg10[%swap3A_180, %swap3A_181], %swap3A_184 {strides = array<i32>} : memref<80x128xf32, #tpu.memory_space<vmem>>, vector<1x16xf32>,
        %get3A_185 = arith.index_cast %scan3A_54 : i32 to index
        %get3A_186 = arith.constant 96 : index
        %get3A_187 = tpu.vector_load %arg10[%get3A_185, %get3A_186] {strides = array<i32>} : memref<80x128xf32, #tpu.memory_space<vmem>>, vector<1x16xf32>,
        %get3A_188 = vector.shape_cast %get3A_187 : vector<1x16xf32> to vector<16xf32>
        %get3A_189 = arith.index_cast %scan3A_54 : i32 to index
        %get3A_190 = arith.constant 96 : index
        %get3A_191 = tpu.vector_load %arg11[%get3A_189, %get3A_190] {strides = array<i32>} : memref<80x128xf32, #tpu.memory_space<vmem>>, vector<1x16xf32>,
        %get3A_192 = vector.shape_cast %get3A_191 : vector<1x16xf32> to vector<16xf32>
        %add3A_193 = arith.addf %get3A_188, %get3A_192 : vector<16xf32>
        %max3A_194 = arith.constant 0.000000e+00 : f32
        %max3A_195 = vector.broadcast %max3A_194 : f32 to vector<16xf32>
        %max3A_196 = arith.maximumf %add3A_193, %max3A_195 : vector<16xf32>
        %get3A_197 = arith.index_cast %scan3A_54 : i32 to index
        %get3A_198 = arith.constant 96 : index
        %get3A_199 = tpu.vector_load %arg15[%get3A_197, %get3A_198] {strides = array<i32>} : memref<80x128xf32, #tpu.memory_space<vmem>>, vector<1x16xf32>,
        %get3A_200 = vector.shape_cast %get3A_199 : vector<1x16xf32> to vector<16xf32>
        %mul3A_201 = arith.mulf %max3A_196, %get3A_200 : vector<16xf32>
        %swap3A_202 = arith.index_cast %scan3A_54 : i32 to index
        %swap3A_203 = arith.constant 96 : index
        %swap3A_204 = tpu.vector_load %arg10[%swap3A_202, %swap3A_203] {strides = array<i32>} : memref<80x128xf32, #tpu.memory_space<vmem>>, vector<1x16xf32>,
        %swap3A_205 = vector.shape_cast %swap3A_204 : vector<1x16xf32> to vector<16xf32>
        %swap3A_206 = vector.shape_cast %mul3A_201 : vector<16xf32> to vector<1x16xf32>
        tpu.vector_store %arg10[%swap3A_202, %swap3A_203], %swap3A_206 {strides = array<i32>} : memref<80x128xf32, #tpu.memory_space<vmem>>, vector<1x16xf32>,
        %get3A_207 = arith.index_cast %scan3A_54 : i32 to index
        %get3A_208 = arith.constant 112 : index
        %get3A_209 = tpu.vector_load %arg10[%get3A_207, %get3A_208] {strides = array<i32>} : memref<80x128xf32, #tpu.memory_space<vmem>>, vector<1x16xf32>,
        %get3A_210 = vector.shape_cast %get3A_209 : vector<1x16xf32> to vector<16xf32>
        %get3A_211 = arith.index_cast %scan3A_54 : i32 to index
        %get3A_212 = arith.constant 112 : index
        %get3A_213 = tpu.vector_load %arg11[%get3A_211, %get3A_212] {strides = array<i32>} : memref<80x128xf32, #tpu.memory_space<vmem>>, vector<1x16xf32>,
        %get3A_214 = vector.shape_cast %get3A_213 : vector<1x16xf32> to vector<16xf32>
        %add3A_215 = arith.addf %get3A_210, %get3A_214 : vector<16xf32>
        %max3A_216 = arith.constant 0.000000e+00 : f32
        %max3A_217 = vector.broadcast %max3A_216 : f32 to vector<16xf32>
        %max3A_218 = arith.maximumf %add3A_215, %max3A_217 : vector<16xf32>
        %get3A_219 = arith.index_cast %scan3A_54 : i32 to index
        %get3A_220 = arith.constant 112 : index
        %get3A_221 = tpu.vector_load %arg15[%get3A_219, %get3A_220] {strides = array<i32>} : memref<80x128xf32, #tpu.memory_space<vmem>>, vector<1x16xf32>,
        %get3A_222 = vector.shape_cast %get3A_221 : vector<1x16xf32> to vector<16xf32>
        %mul3A_223 = arith.mulf %max3A_218, %get3A_222 : vector<16xf32>
        %swap3A_224 = arith.index_cast %scan3A_54 : i32 to index
        %swap3A_225 = arith.constant 112 : index
        %swap3A_226 = tpu.vector_load %arg10[%swap3A_224, %swap3A_225] {strides = array<i32>} : memref<80x128xf32, #tpu.memory_space<vmem>>, vector<1x16xf32>,
        %swap3A_227 = vector.shape_cast %swap3A_226 : vector<1x16xf32> to vector<16xf32>
        %swap3A_228 = vector.shape_cast %mul3A_223 : vector<16xf32> to vector<1x16xf32>
        tpu.vector_store %arg10[%swap3A_224, %swap3A_225], %swap3A_228 {strides = array<i32>} : memref<80x128xf32, #tpu.memory_space<vmem>>, vector<1x16xf32>,
        %scan3A_229 = arith.constant 0 : i32
        scf.yield %scan3A_229 : i32
      }
      %scan3A_52 = arith.constant 80 : i32
      "tpu.region"() ({
        %run_scoped3A = tpu.sem_alloc : memref<!tpu.dma_semaphore, #tpu.memory_space<semaphore_mem>>
        %dma_start3A_54 = arith.constant 0 : i32
        %dma_start3A_55 = arith.constant 0 : i32
        %dma_start3A_56 = tpu.memref_slice %arg14[%dma_start3A_54, %dma_start3A_55] : memref<10112x128xf32, #tpu.memory_space<vmem_shared>> -> memref<10112x128xf32, #tpu.memory_space<vmem_shared>>
        tpu.enqueue_indirect_dma source(%arg10 : memref<80x128xf32, #tpu.memory_space<vmem>>) target(%dma_start3A_56 : memref<10112x128xf32, #tpu.memory_space<vmem_shared>>) offsets(%arg9 : memref<80xi32, #tpu.memory_space<vmem>>) semaphore(%run_scoped3A : memref<!tpu.dma_semaphore, #tpu.memory_space<semaphore_mem>>) {add = true}
        %dma_wait3A_57 = arith.constant 0 : i32
        %dma_wait3A_58 = arith.constant 0 : i32
        %dma_wait3A_59 = tpu.memref_slice %arg14[%dma_wait3A_57, %dma_wait3A_58] : memref<10112x128xf32, #tpu.memory_space<vmem_shared>> -> memref<10112x128xf32, #tpu.memory_space<vmem_shared>>
        tpu.wait_indirect_dma semaphore(%run_scoped3A : memref<!tpu.dma_semaphore, #tpu.memory_space<semaphore_mem>>) src(%arg10 : memref<80x128xf32, #tpu.memory_space<vmem>>) dst(%dma_wait3A_59 : memref<10112x128xf32, #tpu.memory_space<vmem_shared>>)
        tpu.yield
      }) : () -> ()
      %scan3A_53 = arith.constant 0 : i32
      scf.yield %scan3A_53 : i32
    }
    %scan3A_20 = arith.constant 125 : i32
    %barrier3A_21 = arith.constant 0 : index
    tpu.barrier barrier_id(%barrier3A_21)
    %mul3A_22 = arith.constant 632 : i32
    %mul3A_23 = arith.muli %arg1, %mul3A_22 : i32
    %mul3A_24 = arith.constant 10112 : i32
    %mul3A_25 = arith.muli %arg0, %mul3A_24 : i32
    %mul3A_26 = arith.constant 632 : i32
    %mul3A_27 = arith.muli %arg1, %mul3A_26 : i32
    %add3A_28 = arith.addi %mul3A_25, %mul3A_27 : i32
    "tpu.region"() ({
      %run_scoped3A = tpu.sem_alloc : memref<!tpu.dma_semaphore, #tpu.memory_space<semaphore_mem>>
      %dma_start3A = arith.constant 0 : i32
      %dma_start3A_29 = tpu.memref_slice %arg7[%add3A_28, %dma_start3A] : memref<20224x128xf32, #tpu.memory_space<hbm>> -> memref<632x128xf32, #tpu.memory_space<hbm>>
      %dma_start3A_30 = arith.constant 0 : i32
      %dma_start3A_31 = tpu.memref_slice %arg14[%mul3A_23, %dma_start3A_30] : memref<10112x128xf32, #tpu.memory_space<vmem_shared>> -> memref<632x128xf32, #tpu.memory_space<vmem_shared>>
      tpu.enqueue_dma source(%dma_start3A_31 : memref<632x128xf32, #tpu.memory_space<vmem_shared>>) target(%dma_start3A_29 : memref<632x128xf32, #tpu.memory_space<hbm>>) target_semaphore(%run_scoped3A : memref<!tpu.dma_semaphore, #tpu.memory_space<semaphore_mem>>)
      %dma_wait3A = arith.constant 0 : i32
      %dma_wait3A_32 = tpu.memref_slice %arg7[%add3A_28, %dma_wait3A] : memref<20224x128xf32, #tpu.memory_space<hbm>> -> memref<632x128xf32, #tpu.memory_space<hbm>>
      %dma_wait3A_33 = arith.constant 0 : i32
      %dma_wait3A_34 = tpu.memref_slice %arg14[%mul3A_23, %dma_wait3A_33] : memref<10112x128xf32, #tpu.memory_space<vmem_shared>> -> memref<632x128xf32, #tpu.memory_space<vmem_shared>>
      tpu.wait_dma2 semaphore(%run_scoped3A : memref<!tpu.dma_semaphore, #tpu.memory_space<semaphore_mem>>) src(%dma_wait3A_34 : memref<632x128xf32, #tpu.memory_space<vmem_shared>>) dst(%dma_wait3A_32 : memref<632x128xf32, #tpu.memory_space<hbm>>)
      tpu.yield
    }) : () -> ()
    return
  }
}

module attributes {stable_mosaic.version = 14 : i64} {
  func.func @body(%arg0: i32, %arg1: memref<2000x16xf32, #tpu.memory_space<vmem>>, %arg2: memref<16x128xf32, #tpu.memory_space<vmem>>, %arg3: memref<1x128xf32, #tpu.memory_space<vmem>>, %arg4: memref<128x128xf32, #tpu.memory_space<vmem>>, %arg5: memref<1x128xf32, #tpu.memory_space<vmem>>, %arg6: memref<2000x128xf32, #tpu.memory_space<vmem>>) attributes {dimension_semantics = [#tpu.dimension_semantics<arbitrary>], iteration_bounds = array<i64: 160>, scalar_prefetch = 0 : i64, scratch_operands = 0 : i64, tpu.core_type = #tpu.core_type<tc>, window_params = [{transform_indices = @transform_0, window_bounds = array<i64: 2000, 16>}, {pipeline_mode = #tpu.pipeline_mode<synchronous>, transform_indices = @transform_1, window_bounds = array<i64: 16, 128>}, {pipeline_mode = #tpu.pipeline_mode<synchronous>, transform_indices = @transform_2, window_bounds = array<i64: 1, 128>}, {pipeline_mode = #tpu.pipeline_mode<synchronous>, transform_indices = @transform_3, window_bounds = array<i64: 128, 128>}, {pipeline_mode = #tpu.pipeline_mode<synchronous>, transform_indices = @transform_4, window_bounds = array<i64: 1, 128>}, {transform_indices = @transform_5, window_bounds = array<i64: 2000, 128>}]} {
    %get3A = arith.constant 0 : index
    %get3A_0 = arith.constant 0 : index
    %get3A_1 = vector.load %arg1[%get3A, %get3A_0] : memref<2000x16xf32, #tpu.memory_space<vmem>>, vector<2000x16xf32>
    %get3A_2 = arith.constant 0 : index
    %get3A_3 = arith.constant 0 : index
    %get3A_4 = vector.load %arg2[%get3A_2, %get3A_3] : memref<16x128xf32, #tpu.memory_space<vmem>>, vector<16x128xf32>
    %dot_general3A = arith.constant dense<0.000000e+00> : vector<2000x128xf32>
    %dot_general3A_5 = tpu.matmul %get3A_1, %get3A_4, %dot_general3A {dimension_numbers = #tpu.dot_dimension_numbers<[1], [0], [0], [1], [0, 0, 1, 1], [], []>, transpose_lhs_hint = false} : vector<2000x16xf32>, vector<16x128xf32>, vector<2000x128xf32> -> vector<2000x128xf32>
    %get3A_6 = arith.constant 0 : index
    %get3A_7 = arith.constant 0 : index
    %get3A_8 = vector.load %arg3[%get3A_6, %get3A_7] : memref<1x128xf32, #tpu.memory_space<vmem>>, vector<1x128xf32>
    %add3A = vector.broadcast %get3A_8 : vector<1x128xf32> to vector<2000x128xf32>
    %add3A_9 = arith.addf %dot_general3A_5, %add3A : vector<2000x128xf32>
    %max3A = arith.constant 0.000000e+00 : f32
    %max3A_10 = vector.broadcast %max3A : f32 to vector<2000x128xf32>
    %max3A_11 = arith.maximumf %add3A_9, %max3A_10 : vector<2000x128xf32>
    %get3A_12 = arith.constant 0 : index
    %get3A_13 = arith.constant 0 : index
    %get3A_14 = vector.load %arg4[%get3A_12, %get3A_13] : memref<128x128xf32, #tpu.memory_space<vmem>>, vector<128x128xf32>
    %dot_general3A_15 = arith.constant dense<0.000000e+00> : vector<2000x128xf32>
    %dot_general3A_16 = tpu.matmul %max3A_11, %get3A_14, %dot_general3A_15 {dimension_numbers = #tpu.dot_dimension_numbers<[1], [0], [0], [1], [0, 0, 1, 1], [], []>, transpose_lhs_hint = false} : vector<2000x128xf32>, vector<128x128xf32>, vector<2000x128xf32> -> vector<2000x128xf32>
    %get3A_17 = arith.constant 0 : index
    %get3A_18 = arith.constant 0 : index
    %get3A_19 = vector.load %arg5[%get3A_17, %get3A_18] : memref<1x128xf32, #tpu.memory_space<vmem>>, vector<1x128xf32>
    %add3A_20 = vector.broadcast %get3A_19 : vector<1x128xf32> to vector<2000x128xf32>
    %add3A_21 = arith.addf %dot_general3A_16, %add3A_20 : vector<2000x128xf32>
    %swap3A = arith.constant 0 : index
    %swap3A_22 = arith.constant 0 : index
    %swap3A_23 = vector.load %arg6[%swap3A, %swap3A_22] : memref<2000x128xf32, #tpu.memory_space<vmem>>, vector<2000x128xf32>
    tpu.vector_store %arg6[%swap3A, %swap3A_22], %add3A_21 {strides = array<i32>} : memref<2000x128xf32, #tpu.memory_space<vmem>>, vector<2000x128xf32>,
    return
  }
  func.func @transform_0(%arg0: i32) -> (i32, i32) {
    %c0_i32 = arith.constant 0 : i32
    %c0_i32_0 = arith.constant 0 : i32
    return %arg0, %c0_i32 : i32, i32
  }
  func.func @transform_1(%arg0: i32) -> (i32, i32) {
    %c0_i32 = arith.constant 0 : i32
    %c0_i32_0 = arith.constant 0 : i32
    %c0_i32_1 = arith.constant 0 : i32
    return %c0_i32, %c0_i32_0 : i32, i32
  }
  func.func @transform_2(%arg0: i32) -> (i32, i32) {
    %c0_i32 = arith.constant 0 : i32
    %c0_i32_0 = arith.constant 0 : i32
    %c0_i32_1 = arith.constant 0 : i32
    return %c0_i32, %c0_i32_0 : i32, i32
  }
  func.func @transform_3(%arg0: i32) -> (i32, i32) {
    %c0_i32 = arith.constant 0 : i32
    %c0_i32_0 = arith.constant 0 : i32
    %c0_i32_1 = arith.constant 0 : i32
    return %c0_i32, %c0_i32_0 : i32, i32
  }
  func.func @transform_4(%arg0: i32) -> (i32, i32) {
    %c0_i32 = arith.constant 0 : i32
    %c0_i32_0 = arith.constant 0 : i32
    %c0_i32_1 = arith.constant 0 : i32
    return %c0_i32, %c0_i32_0 : i32, i32
  }
  func.func @transform_5(%arg0: i32) -> (i32, i32) {
    %c0_i32 = arith.constant 0 : i32
    %c0_i32_0 = arith.constant 0 : i32
    return %arg0, %c0_i32 : i32, i32
  }
}

module attributes {stable_mosaic.version = 14 : i64} {
  func.func @body(%arg0: i32, %arg1: memref<2000x128xf32, #tpu.memory_space<vmem>>, %arg2: memref<128x128xf32, #tpu.memory_space<vmem>>, %arg3: memref<1x128xf32, #tpu.memory_space<vmem>>, %arg4: memref<2000x128xf32, #tpu.memory_space<vmem>>) attributes {dimension_semantics = [#tpu.dimension_semantics<arbitrary>], iteration_bounds = array<i64: 5>, scalar_prefetch = 0 : i64, scratch_operands = 0 : i64, tpu.core_type = #tpu.core_type<tc>, window_params = [{transform_indices = @transform_0, window_bounds = array<i64: 2000, 128>}, {pipeline_mode = #tpu.pipeline_mode<synchronous>, transform_indices = @transform_1, window_bounds = array<i64: 128, 128>}, {pipeline_mode = #tpu.pipeline_mode<synchronous>, transform_indices = @transform_2, window_bounds = array<i64: 1, 128>}, {transform_indices = @transform_3, window_bounds = array<i64: 2000, 128>}]} {
    %get3A = arith.constant 0 : index
    %get3A_0 = arith.constant 0 : index
    %get3A_1 = vector.load %arg1[%get3A, %get3A_0] : memref<2000x128xf32, #tpu.memory_space<vmem>>, vector<2000x128xf32>
    %get3A_2 = arith.constant 0 : index
    %get3A_3 = arith.constant 0 : index
    %get3A_4 = vector.load %arg2[%get3A_2, %get3A_3] : memref<128x128xf32, #tpu.memory_space<vmem>>, vector<128x128xf32>
    %dot_general3A = arith.constant dense<0.000000e+00> : vector<2000x128xf32>
    %dot_general3A_5 = tpu.matmul %get3A_1, %get3A_4, %dot_general3A {dimension_numbers = #tpu.dot_dimension_numbers<[1], [0], [0], [1], [0, 0, 1, 1], [], []>, transpose_lhs_hint = false} : vector<2000x128xf32>, vector<128x128xf32>, vector<2000x128xf32> -> vector<2000x128xf32>
    %get3A_6 = arith.constant 0 : index
    %get3A_7 = arith.constant 0 : index
    %get3A_8 = vector.load %arg3[%get3A_6, %get3A_7] : memref<1x128xf32, #tpu.memory_space<vmem>>, vector<1x128xf32>
    %add3A = vector.broadcast %get3A_8 : vector<1x128xf32> to vector<2000x128xf32>
    %add3A_9 = arith.addf %dot_general3A_5, %add3A : vector<2000x128xf32>
    %swap3A = arith.constant 0 : index
    %swap3A_10 = arith.constant 0 : index
    %swap3A_11 = vector.load %arg4[%swap3A, %swap3A_10] : memref<2000x128xf32, #tpu.memory_space<vmem>>, vector<2000x128xf32>
    tpu.vector_store %arg4[%swap3A, %swap3A_10], %add3A_9 {strides = array<i32>} : memref<2000x128xf32, #tpu.memory_space<vmem>>, vector<2000x128xf32>,
    return
  }
  func.func @transform_0(%arg0: i32) -> (i32, i32) {
    %c0_i32 = arith.constant 0 : i32
    %c0_i32_0 = arith.constant 0 : i32
    return %arg0, %c0_i32 : i32, i32
  }
  func.func @transform_1(%arg0: i32) -> (i32, i32) {
    %c0_i32 = arith.constant 0 : i32
    %c0_i32_0 = arith.constant 0 : i32
    %c0_i32_1 = arith.constant 0 : i32
    return %c0_i32, %c0_i32_0 : i32, i32
  }
  func.func @transform_2(%arg0: i32) -> (i32, i32) {
    %c0_i32 = arith.constant 0 : i32
    %c0_i32_0 = arith.constant 0 : i32
    %c0_i32_1 = arith.constant 0 : i32
    return %c0_i32, %c0_i32_0 : i32, i32
  }
  func.func @transform_3(%arg0: i32) -> (i32, i32) {
    %c0_i32 = arith.constant 0 : i32
    %c0_i32_0 = arith.constant 0 : i32
    return %arg0, %c0_i32 : i32, i32
  }
}

module attributes {stable_mosaic.version = 14 : i64} {
  func.func @body(%arg0: memref<2x10112x128xf32, #tpu.memory_space<vmem>>, %arg1: memref<10000x1xf32, #tpu.memory_space<vmem>>, %arg2: memref<10000x1xf32, #tpu.memory_space<vmem>>, %arg3: memref<10000x128xf32, #tpu.memory_space<vmem>>) attributes {dimension_semantics = [], scalar_prefetch = 0 : i64, scratch_operands = 0 : i64, tpu.core_type = #tpu.core_type<tc>} {
    %broadcast_in_dim3A = arith.constant 0.000000e+00 : f32
    %broadcast_in_dim3A_0 = vector.broadcast %broadcast_in_dim3A : f32 to vector<10112x1xf32>
    %get3A = arith.constant 0 : index
    %get3A_1 = arith.constant 0 : index
    %get3A_2 = arith.constant 0 : index
    %get3A_3 = vector.load %arg0[%get3A, %get3A_1, %get3A_2] : memref<2x10112x128xf32, #tpu.memory_space<vmem>>, vector<1x10112x128xf32>
    %get3A_4 = vector.shape_cast %get3A_3 : vector<1x10112x128xf32> to vector<10112x128xf32>
    %reduce_sum3A = arith.constant dense<0.000000e+00> : vector<10112xf32>
    %reduce_sum3A_5 = vector.multi_reduction <add>, %get3A_4, %reduce_sum3A [1] : vector<10112x128xf32> to vector<10112xf32>
    %broadcast_in_dim3A_6 = vector.shape_cast %reduce_sum3A_5 : vector<10112xf32> to vector<10112x1xf32>
    %add3A = arith.addf %broadcast_in_dim3A_0, %broadcast_in_dim3A_6 : vector<10112x1xf32>
    %get3A_7 = arith.constant 1 : index
    %get3A_8 = arith.constant 0 : index
    %get3A_9 = arith.constant 0 : index
    %get3A_10 = vector.load %arg0[%get3A_7, %get3A_8, %get3A_9] : memref<2x10112x128xf32, #tpu.memory_space<vmem>>, vector<1x10112x128xf32>
    %get3A_11 = vector.shape_cast %get3A_10 : vector<1x10112x128xf32> to vector<10112x128xf32>
    %reduce_sum3A_12 = arith.constant dense<0.000000e+00> : vector<10112xf32>
    %reduce_sum3A_13 = vector.multi_reduction <add>, %get3A_11, %reduce_sum3A_12 [1] : vector<10112x128xf32> to vector<10112xf32>
    %broadcast_in_dim3A_14 = vector.shape_cast %reduce_sum3A_13 : vector<10112xf32> to vector<10112x1xf32>
    %add3A_15 = arith.addf %add3A, %broadcast_in_dim3A_14 : vector<10112x1xf32>
    %slice3A = vector.extract_strided_slice %add3A_15 {offsets = [0, 0], sizes = [10000, 1], strides = [1, 1]} : vector<10112x1xf32> to vector<10000x1xf32>
    %mul3A = arith.constant 7.812500e-03 : f32
    %mul3A_16 = vector.broadcast %mul3A : f32 to vector<10000x1xf32>
    %mul3A_17 = arith.mulf %slice3A, %mul3A_16 : vector<10000x1xf32>
    %add3A_18 = arith.constant 1.000000e+00 : f32
    %add3A_19 = vector.broadcast %add3A_18 : f32 to vector<10000x1xf32>
    %add3A_20 = arith.addf %mul3A_17, %add3A_19 : vector<10000x1xf32>
    %swap3A = arith.constant 0 : index
    %swap3A_21 = arith.constant 0 : index
    %swap3A_22 = vector.load %arg1[%swap3A, %swap3A_21] : memref<10000x1xf32, #tpu.memory_space<vmem>>, vector<10000x1xf32>
    tpu.vector_store %arg1[%swap3A, %swap3A_21], %add3A_20 {strides = array<i32>} : memref<10000x1xf32, #tpu.memory_space<vmem>>, vector<10000x1xf32>,
    %rsqrt3A = math.rsqrt %add3A_20 : vector<10000x1xf32>
    %swap3A_23 = arith.constant 0 : index
    %swap3A_24 = arith.constant 0 : index
    %swap3A_25 = vector.load %arg2[%swap3A_23, %swap3A_24] : memref<10000x1xf32, #tpu.memory_space<vmem>>, vector<10000x1xf32>
    tpu.vector_store %arg2[%swap3A_23, %swap3A_24], %rsqrt3A {strides = array<i32>} : memref<10000x1xf32, #tpu.memory_space<vmem>>, vector<10000x1xf32>,
    %broadcast_in_dim3A_26 = vector.shape_cast %rsqrt3A : vector<10000x1xf32> to vector<10000x1xf32>
    %broadcast_in_dim3A_27 = vector.broadcast %broadcast_in_dim3A_26 : vector<10000x1xf32> to vector<10000x128xf32>
    %swap3A_28 = arith.constant 0 : index
    %swap3A_29 = arith.constant 0 : index
    %swap3A_30 = vector.load %arg3[%swap3A_28, %swap3A_29] : memref<10000x128xf32, #tpu.memory_space<vmem>>, vector<10000x128xf32>
    tpu.vector_store %arg3[%swap3A_28, %swap3A_29], %broadcast_in_dim3A_27 {strides = array<i32>} : memref<10000x128xf32, #tpu.memory_space<vmem>>, vector<10000x128xf32>,
    return
  }
}

module attributes {stable_mosaic.version = 14 : i64} {
  func.func @body(%arg0: memref<2x10112x128xf32, #tpu.memory_space<vmem>>, %arg1: memref<10000x128xf32, #tpu.memory_space<vmem>>, %arg2: memref<10000x1xf32, #tpu.memory_space<vmem>>, %arg3: memref<10000x1xf32, #tpu.memory_space<vmem>>, %arg4: memref<1x128xf32, #tpu.memory_space<vmem>>, %arg5: memref<1x128xf32, #tpu.memory_space<vmem>>, %arg6: memref<1x128xf32, #tpu.memory_space<vmem>>, %arg7: memref<10000x128xf32, #tpu.memory_space<vmem>>) attributes {dimension_semantics = [], scalar_prefetch = 0 : i64, scratch_operands = 0 : i64, tpu.core_type = #tpu.core_type<tc>} {
    %get3A = arith.constant 0 : index
    %get3A_0 = arith.constant 0 : index
    %get3A_1 = arith.constant 0 : index
    %get3A_2 = vector.load %arg0[%get3A, %get3A_0, %get3A_1] : memref<2x10112x128xf32, #tpu.memory_space<vmem>>, vector<1x10112x128xf32>
    %get3A_3 = vector.shape_cast %get3A_2 : vector<1x10112x128xf32> to vector<10112x128xf32>
    %get3A_4 = arith.constant 1 : index
    %get3A_5 = arith.constant 0 : index
    %get3A_6 = arith.constant 0 : index
    %get3A_7 = vector.load %arg0[%get3A_4, %get3A_5, %get3A_6] : memref<2x10112x128xf32, #tpu.memory_space<vmem>>, vector<1x10112x128xf32>
    %get3A_8 = vector.shape_cast %get3A_7 : vector<1x10112x128xf32> to vector<10112x128xf32>
    %add3A = arith.addf %get3A_3, %get3A_8 : vector<10112x128xf32>
    %slice3A = vector.extract_strided_slice %add3A {offsets = [0, 0], sizes = [10000, 128], strides = [1, 1]} : vector<10112x128xf32> to vector<10000x128xf32>
    %get3A_9 = arith.constant 0 : index
    %get3A_10 = arith.constant 0 : index
    %get3A_11 = vector.load %arg3[%get3A_9, %get3A_10] : memref<10000x1xf32, #tpu.memory_space<vmem>>, vector<10000x1xf32>
    %mul3A = vector.broadcast %get3A_11 : vector<10000x1xf32> to vector<10000x128xf32>
    %mul3A_12 = arith.mulf %slice3A, %mul3A : vector<10000x128xf32>
    %get3A_13 = arith.constant 0 : index
    %get3A_14 = arith.constant 0 : index
    %get3A_15 = vector.load %arg1[%get3A_13, %get3A_14] : memref<10000x128xf32, #tpu.memory_space<vmem>>, vector<10000x128xf32>
    %get3A_16 = arith.constant 0 : index
    %get3A_17 = arith.constant 0 : index
    %get3A_18 = vector.load %arg4[%get3A_16, %get3A_17] : memref<1x128xf32, #tpu.memory_space<vmem>>, vector<1x128xf32>
    %add3A_19 = vector.broadcast %get3A_18 : vector<1x128xf32> to vector<10000x128xf32>
    %add3A_20 = arith.addf %get3A_15, %add3A_19 : vector<10000x128xf32>
    %max3A = arith.constant 0.000000e+00 : f32
    %max3A_21 = vector.broadcast %max3A : f32 to vector<10000x128xf32>
    %max3A_22 = arith.maximumf %add3A_20, %max3A_21 : vector<10000x128xf32>
    %get3A_23 = arith.constant 0 : index
    %get3A_24 = arith.constant 0 : index
    %get3A_25 = vector.load %arg2[%get3A_23, %get3A_24] : memref<10000x1xf32, #tpu.memory_space<vmem>>, vector<10000x1xf32>
    %div3A = vector.broadcast %get3A_25 : vector<10000x1xf32> to vector<10000x128xf32>
    %div3A_26 = arith.divf %max3A_22, %div3A : vector<10000x128xf32>
    %add3A_27 = arith.addf %mul3A_12, %div3A_26 : vector<10000x128xf32>
    %max3A_28 = arith.constant 0.000000e+00 : f32
    %max3A_29 = vector.broadcast %max3A_28 : f32 to vector<10000x128xf32>
    %max3A_30 = arith.maximumf %add3A_27, %max3A_29 : vector<10000x128xf32>
    %reduce_sum3A = arith.constant dense<0.000000e+00> : vector<128xf32>
    %reduce_sum3A_31 = vector.multi_reduction <add>, %max3A_30, %reduce_sum3A [0] : vector<10000x128xf32> to vector<128xf32>
    %broadcast_in_dim3A = vector.shape_cast %reduce_sum3A_31 : vector<128xf32> to vector<1x128xf32>
    %div3A_32 = arith.constant 1.000000e+04 : f32
    %div3A_33 = vector.broadcast %div3A_32 : f32 to vector<1x128xf32>
    %div3A_34 = arith.divf %broadcast_in_dim3A, %div3A_33 : vector<1x128xf32>
    %sub3A = vector.broadcast %div3A_34 : vector<1x128xf32> to vector<10000x128xf32>
    %sub3A_35 = arith.subf %max3A_30, %sub3A : vector<10000x128xf32>
    %integer_pow3A = arith.mulf %sub3A_35, %sub3A_35 : vector<10000x128xf32>
    %reduce_sum3A_36 = arith.constant dense<0.000000e+00> : vector<128xf32>
    %reduce_sum3A_37 = vector.multi_reduction <add>, %integer_pow3A, %reduce_sum3A_36 [0] : vector<10000x128xf32> to vector<128xf32>
    %broadcast_in_dim3A_38 = vector.shape_cast %reduce_sum3A_37 : vector<128xf32> to vector<1x128xf32>
    %div3A_39 = arith.constant 1.000000e+04 : f32
    %div3A_40 = vector.broadcast %div3A_39 : f32 to vector<1x128xf32>
    %div3A_41 = arith.divf %broadcast_in_dim3A_38, %div3A_40 : vector<1x128xf32>
    %sub3A_42 = vector.broadcast %div3A_34 : vector<1x128xf32> to vector<10000x128xf32>
    %sub3A_43 = arith.subf %max3A_30, %sub3A_42 : vector<10000x128xf32>
    %add3A_44 = arith.constant 9.99999974E-6 : f32
    %add3A_45 = vector.broadcast %add3A_44 : f32 to vector<1x128xf32>
    %add3A_46 = arith.addf %div3A_41, %add3A_45 : vector<1x128xf32>
    %rsqrt3A = math.rsqrt %add3A_46 : vector<1x128xf32>
    %mul3A_47 = vector.broadcast %rsqrt3A : vector<1x128xf32> to vector<10000x128xf32>
    %mul3A_48 = arith.mulf %sub3A_43, %mul3A_47 : vector<10000x128xf32>
    %get3A_49 = arith.constant 0 : index
    %get3A_50 = arith.constant 0 : index
    %get3A_51 = vector.load %arg5[%get3A_49, %get3A_50] : memref<1x128xf32, #tpu.memory_space<vmem>>, vector<1x128xf32>
    %mul3A_52 = vector.broadcast %get3A_51 : vector<1x128xf32> to vector<10000x128xf32>
    %mul3A_53 = arith.mulf %mul3A_48, %mul3A_52 : vector<10000x128xf32>
    %get3A_54 = arith.constant 0 : index
    %get3A_55 = arith.constant 0 : index
    %get3A_56 = vector.load %arg6[%get3A_54, %get3A_55] : memref<1x128xf32, #tpu.memory_space<vmem>>, vector<1x128xf32>
    %add3A_57 = vector.broadcast %get3A_56 : vector<1x128xf32> to vector<10000x128xf32>
    %add3A_58 = arith.addf %mul3A_53, %add3A_57 : vector<10000x128xf32>
    %swap3A = arith.constant 0 : index
    %swap3A_59 = arith.constant 0 : index
    %swap3A_60 = vector.load %arg7[%swap3A, %swap3A_59] : memref<10000x128xf32, #tpu.memory_space<vmem>>, vector<10000x128xf32>
    tpu.vector_store %arg7[%swap3A, %swap3A_59], %add3A_58 {strides = array<i32>} : memref<10000x128xf32, #tpu.memory_space<vmem>>, vector<10000x128xf32>,
    return
  }
}

module attributes {stable_mosaic.version = 14 : i64} {
  func.func @body(%arg0: memref<2x10112x128xf32, #tpu.memory_space<vmem>>, %arg1: memref<10000x128xf32, #tpu.memory_space<vmem>>, %arg2: memref<1x1xf32, #tpu.memory_space<vmem>>, %arg3: memref<128x128xf32, #tpu.memory_space<vmem>>, %arg4: memref<1x128xf32, #tpu.memory_space<vmem>>, %arg5: memref<128x128xf32, #tpu.memory_space<vmem>>, %arg6: memref<1x128xf32, #tpu.memory_space<vmem>>, %arg7: memref<1x128xf32, #tpu.memory_space<vmem>>, %arg8: memref<1x128xf32, #tpu.memory_space<vmem>>, %arg9: memref<10000x128xf32, #tpu.memory_space<vmem>>) attributes {dimension_semantics = [], scalar_prefetch = 0 : i64, scratch_operands = 0 : i64, tpu.core_type = #tpu.core_type<tc>} {
    %get3A = arith.constant 0 : index
    %get3A_0 = arith.constant 0 : index
    %get3A_1 = vector.load %arg2[%get3A, %get3A_0] : memref<1x1xf32, #tpu.memory_space<vmem>>, vector<1x1xf32>
    %get3A_2 = vector.extract %get3A_1[0, 0] : f32 from vector<1x1xf32>
    %add3A = arith.constant 1.000000e+00 : f32
    %add3A_3 = arith.addf %add3A, %get3A_2 : f32
    %get3A_4 = arith.constant 0 : index
    %get3A_5 = arith.constant 0 : index
    %get3A_6 = vector.load %arg1[%get3A_4, %get3A_5] : memref<10000x128xf32, #tpu.memory_space<vmem>>, vector<10000x128xf32>
    %mul3A = vector.broadcast %add3A_3 : f32 to vector<10000x128xf32>
    %mul3A_7 = arith.mulf %mul3A, %get3A_6 : vector<10000x128xf32>
    %get3A_8 = arith.constant 0 : index
    %get3A_9 = arith.constant 0 : index
    %get3A_10 = arith.constant 0 : index
    %get3A_11 = vector.load %arg0[%get3A_8, %get3A_9, %get3A_10] : memref<2x10112x128xf32, #tpu.memory_space<vmem>>, vector<1x10112x128xf32>
    %get3A_12 = vector.shape_cast %get3A_11 : vector<1x10112x128xf32> to vector<10112x128xf32>
    %get3A_13 = arith.constant 1 : index
    %get3A_14 = arith.constant 0 : index
    %get3A_15 = arith.constant 0 : index
    %get3A_16 = vector.load %arg0[%get3A_13, %get3A_14, %get3A_15] : memref<2x10112x128xf32, #tpu.memory_space<vmem>>, vector<1x10112x128xf32>
    %get3A_17 = vector.shape_cast %get3A_16 : vector<1x10112x128xf32> to vector<10112x128xf32>
    %add3A_18 = arith.addf %get3A_12, %get3A_17 : vector<10112x128xf32>
    %slice3A = vector.extract_strided_slice %add3A_18 {offsets = [0, 0], sizes = [10000, 128], strides = [1, 1]} : vector<10112x128xf32> to vector<10000x128xf32>
    %add3A_19 = arith.addf %mul3A_7, %slice3A : vector<10000x128xf32>
    %get3A_20 = arith.constant 0 : index
    %get3A_21 = arith.constant 0 : index
    %get3A_22 = vector.load %arg3[%get3A_20, %get3A_21] : memref<128x128xf32, #tpu.memory_space<vmem>>, vector<128x128xf32>
    %dot_general3A = arith.constant dense<0.000000e+00> : vector<10000x128xf32>
    %dot_general3A_23 = tpu.matmul %add3A_19, %get3A_22, %dot_general3A {dimension_numbers = #tpu.dot_dimension_numbers<[1], [0], [0], [1], [0, 0, 1, 1], [], []>, transpose_lhs_hint = false} : vector<10000x128xf32>, vector<128x128xf32>, vector<10000x128xf32> -> vector<10000x128xf32>
    %get3A_24 = arith.constant 0 : index
    %get3A_25 = arith.constant 0 : index
    %get3A_26 = vector.load %arg4[%get3A_24, %get3A_25] : memref<1x128xf32, #tpu.memory_space<vmem>>, vector<1x128xf32>
    %add3A_27 = vector.broadcast %get3A_26 : vector<1x128xf32> to vector<10000x128xf32>
    %add3A_28 = arith.addf %dot_general3A_23, %add3A_27 : vector<10000x128xf32>
    %max3A = arith.constant 0.000000e+00 : f32
    %max3A_29 = vector.broadcast %max3A : f32 to vector<10000x128xf32>
    %max3A_30 = arith.maximumf %add3A_28, %max3A_29 : vector<10000x128xf32>
    %get3A_31 = arith.constant 0 : index
    %get3A_32 = arith.constant 0 : index
    %get3A_33 = vector.load %arg5[%get3A_31, %get3A_32] : memref<128x128xf32, #tpu.memory_space<vmem>>, vector<128x128xf32>
    %dot_general3A_34 = arith.constant dense<0.000000e+00> : vector<10000x128xf32>
    %dot_general3A_35 = tpu.matmul %max3A_30, %get3A_33, %dot_general3A_34 {dimension_numbers = #tpu.dot_dimension_numbers<[1], [0], [0], [1], [0, 0, 1, 1], [], []>, transpose_lhs_hint = false} : vector<10000x128xf32>, vector<128x128xf32>, vector<10000x128xf32> -> vector<10000x128xf32>
    %get3A_36 = arith.constant 0 : index
    %get3A_37 = arith.constant 0 : index
    %get3A_38 = vector.load %arg6[%get3A_36, %get3A_37] : memref<1x128xf32, #tpu.memory_space<vmem>>, vector<1x128xf32>
    %add3A_39 = vector.broadcast %get3A_38 : vector<1x128xf32> to vector<10000x128xf32>
    %add3A_40 = arith.addf %dot_general3A_35, %add3A_39 : vector<10000x128xf32>
    %max3A_41 = arith.constant 0.000000e+00 : f32
    %max3A_42 = vector.broadcast %max3A_41 : f32 to vector<10000x128xf32>
    %max3A_43 = arith.maximumf %add3A_40, %max3A_42 : vector<10000x128xf32>
    %reduce_sum3A = arith.constant dense<0.000000e+00> : vector<128xf32>
    %reduce_sum3A_44 = vector.multi_reduction <add>, %max3A_43, %reduce_sum3A [0] : vector<10000x128xf32> to vector<128xf32>
    %broadcast_in_dim3A = vector.shape_cast %reduce_sum3A_44 : vector<128xf32> to vector<1x128xf32>
    %div3A = arith.constant 1.000000e+04 : f32
    %div3A_45 = vector.broadcast %div3A : f32 to vector<1x128xf32>
    %div3A_46 = arith.divf %broadcast_in_dim3A, %div3A_45 : vector<1x128xf32>
    %sub3A = vector.broadcast %div3A_46 : vector<1x128xf32> to vector<10000x128xf32>
    %sub3A_47 = arith.subf %max3A_43, %sub3A : vector<10000x128xf32>
    %integer_pow3A = arith.mulf %sub3A_47, %sub3A_47 : vector<10000x128xf32>
    %reduce_sum3A_48 = arith.constant dense<0.000000e+00> : vector<128xf32>
    %reduce_sum3A_49 = vector.multi_reduction <add>, %integer_pow3A, %reduce_sum3A_48 [0] : vector<10000x128xf32> to vector<128xf32>
    %broadcast_in_dim3A_50 = vector.shape_cast %reduce_sum3A_49 : vector<128xf32> to vector<1x128xf32>
    %div3A_51 = arith.constant 1.000000e+04 : f32
    %div3A_52 = vector.broadcast %div3A_51 : f32 to vector<1x128xf32>
    %div3A_53 = arith.divf %broadcast_in_dim3A_50, %div3A_52 : vector<1x128xf32>
    %sub3A_54 = vector.broadcast %div3A_46 : vector<1x128xf32> to vector<10000x128xf32>
    %sub3A_55 = arith.subf %max3A_43, %sub3A_54 : vector<10000x128xf32>
    %add3A_56 = arith.constant 9.99999974E-6 : f32
    %add3A_57 = vector.broadcast %add3A_56 : f32 to vector<1x128xf32>
    %add3A_58 = arith.addf %div3A_53, %add3A_57 : vector<1x128xf32>
    %rsqrt3A = math.rsqrt %add3A_58 : vector<1x128xf32>
    %mul3A_59 = vector.broadcast %rsqrt3A : vector<1x128xf32> to vector<10000x128xf32>
    %mul3A_60 = arith.mulf %sub3A_55, %mul3A_59 : vector<10000x128xf32>
    %get3A_61 = arith.constant 0 : index
    %get3A_62 = arith.constant 0 : index
    %get3A_63 = vector.load %arg7[%get3A_61, %get3A_62] : memref<1x128xf32, #tpu.memory_space<vmem>>, vector<1x128xf32>
    %mul3A_64 = vector.broadcast %get3A_63 : vector<1x128xf32> to vector<10000x128xf32>
    %mul3A_65 = arith.mulf %mul3A_60, %mul3A_64 : vector<10000x128xf32>
    %get3A_66 = arith.constant 0 : index
    %get3A_67 = arith.constant 0 : index
    %get3A_68 = vector.load %arg8[%get3A_66, %get3A_67] : memref<1x128xf32, #tpu.memory_space<vmem>>, vector<1x128xf32>
    %add3A_69 = vector.broadcast %get3A_68 : vector<1x128xf32> to vector<10000x128xf32>
    %add3A_70 = arith.addf %mul3A_65, %add3A_69 : vector<10000x128xf32>
    %swap3A = arith.constant 0 : index
    %swap3A_71 = arith.constant 0 : index
    %swap3A_72 = vector.load %arg9[%swap3A, %swap3A_71] : memref<10000x128xf32, #tpu.memory_space<vmem>>, vector<10000x128xf32>
    tpu.vector_store %arg9[%swap3A, %swap3A_71], %add3A_70 {strides = array<i32>} : memref<10000x128xf32, #tpu.memory_space<vmem>>, vector<10000x128xf32>,
    return
  }
}

module attributes {stable_mosaic.version = 14 : i64} {
  func.func @body(%arg0: memref<10000x128xf32, #tpu.memory_space<vmem>>, %arg1: memref<10000x128xf32, #tpu.memory_space<vmem>>, %arg2: memref<10000x128xf32, #tpu.memory_space<vmem>>, %arg3: memref<10000x1xi32, #tpu.memory_space<vmem>>, %arg4: memref<128x128xf32, #tpu.memory_space<vmem>>, %arg5: memref<128x128xf32, #tpu.memory_space<vmem>>, %arg6: memref<128x128xf32, #tpu.memory_space<vmem>>, %arg7: memref<1x128xf32, #tpu.memory_space<vmem>>, %arg8: memref<128x128xf32, #tpu.memory_space<vmem>>, %arg9: memref<1x128xf32, #tpu.memory_space<vmem>>, %arg10: memref<64x128xf32, #tpu.memory_space<vmem>>) attributes {dimension_semantics = [], scalar_prefetch = 0 : i64, scratch_operands = 0 : i64, tpu.core_type = #tpu.core_type<tc>} {
    %iota3A = tpu.iota {dimensions = array<i32: 1>} : vector<10000x64xi32>
    %get3A = arith.constant 0 : index
    %get3A_0 = arith.constant 0 : index
    %get3A_1 = vector.load %arg3[%get3A, %get3A_0] : memref<10000x1xi32, #tpu.memory_space<vmem>>, vector<10000x1xi32>
    %broadcast_in_dim3A = vector.shape_cast %get3A_1 : vector<10000x1xi32> to vector<10000x1xi32>
    %broadcast_in_dim3A_2 = vector.broadcast %broadcast_in_dim3A : vector<10000x1xi32> to vector<10000x64xi32>
    %eq3A = arith.cmpi eq, %broadcast_in_dim3A_2, %iota3A : vector<10000x64xi32>
    %convert_element_type3A = arith.extui %eq3A : vector<10000x64xi1> to vector<10000x64xi32>
    %convert_element_type3A_3 = arith.sitofp %convert_element_type3A : vector<10000x64xi32> to vector<10000x64xf32>
    %broadcast_in_dim3A_4 = arith.constant 1.000000e+00 : f32
    %broadcast_in_dim3A_5 = vector.broadcast %broadcast_in_dim3A_4 : f32 to vector<10000x1xf32>
    %dot_general3A = arith.constant dense<0.000000e+00> : vector<64x1xf32>
    %dot_general3A_6 = tpu.matmul %convert_element_type3A_3, %broadcast_in_dim3A_5, %dot_general3A {dimension_numbers = #tpu.dot_dimension_numbers<[0], [0], [1], [1], [0, 1, 1, 1], [], []>, transpose_lhs_hint = false} : vector<10000x64xf32>, vector<10000x1xf32>, vector<64x1xf32> -> vector<64x1xf32>
    %max3A = arith.constant 1.000000e+00 : f32
    %max3A_7 = vector.broadcast %max3A : f32 to vector<64x1xf32>
    %max3A_8 = arith.maximumf %dot_general3A_6, %max3A_7 : vector<64x1xf32>
    %div3A = arith.constant 1.000000e+00 : f32
    %div3A_9 = vector.broadcast %div3A : f32 to vector<64x1xf32>
    %div3A_10 = arith.divf %div3A_9, %max3A_8 : vector<64x1xf32>
    %get3A_11 = arith.constant 0 : index
    %get3A_12 = arith.constant 0 : index
    %get3A_13 = vector.load %arg7[%get3A_11, %get3A_12] : memref<1x128xf32, #tpu.memory_space<vmem>>, vector<1x128xf32>
    %get3A_14 = arith.constant 0 : index
    %get3A_15 = arith.constant 0 : index
    %get3A_16 = vector.load %arg0[%get3A_14, %get3A_15] : memref<10000x128xf32, #tpu.memory_space<vmem>>, vector<10000x128xf32>
    %dot_general3A_17 = arith.constant dense<0.000000e+00> : vector<64x128xf32>
    %dot_general3A_18 = tpu.matmul %convert_element_type3A_3, %get3A_16, %dot_general3A_17 {dimension_numbers = #tpu.dot_dimension_numbers<[0], [0], [1], [1], [0, 1, 1, 1], [], []>, transpose_lhs_hint = false} : vector<10000x64xf32>, vector<10000x128xf32>, vector<64x128xf32> -> vector<64x128xf32>
    %mul3A = vector.broadcast %div3A_10 : vector<64x1xf32> to vector<64x128xf32>
    %mul3A_19 = arith.mulf %dot_general3A_18, %mul3A : vector<64x128xf32>
    %get3A_20 = arith.constant 0 : index
    %get3A_21 = arith.constant 0 : index
    %get3A_22 = vector.load %arg4[%get3A_20, %get3A_21] : memref<128x128xf32, #tpu.memory_space<vmem>>, vector<128x128xf32>
    %dot_general3A_23 = arith.constant dense<0.000000e+00> : vector<64x128xf32>
    %dot_general3A_24 = tpu.matmul %mul3A_19, %get3A_22, %dot_general3A_23 {dimension_numbers = #tpu.dot_dimension_numbers<[1], [0], [0], [1], [0, 0, 1, 1], [], []>, transpose_lhs_hint = false} : vector<64x128xf32>, vector<128x128xf32>, vector<64x128xf32> -> vector<64x128xf32>
    %add3A = vector.broadcast %get3A_13 : vector<1x128xf32> to vector<64x128xf32>
    %add3A_25 = arith.addf %add3A, %dot_general3A_24 : vector<64x128xf32>
    %get3A_26 = arith.constant 0 : index
    %get3A_27 = arith.constant 0 : index
    %get3A_28 = vector.load %arg1[%get3A_26, %get3A_27] : memref<10000x128xf32, #tpu.memory_space<vmem>>, vector<10000x128xf32>
    %dot_general3A_29 = arith.constant dense<0.000000e+00> : vector<64x128xf32>
    %dot_general3A_30 = tpu.matmul %convert_element_type3A_3, %get3A_28, %dot_general3A_29 {dimension_numbers = #tpu.dot_dimension_numbers<[0], [0], [1], [1], [0, 1, 1, 1], [], []>, transpose_lhs_hint = false} : vector<10000x64xf32>, vector<10000x128xf32>, vector<64x128xf32> -> vector<64x128xf32>
    %mul3A_31 = vector.broadcast %div3A_10 : vector<64x1xf32> to vector<64x128xf32>
    %mul3A_32 = arith.mulf %dot_general3A_30, %mul3A_31 : vector<64x128xf32>
    %get3A_33 = arith.constant 0 : index
    %get3A_34 = arith.constant 0 : index
    %get3A_35 = vector.load %arg5[%get3A_33, %get3A_34] : memref<128x128xf32, #tpu.memory_space<vmem>>, vector<128x128xf32>
    %dot_general3A_36 = arith.constant dense<0.000000e+00> : vector<64x128xf32>
    %dot_general3A_37 = tpu.matmul %mul3A_32, %get3A_35, %dot_general3A_36 {dimension_numbers = #tpu.dot_dimension_numbers<[1], [0], [0], [1], [0, 0, 1, 1], [], []>, transpose_lhs_hint = false} : vector<64x128xf32>, vector<128x128xf32>, vector<64x128xf32> -> vector<64x128xf32>
    %add3A_38 = arith.addf %add3A_25, %dot_general3A_37 : vector<64x128xf32>
    %get3A_39 = arith.constant 0 : index
    %get3A_40 = arith.constant 0 : index
    %get3A_41 = vector.load %arg2[%get3A_39, %get3A_40] : memref<10000x128xf32, #tpu.memory_space<vmem>>, vector<10000x128xf32>
    %dot_general3A_42 = arith.constant dense<0.000000e+00> : vector<64x128xf32>
    %dot_general3A_43 = tpu.matmul %convert_element_type3A_3, %get3A_41, %dot_general3A_42 {dimension_numbers = #tpu.dot_dimension_numbers<[0], [0], [1], [1], [0, 1, 1, 1], [], []>, transpose_lhs_hint = false} : vector<10000x64xf32>, vector<10000x128xf32>, vector<64x128xf32> -> vector<64x128xf32>
    %mul3A_44 = vector.broadcast %div3A_10 : vector<64x1xf32> to vector<64x128xf32>
    %mul3A_45 = arith.mulf %dot_general3A_43, %mul3A_44 : vector<64x128xf32>
    %get3A_46 = arith.constant 0 : index
    %get3A_47 = arith.constant 0 : index
    %get3A_48 = vector.load %arg6[%get3A_46, %get3A_47] : memref<128x128xf32, #tpu.memory_space<vmem>>, vector<128x128xf32>
    %dot_general3A_49 = arith.constant dense<0.000000e+00> : vector<64x128xf32>
    %dot_general3A_50 = tpu.matmul %mul3A_45, %get3A_48, %dot_general3A_49 {dimension_numbers = #tpu.dot_dimension_numbers<[1], [0], [0], [1], [0, 0, 1, 1], [], []>, transpose_lhs_hint = false} : vector<64x128xf32>, vector<128x128xf32>, vector<64x128xf32> -> vector<64x128xf32>
    %add3A_51 = arith.addf %add3A_38, %dot_general3A_50 : vector<64x128xf32>
    %max3A_52 = arith.constant 0.000000e+00 : f32
    %max3A_53 = vector.broadcast %max3A_52 : f32 to vector<64x128xf32>
    %max3A_54 = arith.maximumf %add3A_51, %max3A_53 : vector<64x128xf32>
    %get3A_55 = arith.constant 0 : index
    %get3A_56 = arith.constant 0 : index
    %get3A_57 = vector.load %arg8[%get3A_55, %get3A_56] : memref<128x128xf32, #tpu.memory_space<vmem>>, vector<128x128xf32>
    %dot_general3A_58 = arith.constant dense<0.000000e+00> : vector<64x128xf32>
    %dot_general3A_59 = tpu.matmul %max3A_54, %get3A_57, %dot_general3A_58 {dimension_numbers = #tpu.dot_dimension_numbers<[1], [0], [0], [1], [0, 0, 1, 1], [], []>, transpose_lhs_hint = false} : vector<64x128xf32>, vector<128x128xf32>, vector<64x128xf32> -> vector<64x128xf32>
    %get3A_60 = arith.constant 0 : index
    %get3A_61 = arith.constant 0 : index
    %get3A_62 = vector.load %arg9[%get3A_60, %get3A_61] : memref<1x128xf32, #tpu.memory_space<vmem>>, vector<1x128xf32>
    %add3A_63 = vector.broadcast %get3A_62 : vector<1x128xf32> to vector<64x128xf32>
    %add3A_64 = arith.addf %dot_general3A_59, %add3A_63 : vector<64x128xf32>
    %swap3A = arith.constant 0 : index
    %swap3A_65 = arith.constant 0 : index
    %swap3A_66 = vector.load %arg10[%swap3A, %swap3A_65] : memref<64x128xf32, #tpu.memory_space<vmem>>, vector<64x128xf32>
    tpu.vector_store %arg10[%swap3A, %swap3A_65], %add3A_64 {strides = array<i32>} : memref<64x128xf32, #tpu.memory_space<vmem>>, vector<64x128xf32>,
    return
  }
}

</mosaic_0001>

<sc_bundles>
// kernel: kernel.15.cloned.1.call-start
scs
__scs_entry_jumppad:
0x0: {  	(pc) =	sbr.rel $0x88, $3  }
0x1: {  	(tag) =	ssettag $0x0;
	lr =	simm.s32 $0x1  }
0x2: {  	[smem:$0x3F7A] =	sst lr;
	_ =	strace $0xD0000000  }
0x3: {  	_ = 	snop  }
0x4: {  	_ = 	snop  }
0x5: {  	_ = 	snop  }
0x6: {  	_ = 	snop  }
0x7: {  	_ = 	snop  }
__scs_overlays_trampoline_lowered:
0x8: {  	[smem:$0x3F89] =	sst s0  }
0x9: {  	[smem:$0x3F8A] =	sst s1  }
0xa: {  	[smem:$0x3F8B] =	sst s2  }
0xb: {  	[smem:$0x3F8C] =	sst s3  }
0xc: {  	[smem:$0x3F8D] =	sst s4  }
0xd: {  	[smem:$0x3F8E] =	sst s5  }
0xe: {  	[smem:$0x3F8F] =	sst s6  }
0xf: {  	[smem:$0x3F90] =	sst s7  }
0x10: {  	[smem:$0x3F91] =	sst s8  }
0x11: {  	[smem:$0x3F92] =	sst s9;
	s0 =	simm.s32 @!p0 $0x0  }
0x12: {  	s1 =	sld [smem:$0x3F78];
	s0 =	simm.s32 @p0 $0x1  }
0x13: {  	[smem:$0x3F93] =	sst s0;
	s0 =	simm.s32 @!p1 $0x0  }
0x14: {  	s2 =	sld [smem:$0x3F77];
	s0 =	simm.s32 @p1 $0x1  }
0x15: {  	[smem:$0x3F94] =	sst s0;
	s0 =	simm.s32 @!p2 $0x0  }
0x16: {  	s3 =	sld [smem:$0x3FDB];
	s0 =	simm.s32 @p2 $0x1  }
0x17: {  	s4 =	simm.s32 $0x1BF5;
	[smem:$0x3F96] =	sst s0  }
0x18: {  	s0 =	sld [smem:$0x3F79];
	_ =	swait.ge [sflag:s4], $0x0  }
0x19: {  	s7 =	sld [smem:$0x3F7A]  }
0x1a: {  	s8 =	sadd.s32 $0xFFFFE003, lr  }
0x1b: {  	s9 =	sadd.s32 $0xFFFFFEF7, lr;
	s5 =	simm.s32 $0xFFFFFFFF;
	p2 =	slt.u32 s8, $0xFFFFF086  }
0x1c: {  	p1 =	slt.u32 s9, $0xF7A;
	s5 =	simm.s32 @!p2 $0x0  }
0x1d: {  	s5 =	simm.s32 @p1 $0x1;
	p0 =	seq.s32 s7, s2  }
0x1e: {  	s7 =	smul.u32 @!p0 $0xF7A, s2;
	p2 =	seq.s32 @!p0 s5, $0x0  }
0x1f: {  	s9 =	smul.u32 $0xF7A, s1;
	s8 =	simm.s32 @!p0 $0x1BF5;
	p2 =	por !p2, p0  }
0x20: {  	[sflag:s8] =	ssyncset.s32 @!p0 $0xFFFFF086;
	s6 =	sadd.s32 @!p0 s3, s7;
	s7 =	simm.s32 @!p0 $0x108  }
0x21: {  	s3 =	sadd.s32 s3, s9;
	s6 =	sadd.s32 @!p0 $0x88, s6;
	s7 =	simm.s32 @p2 $0x1082  }
0x22: {  	[simem:s7], [sflag:s8] =	dma.local @!p0 [hbm:s6], $0xF7A  }
0x23: {  	s9 =	sor.u32 $0xD0000000, s2;
	s6 =	simm.s32 $0x108;
	_ =	swait.ge @!p0 [sflag:s8], $0x0  }
0x24: {  	s3 =	sadd.s32 $0x88, s3;
	s6 =	simm.s32 @!p1 $0x1082;
	[sflag:s4] =	ssyncset.s32 $0xFFFFF086  }
0x25: {  	[simem:s6], [sflag:s4] =	dma.local [hbm:s3], $0xF7A  }
0x26: {  	[smem:$0x3F7A] =	sst s1;
	(tag) =	ssettag s2;
	_ =	strace s9  }
0x27: {  	s1 =	sld [smem:$0x3F8A]  }
0x28: {  	s2 =	sld [smem:$0x3F8B]  }
0x29: {  	s4 =	sld [smem:$0x3F8D]  }
0x2a: {  	p0 =	seq.s32 s5, $0x0;
	s5 =	sld [smem:$0x3F8E]  }
0x2b: {  	s6 =	sld [smem:$0x3F8F]  }
0x2c: {  	s7 =	sld [smem:$0x3F90]  }
0x2d: {  	s3 =	simm.s32 $0x108;
	s8 =	sld [smem:$0x3F91]  }
0x2e: {  	s3 =	simm.s32 @!p0 $0x1082;
	s9 =	sld [smem:$0x3F92]  }
0x2f: {  	lr =	sadd.s32 s0, s3;
	s0 =	sld [smem:$0x3F89]  }
0x30: {  	s3 =	sld [smem:$0x3F8C]  }
0x31: {  	[smem:$0x3F95] =	sst s10  }
0x32: {  	s10 =	sld [smem:$0x3F93];
	_ =	sdelay $0x3  }
0x33: {  	p0 =	seq.s32 s10, $0x1;
	s10 =	sld [smem:$0x3F95];
	_ =	sdelay $0x3  }
0x34: {  	[smem:$0x3F95] =	sst s10  }
0x35: {  	s10 =	sld [smem:$0x3F94];
	_ =	sdelay $0x3  }
0x36: {  	p1 =	seq.s32 s10, $0x1;
	s10 =	sld [smem:$0x3F95];
	_ =	sdelay $0x3  }
0x37: {  	[smem:$0x3F95] =	sst s10  }
0x38: {  	s10 =	sld [smem:$0x3F96]  }
0x39: {  	_ = 	snop;
	(pc) =	sbr.ind lr, $3  }
0x3a: {  	_ = 	snop  }
0x3b: {  	_ = 	snop  }
0x3c: {  	p2 =	seq.s32 s10, $0x1;
	s10 =	sld [smem:$0x3F95]  }
0x3d: {  	_ =	shalt  }
0x3e: {  	_ =	shalt  }
0x3f: {  	_ =	shalt  }
0x40: {  	_ =	shalt  }
0x41: {  	_ =	shalt  }
0x42: {  	_ =	shalt  }
0x43: {  	_ =	shalt  }
0x44: {  	_ =	shalt  }
0x45: {  	_ =	shalt  }
0x46: {  	_ =	shalt  }
0x47: {  	_ =	shalt  }
0x48: {  	_ =	shalt  }
0x49: {  	_ =	shalt  }
0x4a: {  	_ =	shalt  }
0x4b: {  	_ =	shalt  }
0x4c: {  	_ =	shalt  }
0x4d: {  	_ =	shalt  }
0x4e: {  	_ =	shalt  }
0x4f: {  	_ =	shalt  }
0x50: {  	_ =	shalt  }
0x51: {  	_ =	shalt  }
0x52: {  	_ =	shalt  }
0x53: {  	_ =	shalt  }
0x54: {  	_ =	shalt  }
0x55: {  	_ =	shalt  }
0x56: {  	_ =	shalt  }
0x57: {  	_ =	shalt  }
0x58: {  	_ =	shalt  }
0x59: {  	_ =	shalt  }
0x5a: {  	_ =	shalt  }
0x5b: {  	_ =	shalt  }
0x5c: {  	_ =	shalt  }
0x5d: {  	_ =	shalt  }
0x5e: {  	_ =	shalt  }
0x5f: {  	_ =	shalt  }
0x60: {  	_ =	shalt  }
0x61: {  	_ =	shalt  }
0x62: {  	_ =	shalt  }
0x63: {  	_ =	shalt  }
0x64: {  	_ =	shalt  }
0x65: {  	_ =	shalt  }
0x66: {  	_ =	shalt  }
0x67: {  	_ =	shalt  }
0x68: {  	_ =	shalt  }
0x69: {  	_ =	shalt  }
0x6a: {  	_ =	shalt  }
0x6b: {  	_ =	shalt  }
0x6c: {  	_ =	shalt  }
0x6d: {  	_ =	shalt  }
0x6e: {  	_ =	shalt  }
0x6f: {  	_ =	shalt  }
0x70: {  	_ =	shalt  }
0x71: {  	_ =	shalt  }
0x72: {  	_ =	shalt  }
0x73: {  	_ =	shalt  }
0x74: {  	_ =	shalt  }
0x75: {  	_ =	shalt  }
0x76: {  	_ =	shalt  }
0x77: {  	_ =	shalt  }
0x78: {  	_ =	shalt  }
0x79: {  	_ =	shalt  }
0x7a: {  	_ =	shalt  }
0x7b: {  	_ =	shalt  }
0x7c: {  	_ =	shalt  }
0x7d: {  	_ =	shalt  }
0x7e: {  	_ =	shalt  }
0x7f: {  	_ =	shalt  }
0x80: {  	_ =	shalt  }
0x81: {  	_ =	shalt  }
0x82: {  	_ =	shalt  }
0x83: {  	_ =	shalt  }
0x84: {  	_ =	shalt  }
0x85: {  	_ =	shalt  }
0x86: {  	_ =	shalt  }
0x87: {  	_ =	shalt  }
.Lfunc_end0:
.L_simem_size_0:
called_computation_lowered:
.L_overlay_start_0:
0x88: {  	s2 =	sld [smem:$0x3FD9]  }
0x89: {  	s3 =	sld [smem:$0x3FFE];
	_ =	sdelay $0x1  }
0x8a: {  	s1 =	srdreg.scid  }
0x8b: {  	s0 =	sand.u32 $0x1, s1  }
0x8c: {  	s16 =	sshll.u32 s0, $0xA;
	s2 =	sadd.s32 s3, s2  }
0x8d: {  	s2 =	sadd.s32 s2, s16  }
0x8e: {  	[smem:$0x3FA1] =	sst s2  }
0x8f: {  	_ = 	snop  }
0x90: {  	(tm) =	ssettm $0x1  }
0x91: {  	s17 =	sld [smem:$0x3FFB];
	_ =	sdelay $0x3  }
0x92: {  	_ =	strace s17  }
0x93: {  	s2 =	sld [smem:$0x3FFC];
	_ =	sdelay $0x3  }
0x94: {  	_ =	strace s2  }
0x95: {  	s2 =	sld [smem:$0x3FFD];
	_ =	sdelay $0x3  }
0x96: {  	_ =	strace s2  }
0x97: {  	_ =	strace $0x8FFFFFFF  }
0x98: {  	s18 =	sld [smem:$0x3FDB];
	_ =	sdelay $0x1  }
0x99: {  	s19 =	simm.s32 $_scs_section_size  }
0x9a: {  	s4 =	simm.s32 $_size__tile_overlayer_lowered;
	s5 =	simm.s32 $_tile_overlayer_lowered  }
0x9b: {  	s22 =	simm.s32 $0x1BFF;
	s21 =	sshll.u32 s5, $0x1;
	s2 =	sadd.s32 s19, s18  }
0x9c: {  	s6 =	simm.s32 $0x0;
	s20 =	sshll.u32 s4, $0x1;
	s4 =	sadd.s32 s21, s2  }
0x9d: {  	[timem:s6], [sflag:s22] =	dma.local [hbm:s4], s20  }
0x9e: {  	_ =	swait.ge [sflag:s22], s20  }
0x9f: {  	s3 =	ssub.s32 $0x0, s20;
	[sflag:s22] =	ssyncset.done $0x0  }
0xa0: {  	[sflag:s22] =	ssyncadd.s32 s3;
	_ =	sdelay $0x1  }
0xa1: {  	s23 =	simm.s32 $0x1B8B  }
0xa2: {  	_ =	swait.ge [sflag:s23], $0x1  }
0xa3: {  	[sflag:s23] =	ssyncset.done $0x0  }
0xa4: {  	s25 =	simm.s32 $0x1B8E;
	s24 =	sld [smem:$0x3FFE];
	[sflag:s23] =	ssyncadd.s32 $0xFFFFFFFF  }
0xa5: {  	s26 =	simm.s32 $execute0_lowered;
	[smem:$0x3FD2] =	sst s25  }
0xa6: {  	s4 =	sshll.u32 s26, $0x1;
	_ =	strace $0x80000046;
	[dreg:$0x1] =	wrdreg $0xFFFFFFFF  }
0xa7: {  	s28 =	simm.s32 $_size_execute0_lowered;
	s2 =	sadd.s32 s2, s4;
	[dreg:$0x0] =	wrdreg $0x0  }
0xa8: {  	s4 =	sshll.u32 s28, $0x1;
	[dreg:$0x2] =	wrdreg s2  }
0xa9: {  	[dreg:$0x3] =	wrdreg s4  }
0xaa: {  	[dreg:$0x4] =	wrdreg $0xC0  }
0xab: {  	_ =	task [dreg:s6], $0x5FFFF  }
0xac: {  	[dreg:$0x1] =	wrdreg $0xFFFFFFFF  }
0xad: {  	[dreg:$0x0] =	wrdreg $0x60  }
0xae: {  	[dreg:$0x2] =	wrdreg s24  }
0xaf: {  	[dreg:$0x3] =	wrdreg $0x2C800  }
0xb0: {  	[dreg:$0x4] =	wrdreg $0x9  }
0xb1: {  	_ =	task.clear_ibuf [dreg:s6], $0x5FFFF;
	_ =	strace $0x90000046  }
0xb2: {  	s29 =	simm.s32 $0x9;
	_ =	strace $0x80000048  }
0xb3: {  	_ =	swait.ge [sflag:s29], $0x1  }
0xb4: {  	[sflag:s29] =	ssyncadd.s32 $0xFFFFFFFF  }
0xb5: {  	_ =	strace $0x90000048  }
0xb6: {  	_ =	sfence  }
0xb7: {  	s30 =	sld [smem:$0x0];
	_ =	sdelay $0x2  }
0xb8: {  	s31 =	sshll.u32 s1, $0xD;
	s1 =	sshrl.u32 s1, $0x2  }
0xb9: {  	s3 =	sand.u32 $0x4000, s31;
	s1 =	sadd.s32 s1, s30  }
0xba: {  	s0 =	sor.u32 s3, s0;
	s1 =	sshll.u32 s1, $0x11  }
0xbb: {  	s0 =	sor.u32 s1, s0  }
0xbc: {  	s0 =	sadd.s32 $0x8F2B, s0  }
0xbd: {  	[sflag:s0] =	ssyncadd.remote.s32 $0x1  }
0xbe: {  	_ =	sfence.sel $0xFFFF  }
0xbf: {  	[dreg:$0x0] =	wrdreg $0xFFFFFFFF;
	(pc) =	sbr.abs _section_cstart, $3  }
0xc0: {  	[dreg:$0x1] =	wrdreg $0xFFFFFFFF  }
0xc1: {  	_ =	task.clear_ibuf [dreg:s6], $0x2FFFF;
	_ =	strace $0x9FFFFFFF  }
0xc2: {  	(tm) =	ssettm $0x7FFFFFFF  }
0xc3: {  	_ =	shalt  }
tec
execute0_lowered:
.L_overlay_start_1:
0x0: {  	(tag) =	ssettag $0x1  }
0x1: {  	s4 =	rddreg [dreg:$0x0]  }
0x2: {  	s0 =	srdreg.scid;
	s1 =	stileid.u32  }
0x3: {  	s2 =	rddreg [dreg:$0x1];
	s7 =	smul.u32 $0x2710, s1  }
0x4: {  	s3 =	simm.s32 $0x0;
	s11 =	simm.s32 $0x80;
	s28 =	smul.u32 $0x2780, s1  }
0x5: {  	s5 =	sand.u32 $0x1, s0;
	s0 =	rddreg [dreg:$0x2];
	s9 =	smul.u32 $0x4F000, s1  }
0x6: {  	s14 =	simm.s32 $0x0;
	[smem:$0x7FF] =	sst s3;
	s6 =	smul.u32 $0x27100, s5  }
0x7: {  	s12 =	sshll.u32 s1, $0x6;
	s8 =	smul.u32 $0x27800, s5;
	s5 =	ssub.s32 $0x2, s5  }
0x8: {  	_ =	strace $0x80000047;
	s12 =	sor.u32 $0x1C01, s12;
	s30 =	sshrl.u32 s5, $0x1  }
0x9: {  	s31 =	sshrl.u32 s9, $0x2;
	s9 =	simm.s32 $0x1;
	s6 =	sadd.s32 s7, s6  }
0xa: {  	s29 =	sadd.s32 s28, s8;
	s7 =	ssub.s32 s5, s30;
	s6 =	sshrl.u32 s6, $0x3  }
0xb: {  	s8 =	simm.s32 $0x2880;
	s10 =	sadd.s32 s6, s4;
	s6 =	sadd.s32 s29, s4  }
0xc: {  	s4 =	sadd.s32 s31, s2;
	s5 =	sadd.s32 $0x1CC00, s6;
	s6 =	smax.u32 s7, $0x1  }
0xd: {  	v0 =	vimm.f32 $1.000000000e+00;
	v1 =	vimm.f32 $0.0e+00;
	s7 =	sadd.s32 $0x12E00, s10;
	s10 =	simm.s32 $0x50;
	s13 =	sshrl.u32 s4, $0x3  }
.LBB2_1:
0xe: {  	s15 =	simm.s32 $0x0;
	s16 =	simm.s32 $0x200  }
.LBB2_2:
0xf: {  	p0 =	sne.s32 s16, $0x9E00;
	[tilespmem:s15+$0xF0] =	vst v0  }
0x10: {  	[tilespmem:s15+$0x80] =	vst v0  }
0x11: {  	[tilespmem:s15+$0x90] =	vst v0  }
.Ltmp0:
0x12: {  	[tilespmem:s15+$0xA0] =	vst v0;
	(pc) =	sbr.rel @p0 .LBB2_2-.Ltmp0, $4  }
0x13: {  	[tilespmem:s15+$0xB0] =	vst v0  }
0x14: {  	[tilespmem:s15+$0xC0] =	vst v0  }
0x15: {  	[tilespmem:s15+$0xD0] =	vst v0  }
0x16: {  	[tilespmem:s15+$0xE0] =	vst v0;
	s15 =	sshra.s32 s16, $0x2;
	s16 =	sadd.s32 $0x200, s16  }
0x17: {  	[tilespmem:s15+$0xF0] =	vst v0  }
0x18: {  	[tilespmem:s15+$0x80] =	vst v0  }
0x19: {  	[tilespmem:s15+$0x90] =	vst v0  }
0x1a: {  	[tilespmem:s15+$0xA0] =	vst v0  }
0x1b: {  	[tilespmem:s15+$0xB0] =	vst v0  }
0x1c: {  	[tilespmem:s15+$0xC0] =	vst v0  }
0x1d: {  	[tilespmem:s15+$0xD0] =	vst v0  }
0x1e: {  	[tilespmem:s15+$0xE0] =	vst v0  }
0x1f: {  	[tilespmem:$0x2880] =	vst v1  }
0x20: {  	[tilespmem:$0x2890] =	vst v1  }
0x21: {  	[tilespmem:$0x28A0] =	vst v1  }
0x22: {  	[tilespmem:$0x28B0] =	vst v1  }
0x23: {  	[tilespmem:$0x28C0] =	vst v1  }
0x24: {  	[tilespmem:$0x28D0] =	vst v1  }
0x25: {  	[tilespmem:$0x28E0] =	vst v1  }
0x26: {  	[tilespmem:$0x28F0] =	vst v1  }
0x27: {  	[tilespmem:$0x2900] =	vst v1  }
0x28: {  	[tilespmem:$0x2910] =	vst v1  }
0x29: {  	[tilespmem:$0x2920] =	vst v1  }
0x2a: {  	[tilespmem:$0x2930] =	vst v1  }
0x2b: {  	[tilespmem:$0x2940] =	vst v1  }
0x2c: {  	[tilespmem:$0x2950] =	vst v1  }
0x2d: {  	[tilespmem:$0x2960] =	vst v1  }
0x2e: {  	[tilespmem:$0x2970] =	vst v1  }
0x2f: {  	[tilespmem:$0x2980] =	vst v1  }
0x30: {  	[tilespmem:$0x2990] =	vst v1  }
0x31: {  	[tilespmem:$0x29A0] =	vst v1  }
0x32: {  	[tilespmem:$0x29B0] =	vst v1  }
0x33: {  	[tilespmem:$0x29C0] =	vst v1  }
0x34: {  	[tilespmem:$0x29D0] =	vst v1  }
0x35: {  	[tilespmem:$0x29E0] =	vst v1  }
0x36: {  	[tilespmem:$0x29F0] =	vst v1  }
0x37: {  	[tilespmem:$0x2A00] =	vst v1  }
0x38: {  	[tilespmem:$0x2A10] =	vst v1  }
0x39: {  	[tilespmem:$0x2A20] =	vst v1  }
0x3a: {  	[tilespmem:$0x2A30] =	vst v1  }
0x3b: {  	[tilespmem:$0x2A40] =	vst v1  }
0x3c: {  	[tilespmem:$0x2A50] =	vst v1  }
0x3d: {  	[tilespmem:$0x2A60] =	vst v1  }
0x3e: {  	[tilespmem:$0x2A70] =	vst v1  }
0x3f: {  	[tilespmem:$0x2A80] =	vst v1  }
0x40: {  	[tilespmem:$0x2A90] =	vst v1  }
0x41: {  	[tilespmem:$0x2AA0] =	vst v1  }
0x42: {  	[tilespmem:$0x2AB0] =	vst v1  }
0x43: {  	[tilespmem:$0x2AC0] =	vst v1  }
0x44: {  	[tilespmem:$0x2AD0] =	vst v1  }
0x45: {  	[tilespmem:$0x2AE0] =	vst v1  }
0x46: {  	[tilespmem:$0x2AF0] =	vst v1  }
0x47: {  	[tilespmem:$0x2B00] =	vst v1  }
0x48: {  	[tilespmem:$0x2B10] =	vst v1  }
0x49: {  	[tilespmem:$0x2B20] =	vst v1  }
0x4a: {  	[tilespmem:$0x2B30] =	vst v1  }
0x4b: {  	[tilespmem:$0x2B40] =	vst v1  }
0x4c: {  	[tilespmem:$0x2B50] =	vst v1  }
0x4d: {  	[tilespmem:$0x2B60] =	vst v1  }
0x4e: {  	[tilespmem:$0x2B70] =	vst v1  }
0x4f: {  	[tilespmem:$0x2B80] =	vst v1  }
0x50: {  	[tilespmem:$0x2B90] =	vst v1  }
0x51: {  	[tilespmem:$0x2BA0] =	vst v1  }
0x52: {  	[tilespmem:$0x2BB0] =	vst v1  }
0x53: {  	[tilespmem:$0x2BC0] =	vst v1  }
0x54: {  	[tilespmem:$0x2BD0] =	vst v1  }
0x55: {  	[tilespmem:$0x2BE0] =	vst v1  }
0x56: {  	[tilespmem:$0x2BF0] =	vst v1  }
0x57: {  	[tilespmem:$0x2C00] =	vst v1  }
0x58: {  	[tilespmem:$0x2C10] =	vst v1  }
0x59: {  	[tilespmem:$0x2C20] =	vst v1  }
0x5a: {  	[tilespmem:$0x2C30] =	vst v1  }
0x5b: {  	[tilespmem:$0x2C40] =	vst v1  }
0x5c: {  	[tilespmem:$0x2C50] =	vst v1  }
0x5d: {  	[tilespmem:$0x2C60] =	vst v1  }
0x5e: {  	s31 =	sadd.s32 $0x0, s4;
	[tilespmem:$0x2C70] =	vst v1  }
0x5f: {  	[spmem:s31] =	stream.linear.scatter [tilespmem:s8], [sflag:$0x1], $0x400, $0x38;
	[tilespmem:$0x16880] =	vst v63  }
0x60: {  	s15 =	simm.s32 $0x1000;
	_ =	swait.ge [sflag:s9], $0x400  }
.LBB2_4:
0x61: {  	s16 =	sshra.s32 s15, $0x2;
	[sflag:s9] =	ssyncset.done $0x0;
	p0 =	sne.s32 s15, $0x4E000  }
.Ltmp1:
0x62: {  	s16 =	sadd.s32 s16, s4;
	[sflag:s9] =	ssyncadd.s32 $0xFFFFFC00;
	(pc) =	sbr.rel @p0 .LBB2_4-.Ltmp1, $3  }
0x63: {  	[spmem:s16] =	stream.linear.scatter [tilespmem:s8], [sflag:$0x1], $0x400, $0x38;
	[tilespmem:$0x16880] =	vst v63  }
0x64: {  	s15 =	sadd.s32 $0x1000, s15;
	_ =	sdelay $0x1  }
0x65: {  	_ =	swait.ge [sflag:s9], $0x400  }
0x66: {  	[sflag:s9] =	ssyncset.done $0x0  }
0x67: {  	[sflag:s9] =	ssyncadd.s32 $0xFFFFFC00  }
0x68: {  	s15 =	sadd.s32 $0x0, s7;
	[bflag:$0x0] =	sbarrier.arrive $0xFFFF  }
0x69: {  	[tilespmem:s3], [sflag:$0x1] =	stream.linear.gather [hbm4b:s15+s3], $0x50, $0x38;
	[tilespmem:$0x16880] =	vst v63  }
0x6a: {  	_ =	swait.ge [sflag:s9], $0x50  }
0x6b: {  	[sflag:s9] =	ssyncset.done $0x0  }
0x6c: {  	[sflag:s9] =	ssyncadd.s32 $0xFFFFFFB0  }
0x6d: {  	[spmem:s2] =	stream.indirect.scatter.add.f32 [tilespmem:s11], [sflag:$0x1], $0x80, s3, s10, $0xb8;
	[tilespmem:$0x16880] =	vst v63  }
0x6e: {  	_ =	swait.ge [sflag:s9], $0x2800  }
0x6f: {  	s16 =	simm.s32 $0x14;
	s15 =	simm.s32 $0xA;
	[sflag:s9] =	ssyncset.done $0x0  }
.LBB2_6:
0x70: {  	s17 =	sadd.s32 s15, s7  }
0x71: {  	[sflag:s9] =	ssyncadd.s32 $0xFFFFD800;
	s15 =	smov.u32 s16;
	s18 =	sadd.s32 $0xA, s16  }
0x72: {  	[tilespmem:s3], [sflag:$0x1] =	stream.linear.gather [hbm4b:s17+s3], $0x50, $0x38;
	[tilespmem:$0x16880] =	vst v63  }
0x73: {  	p0 =	sne.s32 s16, $0x4D8;
	_ =	swait.ge [sflag:s9], $0x50  }
.Ltmp2:
0x74: {  	[sflag:s9] =	ssyncset.done $0x0;
	(pc) =	sbr.rel @p0 .LBB2_6-.Ltmp2, $4  }
0x75: {  	[sflag:s9] =	ssyncadd.s32 $0xFFFFFFB0  }
0x76: {  	[spmem:s2] =	stream.indirect.scatter.add.f32 [tilespmem:s11], [sflag:$0x1], $0x80, s3, s10, $0xb8;
	[tilespmem:$0x16880] =	vst v63  }
0x77: {  	_ =	swait.ge [sflag:s9], $0x2800  }
0x78: {  	s16 =	smov.u32 s18;
	[sflag:s9] =	ssyncset.done $0x0  }
0x79: {  	s15 =	sadd.s32 s15, s7;
	[sflag:s9] =	ssyncadd.s32 $0xFFFFD800  }
0x7a: {  	[tilespmem:s3], [sflag:$0x1] =	stream.linear.gather [hbm4b:s15+s3], $0x50, $0x38;
	[tilespmem:$0x16880] =	vst v63  }
0x7b: {  	_ =	swait.ge [sflag:s9], $0x50  }
0x7c: {  	[sflag:s9] =	ssyncset.done $0x0  }
0x7d: {  	[sflag:s9] =	ssyncadd.s32 $0xFFFFFFB0  }
0x7e: {  	[spmem:s2] =	stream.indirect.scatter.add.f32 [tilespmem:s11], [sflag:$0x1], $0x80, s3, s10, $0xb8;
	[tilespmem:$0x16880] =	vst v63  }
0x7f: {  	_ =	swait.ge [sflag:s9], $0x2800  }
0x80: {  	s14 =	sadd.s32 $0x1, s14;
	[sflag:s9] =	ssyncset.done $0x0  }
0x81: {  	p0 =	sne.s32 s14, s6;
	[sflag:s9] =	ssyncadd.s32 $0xFFFFD800  }
.Ltmp3:
0x82: {  	[bflag:$0x0] =	sbarrier.arrive $0xFFFF;
	(pc) =	sbr.rel @p0 .LBB2_1-.Ltmp3, $4  }
0x83: {  	[hbm:s5], [sflag:s12] =	dma.local [spmem:s13], $0x2780  }
0x84: {  	_ =	swait.ge [sflag:s9], $0x2780  }
0x85: {  	[sflag:s9] =	ssyncset.done $0x0  }
0x86: {  	[sflag:s9] =	ssyncadd.s32 $0xFFFFD880  }
0x87: {  	_ =	sfence.sel $0x180000  }
0x88: {  	[bflag:$0x0] =	sbarrier.arrive $0xFFFF  }
0x89: {  	p0 =	sne.s32 s1, $0x0;
	_ =	strace $0x90000047  }
0x8a: {  	s0 =	sadd.s32 @!p0 $0x100000, s0;
	[bflag:$0x2] =	sbarrier.arrive $0xFFFF  }
0x8b: {  	[sflag:s0] =	ssyncadd.tile.s32 @!p0 $0x1;
	_ =	shalt  }
.Lfunc_end2:
_tile_overlayer_lowered:
.L_overlay_start_2:
0x8c: {  	(tag) =	ssettag $0x2  }
0x8d: {  	s0 =	rddreg [dreg:$0x0];
	s2 =	stileid.u32  }
0x8e: {  	s1 =	rddreg [dreg:$0x1];
	p0 =	sne.s32 s2, $0x0  }
0x8f: {  	s3 =	rddreg [dreg:$0x2];
	[bflag:$0x3] =	sbarrier.arrive $0xFFFF;
	s2 =	simm.s32 @!p0 $0x1C01  }
0x90: {  	[timem:s3], [sflag:s2] =	dma.local @!p0 [hbm:s0], s1  }
0x91: {  	s0 =	simm.s32 @!p0 $0x1  }
0x92: {  	_ =	swait.ge @!p0 [sflag:s0], s1  }
0x93: {  	s1 =	ssub.s32 @!p0 $0x0, s1;
	[sflag:s0] =	ssyncset.done @!p0 $0x0  }
0x94: {  	[sflag:s0] =	ssyncadd.s32 @!p0 s1  }
0x95: {  	[bflag:$0x3] =	sbarrier.arrive $0xFFFF  }
0x96: {  	_ =	shalt  }

// kernel: kernel.18.cloned.1.call-start
scs
__scs_entry_jumppad:
0x0: {  	(pc) =	sbr.rel $0x88, $3  }
0x1: {  	(tag) =	ssettag $0x0;
	lr =	simm.s32 $0x1  }
0x2: {  	[smem:$0x3F7A] =	sst lr;
	_ =	strace $0xD0000000  }
0x3: {  	_ = 	snop  }
0x4: {  	_ = 	snop  }
0x5: {  	_ = 	snop  }
0x6: {  	_ = 	snop  }
0x7: {  	_ = 	snop  }
__scs_overlays_trampoline_lowered:
0x8: {  	[smem:$0x3F89] =	sst s0  }
0x9: {  	[smem:$0x3F8A] =	sst s1  }
0xa: {  	[smem:$0x3F8B] =	sst s2  }
0xb: {  	[smem:$0x3F8C] =	sst s3  }
0xc: {  	[smem:$0x3F8D] =	sst s4  }
0xd: {  	[smem:$0x3F8E] =	sst s5  }
0xe: {  	[smem:$0x3F8F] =	sst s6  }
0xf: {  	[smem:$0x3F90] =	sst s7  }
0x10: {  	[smem:$0x3F91] =	sst s8  }
0x11: {  	[smem:$0x3F92] =	sst s9;
	s0 =	simm.s32 @!p0 $0x0  }
0x12: {  	s1 =	sld [smem:$0x3F78];
	s0 =	simm.s32 @p0 $0x1  }
0x13: {  	[smem:$0x3F93] =	sst s0;
	s0 =	simm.s32 @!p1 $0x0  }
0x14: {  	s2 =	sld [smem:$0x3F77];
	s0 =	simm.s32 @p1 $0x1  }
0x15: {  	[smem:$0x3F94] =	sst s0;
	s0 =	simm.s32 @!p2 $0x0  }
0x16: {  	s3 =	sld [smem:$0x3FDB];
	s0 =	simm.s32 @p2 $0x1  }
0x17: {  	s4 =	simm.s32 $0x1BF5;
	[smem:$0x3F96] =	sst s0  }
0x18: {  	s0 =	sld [smem:$0x3F79];
	_ =	swait.ge [sflag:s4], $0x0  }
0x19: {  	s7 =	sld [smem:$0x3F7A]  }
0x1a: {  	s8 =	sadd.s32 $0xFFFFE003, lr  }
0x1b: {  	s9 =	sadd.s32 $0xFFFFFEF7, lr;
	s5 =	simm.s32 $0xFFFFFFFF;
	p2 =	slt.u32 s8, $0xFFFFF086  }
0x1c: {  	p1 =	slt.u32 s9, $0xF7A;
	s5 =	simm.s32 @!p2 $0x0  }
0x1d: {  	s5 =	simm.s32 @p1 $0x1;
	p0 =	seq.s32 s7, s2  }
0x1e: {  	s7 =	smul.u32 @!p0 $0xF7A, s2;
	p2 =	seq.s32 @!p0 s5, $0x0  }
0x1f: {  	s9 =	smul.u32 $0xF7A, s1;
	s8 =	simm.s32 @!p0 $0x1BF5;
	p2 =	por !p2, p0  }
0x20: {  	[sflag:s8] =	ssyncset.s32 @!p0 $0xFFFFF086;
	s6 =	sadd.s32 @!p0 s3, s7;
	s7 =	simm.s32 @!p0 $0x108  }
0x21: {  	s3 =	sadd.s32 s3, s9;
	s6 =	sadd.s32 @!p0 $0x88, s6;
	s7 =	simm.s32 @p2 $0x1082  }
0x22: {  	[simem:s7], [sflag:s8] =	dma.local @!p0 [hbm:s6], $0xF7A  }
0x23: {  	s9 =	sor.u32 $0xD0000000, s2;
	s6 =	simm.s32 $0x108;
	_ =	swait.ge @!p0 [sflag:s8], $0x0  }
0x24: {  	s3 =	sadd.s32 $0x88, s3;
	s6 =	simm.s32 @!p1 $0x1082;
	[sflag:s4] =	ssyncset.s32 $0xFFFFF086  }
0x25: {  	[simem:s6], [sflag:s4] =	dma.local [hbm:s3], $0xF7A  }
0x26: {  	[smem:$0x3F7A] =	sst s1;
	(tag) =	ssettag s2;
	_ =	strace s9  }
0x27: {  	s1 =	sld [smem:$0x3F8A]  }
0x28: {  	s2 =	sld [smem:$0x3F8B]  }
0x29: {  	s4 =	sld [smem:$0x3F8D]  }
0x2a: {  	p0 =	seq.s32 s5, $0x0;
	s5 =	sld [smem:$0x3F8E]  }
0x2b: {  	s6 =	sld [smem:$0x3F8F]  }
0x2c: {  	s7 =	sld [smem:$0x3F90]  }
0x2d: {  	s3 =	simm.s32 $0x108;
	s8 =	sld [smem:$0x3F91]  }
0x2e: {  	s3 =	simm.s32 @!p0 $0x1082;
	s9 =	sld [smem:$0x3F92]  }
0x2f: {  	lr =	sadd.s32 s0, s3;
	s0 =	sld [smem:$0x3F89]  }
0x30: {  	s3 =	sld [smem:$0x3F8C]  }
0x31: {  	[smem:$0x3F95] =	sst s10  }
0x32: {  	s10 =	sld [smem:$0x3F93];
	_ =	sdelay $0x3  }
0x33: {  	p0 =	seq.s32 s10, $0x1;
	s10 =	sld [smem:$0x3F95];
	_ =	sdelay $0x3  }
0x34: {  	[smem:$0x3F95] =	sst s10  }
0x35: {  	s10 =	sld [smem:$0x3F94];
	_ =	sdelay $0x3  }
0x36: {  	p1 =	seq.s32 s10, $0x1;
	s10 =	sld [smem:$0x3F95];
	_ =	sdelay $0x3  }
0x37: {  	[smem:$0x3F95] =	sst s10  }
0x38: {  	s10 =	sld [smem:$0x3F96]  }
0x39: {  	_ = 	snop;
	(pc) =	sbr.ind lr, $3  }
0x3a: {  	_ = 	snop  }
0x3b: {  	_ = 	snop  }
0x3c: {  	p2 =	seq.s32 s10, $0x1;
	s10 =	sld [smem:$0x3F95]  }
0x3d: {  	_ =	shalt  }
0x3e: {  	_ =	shalt  }
0x3f: {  	_ =	shalt  }
0x40: {  	_ =	shalt  }
0x41: {  	_ =	shalt  }
0x42: {  	_ =	shalt  }
0x43: {  	_ =	shalt  }
0x44: {  	_ =	shalt  }
0x45: {  	_ =	shalt  }
0x46: {  	_ =	shalt  }
0x47: {  	_ =	shalt  }
0x48: {  	_ =	shalt  }
0x49: {  	_ =	shalt  }
0x4a: {  	_ =	shalt  }
0x4b: {  	_ =	shalt  }
0x4c: {  	_ =	shalt  }
0x4d: {  	_ =	shalt  }
0x4e: {  	_ =	shalt  }
0x4f: {  	_ =	shalt  }
0x50: {  	_ =	shalt  }
0x51: {  	_ =	shalt  }
0x52: {  	_ =	shalt  }
0x53: {  	_ =	shalt  }
0x54: {  	_ =	shalt  }
0x55: {  	_ =	shalt  }
0x56: {  	_ =	shalt  }
0x57: {  	_ =	shalt  }
0x58: {  	_ =	shalt  }
0x59: {  	_ =	shalt  }
0x5a: {  	_ =	shalt  }
0x5b: {  	_ =	shalt  }
0x5c: {  	_ =	shalt  }
0x5d: {  	_ =	shalt  }
0x5e: {  	_ =	shalt  }
0x5f: {  	_ =	shalt  }
0x60: {  	_ =	shalt  }
0x61: {  	_ =	shalt  }
0x62: {  	_ =	shalt  }
0x63: {  	_ =	shalt  }
0x64: {  	_ =	shalt  }
0x65: {  	_ =	shalt  }
0x66: {  	_ =	shalt  }
0x67: {  	_ =	shalt  }
0x68: {  	_ =	shalt  }
0x69: {  	_ =	shalt  }
0x6a: {  	_ =	shalt  }
0x6b: {  	_ =	shalt  }
0x6c: {  	_ =	shalt  }
0x6d: {  	_ =	shalt  }
0x6e: {  	_ =	shalt  }
0x6f: {  	_ =	shalt  }
0x70: {  	_ =	shalt  }
0x71: {  	_ =	shalt  }
0x72: {  	_ =	shalt  }
0x73: {  	_ =	shalt  }
0x74: {  	_ =	shalt  }
0x75: {  	_ =	shalt  }
0x76: {  	_ =	shalt  }
0x77: {  	_ =	shalt  }
0x78: {  	_ =	shalt  }
0x79: {  	_ =	shalt  }
0x7a: {  	_ =	shalt  }
0x7b: {  	_ =	shalt  }
0x7c: {  	_ =	shalt  }
0x7d: {  	_ =	shalt  }
0x7e: {  	_ =	shalt  }
0x7f: {  	_ =	shalt  }
0x80: {  	_ =	shalt  }
0x81: {  	_ =	shalt  }
0x82: {  	_ =	shalt  }
0x83: {  	_ =	shalt  }
0x84: {  	_ =	shalt  }
0x85: {  	_ =	shalt  }
0x86: {  	_ =	shalt  }
0x87: {  	_ =	shalt  }
.Lfunc_end0:
.L_simem_size_0:
called_computation.1_lowered:
.L_overlay_start_0:
0x88: {  	s2 =	sld [smem:$0x3FD9]  }
0x89: {  	s3 =	sld [smem:$0x3FFE];
	_ =	sdelay $0x1  }
0x8a: {  	s1 =	srdreg.scid  }
0x8b: {  	s0 =	sand.u32 $0x1, s1  }
0x8c: {  	s16 =	sshll.u32 s0, $0xA;
	s2 =	sadd.s32 s3, s2  }
0x8d: {  	s2 =	sadd.s32 s2, s16  }
0x8e: {  	[smem:$0x3FA1] =	sst s2  }
0x8f: {  	_ = 	snop  }
0x90: {  	(tm) =	ssettm $0x1  }
0x91: {  	s17 =	sld [smem:$0x3FFB];
	_ =	sdelay $0x3  }
0x92: {  	_ =	strace s17  }
0x93: {  	s2 =	sld [smem:$0x3FFC];
	_ =	sdelay $0x3  }
0x94: {  	_ =	strace s2  }
0x95: {  	s2 =	sld [smem:$0x3FFD];
	_ =	sdelay $0x3  }
0x96: {  	_ =	strace s2  }
0x97: {  	_ =	strace $0x8FFFFFFF  }
0x98: {  	s18 =	sld [smem:$0x3FDB];
	_ =	sdelay $0x1  }
0x99: {  	s19 =	simm.s32 $_scs_section_size  }
0x9a: {  	s4 =	simm.s32 $_size__tile_overlayer_lowered;
	s5 =	simm.s32 $_tile_overlayer_lowered  }
0x9b: {  	s22 =	simm.s32 $0x1BFF;
	s21 =	sshll.u32 s5, $0x1;
	s2 =	sadd.s32 s19, s18  }
0x9c: {  	s6 =	simm.s32 $0x0;
	s20 =	sshll.u32 s4, $0x1;
	s4 =	sadd.s32 s21, s2  }
0x9d: {  	[timem:s6], [sflag:s22] =	dma.local [hbm:s4], s20  }
0x9e: {  	_ =	swait.ge [sflag:s22], s20  }
0x9f: {  	s3 =	ssub.s32 $0x0, s20;
	[sflag:s22] =	ssyncset.done $0x0  }
0xa0: {  	[sflag:s22] =	ssyncadd.s32 s3;
	_ =	sdelay $0x1  }
0xa1: {  	s23 =	simm.s32 $0x1B8B  }
0xa2: {  	_ =	swait.ge [sflag:s23], $0x1  }
0xa3: {  	[sflag:s23] =	ssyncset.done $0x0  }
0xa4: {  	s25 =	simm.s32 $0x1B8E;
	s24 =	sld [smem:$0x3FFE];
	[sflag:s23] =	ssyncadd.s32 $0xFFFFFFFF  }
0xa5: {  	s26 =	simm.s32 $execute0_lowered;
	[smem:$0x3FD2] =	sst s25  }
0xa6: {  	s4 =	sshll.u32 s26, $0x1;
	_ =	strace $0x80000049;
	[dreg:$0x1] =	wrdreg $0xFFFFFFFF  }
0xa7: {  	s28 =	simm.s32 $_size_execute0_lowered;
	s2 =	sadd.s32 s2, s4;
	[dreg:$0x0] =	wrdreg $0x0  }
0xa8: {  	s4 =	sshll.u32 s28, $0x1;
	[dreg:$0x2] =	wrdreg s2  }
0xa9: {  	[dreg:$0x3] =	wrdreg s4  }
0xaa: {  	[dreg:$0x4] =	wrdreg $0xC0  }
0xab: {  	_ =	task [dreg:s6], $0x5FFFF  }
0xac: {  	[dreg:$0x1] =	wrdreg $0xFFFFFFFF  }
0xad: {  	[dreg:$0x0] =	wrdreg $0x60  }
0xae: {  	[dreg:$0x2] =	wrdreg s24  }
0xaf: {  	[dreg:$0x3] =	wrdreg $0x55000  }
0xb0: {  	[dreg:$0x4] =	wrdreg $0x9  }
0xb1: {  	_ =	task.clear_ibuf [dreg:s6], $0x5FFFF;
	_ =	strace $0x90000049  }
0xb2: {  	s29 =	simm.s32 $0x9;
	_ =	strace $0x8000004B  }
0xb3: {  	_ =	swait.ge [sflag:s29], $0x1  }
0xb4: {  	[sflag:s29] =	ssyncadd.s32 $0xFFFFFFFF  }
0xb5: {  	_ =	strace $0x9000004B  }
0xb6: {  	_ =	sfence  }
0xb7: {  	s30 =	sld [smem:$0x0];
	_ =	sdelay $0x2  }
0xb8: {  	s31 =	sshll.u32 s1, $0xD;
	s1 =	sshrl.u32 s1, $0x2  }
0xb9: {  	s3 =	sand.u32 $0x4000, s31;
	s1 =	sadd.s32 s1, s30  }
0xba: {  	s0 =	sor.u32 s3, s0;
	s1 =	sshll.u32 s1, $0x11  }
0xbb: {  	s0 =	sor.u32 s1, s0  }
0xbc: {  	s0 =	sadd.s32 $0x8F2B, s0  }
0xbd: {  	[sflag:s0] =	ssyncadd.remote.s32 $0x1  }
0xbe: {  	_ =	sfence.sel $0xFFFF  }
0xbf: {  	[dreg:$0x0] =	wrdreg $0xFFFFFFFF;
	(pc) =	sbr.abs _section_cstart, $3  }
0xc0: {  	[dreg:$0x1] =	wrdreg $0xFFFFFFFF  }
0xc1: {  	_ =	task.clear_ibuf [dreg:s6], $0x2FFFF;
	_ =	strace $0x9FFFFFFF  }
0xc2: {  	(tm) =	ssettm $0x7FFFFFFF  }
0xc3: {  	_ =	shalt  }
tec
execute0_lowered:
.L_overlay_start_1:
0x0: {  	(tag) =	ssettag $0x1  }
0x1: {  	s9 =	rddreg [dreg:$0x0]  }
0x2: {  	s1 =	rddreg [dreg:$0x1]  }
0x3: {  	s0 =	rddreg [dreg:$0x2];
	s2 =	simm.s32 $0x0  }
0x4: {  	s3 =	srdreg.scid;
	s14 =	simm.s32 $0x2;
	s15 =	simm.s32 $0x80  }
0x5: {  	s16 =	simm.s32 $0x50;
	s17 =	simm.s32 $0x100;
	s18 =	simm.s32 $0x19100  }
0x6: {  	s19 =	simm.s32 $0x2900;
	s20 =	simm.s32 $0x1;
	[smem:$0x7FF] =	sst s2  }
0x7: {  	s10 =	sand.u32 $0x1, s3;
	s3 =	stileid.u32;
	s4 =	sadd.s32 $0x12E00, s9  }
0x8: {  	s5 =	sadd.s32 $0x574E00, s9;
	s6 =	sadd.s32 $0x9000, s9;
	s11 =	smul.u32 $0x27800, s10  }
0x9: {  	s7 =	sadd.s32 $0x54DC00, s9;
	s8 =	sadd.s32 $0x1CC00, s9;
	s12 =	smul.u32 $0x2780, s3  }
0xa: {  	_ =	strace $0x8000004A;
	s29 =	ssub.s32 $0x2, s10;
	s13 =	smul.u32 $0x4F000, s3  }
0xb: {  	s10 =	sshll.u32 s10, $0x4;
	s21 =	sshll.u32 s3, $0x6;
	s30 =	sshrl.u32 s29, $0x1  }
0xc: {  	s10 =	sor.u32 s3, s10;
	s21 =	sor.u32 $0x1C02, s21;
	s11 =	sadd.s32 s12, s11  }
0xd: {  	s12 =	ssub.s32 s29, s30;
	s31 =	sshrl.u32 s13, $0x2;
	s10 =	smul.u32 $0x2710, s10  }
0xe: {  	s13 =	simm.s32 $0x5100;
	s11 =	sadd.s32 s11, s9;
	s9 =	sadd.s32 s31, s1  }
0xf: {  	v0 =	vimm.f32 $0.0e+00;
	s12 =	smax.u32 s12, $0x1;
	s11 =	sadd.s32 $0xA7E000, s11;
	s22 =	sshrl.u32 s9, $0x3  }
.LBB2_1:
0x10: {  	[tilespmem:$0x5100] =	vst v0  }
0x11: {  	[tilespmem:$0x5110] =	vst v0  }
0x12: {  	[tilespmem:$0x5120] =	vst v0  }
0x13: {  	[tilespmem:$0x5130] =	vst v0  }
0x14: {  	[tilespmem:$0x5140] =	vst v0  }
0x15: {  	[tilespmem:$0x5150] =	vst v0  }
0x16: {  	[tilespmem:$0x5160] =	vst v0  }
0x17: {  	[tilespmem:$0x5170] =	vst v0  }
0x18: {  	[tilespmem:$0x5180] =	vst v0  }
0x19: {  	[tilespmem:$0x5190] =	vst v0  }
0x1a: {  	[tilespmem:$0x51A0] =	vst v0  }
0x1b: {  	[tilespmem:$0x51B0] =	vst v0  }
0x1c: {  	[tilespmem:$0x51C0] =	vst v0  }
0x1d: {  	[tilespmem:$0x51D0] =	vst v0  }
0x1e: {  	[tilespmem:$0x51E0] =	vst v0  }
0x1f: {  	[tilespmem:$0x51F0] =	vst v0  }
0x20: {  	[tilespmem:$0x5200] =	vst v0  }
0x21: {  	[tilespmem:$0x5210] =	vst v0  }
0x22: {  	[tilespmem:$0x5220] =	vst v0  }
0x23: {  	[tilespmem:$0x5230] =	vst v0  }
0x24: {  	[tilespmem:$0x5240] =	vst v0  }
0x25: {  	[tilespmem:$0x5250] =	vst v0  }
0x26: {  	[tilespmem:$0x5260] =	vst v0  }
0x27: {  	[tilespmem:$0x5270] =	vst v0  }
0x28: {  	[tilespmem:$0x5280] =	vst v0  }
0x29: {  	[tilespmem:$0x5290] =	vst v0  }
0x2a: {  	[tilespmem:$0x52A0] =	vst v0  }
0x2b: {  	[tilespmem:$0x52B0] =	vst v0  }
0x2c: {  	[tilespmem:$0x52C0] =	vst v0  }
0x2d: {  	[tilespmem:$0x52D0] =	vst v0  }
0x2e: {  	[tilespmem:$0x52E0] =	vst v0  }
0x2f: {  	[tilespmem:$0x52F0] =	vst v0  }
0x30: {  	[tilespmem:$0x5300] =	vst v0  }
0x31: {  	[tilespmem:$0x5310] =	vst v0  }
0x32: {  	[tilespmem:$0x5320] =	vst v0  }
0x33: {  	[tilespmem:$0x5330] =	vst v0  }
0x34: {  	[tilespmem:$0x5340] =	vst v0  }
0x35: {  	[tilespmem:$0x5350] =	vst v0  }
0x36: {  	[tilespmem:$0x5360] =	vst v0  }
0x37: {  	[tilespmem:$0x5370] =	vst v0  }
0x38: {  	[tilespmem:$0x5380] =	vst v0  }
0x39: {  	[tilespmem:$0x5390] =	vst v0  }
0x3a: {  	[tilespmem:$0x53A0] =	vst v0  }
0x3b: {  	[tilespmem:$0x53B0] =	vst v0  }
0x3c: {  	[tilespmem:$0x53C0] =	vst v0  }
0x3d: {  	[tilespmem:$0x53D0] =	vst v0  }
0x3e: {  	[tilespmem:$0x53E0] =	vst v0  }
0x3f: {  	[tilespmem:$0x53F0] =	vst v0  }
0x40: {  	[tilespmem:$0x5400] =	vst v0  }
0x41: {  	[tilespmem:$0x5410] =	vst v0  }
0x42: {  	[tilespmem:$0x5420] =	vst v0  }
0x43: {  	[tilespmem:$0x5430] =	vst v0  }
0x44: {  	[tilespmem:$0x5440] =	vst v0  }
0x45: {  	[tilespmem:$0x5450] =	vst v0  }
0x46: {  	[tilespmem:$0x5460] =	vst v0  }
0x47: {  	[tilespmem:$0x5470] =	vst v0  }
0x48: {  	[tilespmem:$0x5480] =	vst v0  }
0x49: {  	[tilespmem:$0x5490] =	vst v0  }
0x4a: {  	[tilespmem:$0x54A0] =	vst v0  }
0x4b: {  	[tilespmem:$0x54B0] =	vst v0  }
0x4c: {  	[tilespmem:$0x54C0] =	vst v0  }
0x4d: {  	[tilespmem:$0x54D0] =	vst v0  }
0x4e: {  	[tilespmem:$0x54E0] =	vst v0  }
0x4f: {  	[tilespmem:$0x54F0] =	vst v0;
	s23 =	sadd.s32 $0x0, s9  }
0x50: {  	[spmem:s23] =	stream.linear.scatter [tilespmem:s13], [sflag:$0x2], $0x400, $0x38;
	[tilespmem:$0x1B900] =	vst v63  }
0x51: {  	s23 =	simm.s32 $0x1000;
	_ =	swait.ge [sflag:s14], $0x400  }
.LBB2_2:
0x52: {  	s24 =	sshra.s32 s23, $0x2;
	[sflag:s14] =	ssyncset.done $0x0;
	p0 =	sne.s32 s23, $0x4E000  }
.Ltmp0:
0x53: {  	s24 =	sadd.s32 s24, s9;
	[sflag:s14] =	ssyncadd.s32 $0xFFFFFC00;
	(pc) =	sbr.rel @p0 .LBB2_2-.Ltmp0, $3  }
0x54: {  	[spmem:s24] =	stream.linear.scatter [tilespmem:s13], [sflag:$0x2], $0x400, $0x38;
	[tilespmem:$0x1B900] =	vst v63  }
0x55: {  	s23 =	sadd.s32 $0x1000, s23;
	_ =	sdelay $0x1  }
0x56: {  	_ =	swait.ge [sflag:s14], $0x400  }
0x57: {  	[sflag:s14] =	ssyncset.done $0x0  }
0x58: {  	[sflag:s14] =	ssyncadd.s32 $0xFFFFFC00  }
0x59: {  	s23 =	simm.s32 $0x0;
	s24 =	simm.s32 $0x0;
	[bflag:$0x0] =	sbarrier.arrive $0xFFFF  }
.LBB2_4:
0x5a: {  	s25 =	smul.u32 $0x50, s24;
	_ =	sdelay $0x1  }
0x5b: {  	s25 =	sadd.s32 s10, s25  }
0x5c: {  	s26 =	sshrl.u32 s25, $0x3  }
0x5d: {  	s28 =	sadd.s32 s4, s26  }
0x5e: {  	[tilespmem:s23], [sflag:$0x2] =	stream.linear.gather [hbm4b:s28+s23], $0x50, $0x38;
	[tilespmem:$0x1B900] =	vst v63  }
0x5f: {  	_ =	swait.ge [sflag:s14], $0x50  }
0x60: {  	[sflag:s14] =	ssyncset.done $0x0  }
0x61: {  	s26 =	sadd.s32 s6, s26;
	[sflag:s14] =	ssyncadd.s32 $0xFFFFFFB0  }
0x62: {  	[tilespmem:s15], [sflag:$0x2] =	stream.linear.gather [hbm4b:s26+s23], $0x50, $0x38;
	[tilespmem:$0x1B900] =	vst v63  }
0x63: {  	_ =	swait.ge [sflag:s14], $0x50  }
0x64: {  	[sflag:s14] =	ssyncset.done $0x0  }
0x65: {  	[sflag:s14] =	ssyncadd.s32 $0xFFFFFFB0  }
0x66: {  	[tilespmem:s17], [sflag:$0x1] =	stream.indirect.gather [hbm4b:s7+s16], $0x80, s23, s16, $0xb8;
	[tilespmem:$0x1B900] =	vst v63  }
0x67: {  	s25 =	sshll.u32 s25, $0x4  }
0x68: {  	[tilespmem:s18], [sflag:$0x1] =	stream.indirect.gather [hbm4b:s8+s16], $0x80, s23, s16, $0xb8;
	[tilespmem:$0x1B900] =	vst v63  }
0x69: {  	s25 =	sadd.s32 s5, s25  }
0x6a: {  	[tilespmem:s19], [sflag:$0x2] =	stream.linear.gather [hbm4b:s25+s23], $0x2800, $0x38;
	[tilespmem:$0x1B900] =	vst v63  }
0x6b: {  	_ =	swait.ge [sflag:s14], $0x2800  }
0x6c: {  	[sflag:s14] =	ssyncset.done $0x0  }
0x6d: {  	[sflag:s14] =	ssyncadd.s32 $0xFFFFD800  }
0x6e: {  	_ =	swait.ge [sflag:s20], $0x2800  }
0x6f: {  	[sflag:s20] =	ssyncset.done $0x0  }
0x70: {  	[sflag:s20] =	ssyncadd.s32 $0xFFFFD800  }
0x71: {  	_ =	swait.ge [sflag:s20], $0x2800  }
0x72: {  	[sflag:s20] =	ssyncset.done $0x0  }
0x73: {  	s25 =	simm.s32 $0x0;
	[sflag:s20] =	ssyncadd.s32 $0xFFFFD800  }
0x74: {  	v5 =	vld [tilespmem:s25+$0x19100]  }
0x75: {  	v4 =	vld [tilespmem:s25+$0x19110]  }
0x76: {  	v3 =	vld [tilespmem:s25+$0x19120]  }
0x77: {  	v2 =	vld [tilespmem:s25+$0x19130]  }
0x78: {  	v1 =	vld [tilespmem:s25+$0x19140]  }
0x79: {  	v11 =	vld [tilespmem:s25+$0x2900]  }
0x7a: {  	v17 =	vld [tilespmem:s25+$0x2910]  }
0x7b: {  	v12 =	vld [tilespmem:s25+$0x2920]  }
0x7c: {  	v10 =	vld [tilespmem:s25+$0x2930]  }
0x7d: {  	v9 =	vld [tilespmem:s25+$0x2940]  }
0x7e: {  	v8 =	vld [tilespmem:s25+$0x2950]  }
0x7f: {  	v7 =	vld [tilespmem:s25+$0x2960]  }
0x80: {  	v6 =	vld [tilespmem:s25+$0x2970]  }
0x81: {  	v18 =	vld [tilespmem:s25+$0x100]  }
0x82: {  	v19 =	vld [tilespmem:s25+$0x110]  }
0x83: {  	v16 =	vld [tilespmem:s25+$0x120]  }
0x84: {  	v15 =	vld [tilespmem:s25+$0x130]  }
0x85: {  	v14 =	vld [tilespmem:s25+$0x140]  }
0x86: {  	v13 =	vld [tilespmem:s25+$0x150];
	v18 =	vadd.f32 v11, v18  }
0x87: {  	s26 =	simm.s32 $0x200;
	v17 =	vadd.f32 v17, v19;
	v11 =	vld [tilespmem:s25+$0x160]  }
.LBB2_5:
0x88: {  	p0 =	sne.s32 s26, $0x9E00;
	v18 =	vmax.f32 v18, $0.0e+00;
	v12 =	vadd.f32 v12, v16;
	v16 =	vld [tilespmem:s25+$0x170]  }
0x89: {  	v5 =	vmul.f32 v18, v5;
	v17 =	vmax.f32 v17, $0.0e+00;
	v10 =	vadd.f32 v10, v15;
	v15 =	vld [tilespmem:s25+$0x19150]  }
0x8a: {  	v4 =	vmul.f32 v17, v4;
	v12 =	vmax.f32 v12, $0.0e+00;
	v9 =	vadd.f32 v9, v14;
	v14 =	vld [tilespmem:s25+$0x19160]  }
0x8b: {  	s28 =	sshra.s32 s26, $0x2;
	[tilespmem:s25+$0x100] =	vst v5;
	v3 =	vmul.f32 v12, v3;
	v10 =	vmax.f32 v10, $0.0e+00;
	v8 =	vadd.f32 v8, v13;
	v12 =	vld [tilespmem:s25+$0x19170]  }
0x8c: {  	v5 =	vld [tilespmem:s28+$0x19100];
	[tilespmem:s25+$0x110] =	vst v4;
	v2 =	vmul.f32 v10, v2;
	v9 =	vmax.f32 v9, $0.0e+00;
	v7 =	vadd.f32 v7, v11  }
0x8d: {  	v4 =	vld [tilespmem:s28+$0x19110];
	[tilespmem:s25+$0x120] =	vst v3;
	v1 =	vmul.f32 v9, v1;
	v8 =	vmax.f32 v8, $0.0e+00;
	v6 =	vadd.f32 v6, v16  }
0x8e: {  	v3 =	vld [tilespmem:s28+$0x19120];
	[tilespmem:s25+$0x130] =	vst v2;
	v8 =	vmul.f32 v8, v15;
	v7 =	vmax.f32 v7, $0.0e+00  }
0x8f: {  	v2 =	vld [tilespmem:s28+$0x19130];
	[tilespmem:s25+$0x140] =	vst v1;
	v7 =	vmul.f32 v7, v14;
	v6 =	vmax.f32 v6, $0.0e+00  }
0x90: {  	v1 =	vld [tilespmem:s28+$0x19140];
	[tilespmem:s25+$0x150] =	vst v8;
	v6 =	vmul.f32 v6, v12  }
0x91: {  	v11 =	vld [tilespmem:s28+$0x2900];
	[tilespmem:s25+$0x160] =	vst v7  }
0x92: {  	v17 =	vld [tilespmem:s28+$0x2910];
	[tilespmem:s25+$0x170] =	vst v6;
	s25 =	smov.u32 s28  }
0x93: {  	v12 =	vld [tilespmem:s25+$0x2920]  }
0x94: {  	v10 =	vld [tilespmem:s25+$0x2930]  }
0x95: {  	v9 =	vld [tilespmem:s25+$0x2940]  }
0x96: {  	v8 =	vld [tilespmem:s25+$0x2950]  }
0x97: {  	v7 =	vld [tilespmem:s25+$0x2960]  }
0x98: {  	v6 =	vld [tilespmem:s25+$0x2970]  }
0x99: {  	v13 =	vld [tilespmem:s25+$0x100]  }
0x9a: {  	v19 =	vld [tilespmem:s25+$0x110]  }
.Ltmp1:
0x9b: {  	v16 =	vld [tilespmem:s25+$0x120];
	(pc) =	sbr.rel @p0 .LBB2_5-.Ltmp1, $4  }
0x9c: {  	v15 =	vld [tilespmem:s25+$0x130]  }
0x9d: {  	v14 =	vld [tilespmem:s25+$0x140]  }
0x9e: {  	v18 =	vadd.f32 v11, v13;
	v13 =	vld [tilespmem:s25+$0x150]  }
0x9f: {  	s26 =	sadd.s32 $0x200, s26;
	v17 =	vadd.f32 v17, v19;
	v11 =	vld [tilespmem:s25+$0x160]  }
0xa0: {  	v18 =	vmax.f32 v18, $0.0e+00;
	v19 =	vld [tilespmem:s25+$0x170];
	v12 =	vadd.f32 v12, v16  }
0xa1: {  	v57 =	vld [tilespmem:s25+$0x19150];
	v5 =	vmul.f32 v18, v5;
	v17 =	vmax.f32 v17, $0.0e+00;
	v10 =	vadd.f32 v10, v15  }
0xa2: {  	v58 =	vld [tilespmem:s25+$0x19160];
	v4 =	vmul.f32 v17, v4;
	v12 =	vmax.f32 v12, $0.0e+00;
	v9 =	vadd.f32 v9, v14  }
0xa3: {  	v60 =	vld [tilespmem:s25+$0x19170];
	[tilespmem:s25+$0x100] =	vst v5;
	v3 =	vmul.f32 v12, v3;
	v59 =	vmax.f32 v10, $0.0e+00;
	v8 =	vadd.f32 v8, v13  }
0xa4: {  	[tilespmem:s25+$0x110] =	vst v4;
	v2 =	vmul.f32 v59, v2;
	v61 =	vmax.f32 v9, $0.0e+00;
	v62 =	vadd.f32 v7, v11  }
0xa5: {  	[tilespmem:s25+$0x120] =	vst v3;
	v1 =	vmul.f32 v61, v1;
	v3 =	vmax.f32 v8, $0.0e+00;
	v63 =	vadd.f32 v6, v19  }
0xa6: {  	[tilespmem:s25+$0x130] =	vst v2;
	v2 =	vmul.f32 v3, v57;
	v3 =	vmax.f32 v62, $0.0e+00  }
0xa7: {  	[tilespmem:s25+$0x140] =	vst v1;
	v1 =	vmul.f32 v3, v58;
	v3 =	vmax.f32 v63, $0.0e+00  }
0xa8: {  	s24 =	sadd.s32 $0x1, s24;
	[tilespmem:s25+$0x150] =	vst v2;
	v2 =	vmul.f32 v3, v60  }
0xa9: {  	p0 =	sne.s32 s24, $0x7D;
	[tilespmem:s25+$0x160] =	vst v1  }
.Ltmp2:
0xaa: {  	[tilespmem:s25+$0x170] =	vst v2;
	(pc) =	sbr.rel @p0 .LBB2_4-.Ltmp2, $4  }
0xab: {  	[spmem:s1] =	stream.indirect.scatter.add.f32 [tilespmem:s17], [sflag:$0x2], $0x80, s15, s16, $0xb8;
	[tilespmem:$0x1B900] =	vst v63  }
0xac: {  	_ =	swait.ge [sflag:s14], $0x2800  }
0xad: {  	[sflag:s14] =	ssyncset.done $0x0  }
0xae: {  	[sflag:s14] =	ssyncadd.s32 $0xFFFFD800  }
0xaf: {  	s2 =	sadd.s32 $0x1, s2  }
0xb0: {  	p0 =	sne.s32 s2, s12  }
.Ltmp3:
0xb1: {  	[bflag:$0x0] =	sbarrier.arrive $0xFFFF;
	(pc) =	sbr.rel @p0 .LBB2_1-.Ltmp3, $4  }
0xb2: {  	[hbm:s11], [sflag:s21] =	dma.local [spmem:s22], $0x2780  }
0xb3: {  	_ =	swait.ge [sflag:s14], $0x2780  }
0xb4: {  	[sflag:s14] =	ssyncset.done $0x0  }
0xb5: {  	[sflag:s14] =	ssyncadd.s32 $0xFFFFD880  }
0xb6: {  	_ =	sfence.sel $0x180000  }
0xb7: {  	[bflag:$0x0] =	sbarrier.arrive $0xFFFF  }
0xb8: {  	p0 =	sne.s32 s3, $0x0;
	_ =	strace $0x9000004A  }
0xb9: {  	s0 =	sadd.s32 @!p0 $0x100000, s0;
	[bflag:$0x2] =	sbarrier.arrive $0xFFFF  }
0xba: {  	[sflag:s0] =	ssyncadd.tile.s32 @!p0 $0x1;
	_ =	shalt  }
.Lfunc_end2:
_tile_overlayer_lowered:
.L_overlay_start_2:
0xbb: {  	(tag) =	ssettag $0x2  }
0xbc: {  	s0 =	rddreg [dreg:$0x0];
	s2 =	stileid.u32  }
0xbd: {  	s1 =	rddreg [dreg:$0x1];
	p0 =	sne.s32 s2, $0x0  }
0xbe: {  	s3 =	rddreg [dreg:$0x2];
	[bflag:$0x3] =	sbarrier.arrive $0xFFFF;
	s2 =	simm.s32 @!p0 $0x1C02  }
0xbf: {  	[timem:s3], [sflag:s2] =	dma.local @!p0 [hbm:s0], s1  }
0xc0: {  	s0 =	simm.s32 @!p0 $0x2  }
0xc1: {  	_ =	swait.ge @!p0 [sflag:s0], s1  }
0xc2: {  	s1 =	ssub.s32 @!p0 $0x0, s1;
	[sflag:s0] =	ssyncset.done @!p0 $0x0  }
0xc3: {  	[sflag:s0] =	ssyncadd.s32 @!p0 s1  }
0xc4: {  	[bflag:$0x3] =	sbarrier.arrive $0xFFFF  }
0xc5: {  	_ =	shalt  }

// kernel: kernel.21.cloned.1.call-start
scs
__scs_entry_jumppad:
0x0: {  	(pc) =	sbr.rel $0x88, $3  }
0x1: {  	(tag) =	ssettag $0x0;
	lr =	simm.s32 $0x1  }
0x2: {  	[smem:$0x3F7A] =	sst lr;
	_ =	strace $0xD0000000  }
0x3: {  	_ = 	snop  }
0x4: {  	_ = 	snop  }
0x5: {  	_ = 	snop  }
0x6: {  	_ = 	snop  }
0x7: {  	_ = 	snop  }
__scs_overlays_trampoline_lowered:
0x8: {  	[smem:$0x3F89] =	sst s0  }
0x9: {  	[smem:$0x3F8A] =	sst s1  }
0xa: {  	[smem:$0x3F8B] =	sst s2  }
0xb: {  	[smem:$0x3F8C] =	sst s3  }
0xc: {  	[smem:$0x3F8D] =	sst s4  }
0xd: {  	[smem:$0x3F8E] =	sst s5  }
0xe: {  	[smem:$0x3F8F] =	sst s6  }
0xf: {  	[smem:$0x3F90] =	sst s7  }
0x10: {  	[smem:$0x3F91] =	sst s8  }
0x11: {  	[smem:$0x3F92] =	sst s9;
	s0 =	simm.s32 @!p0 $0x0  }
0x12: {  	s1 =	sld [smem:$0x3F78];
	s0 =	simm.s32 @p0 $0x1  }
0x13: {  	[smem:$0x3F93] =	sst s0;
	s0 =	simm.s32 @!p1 $0x0  }
0x14: {  	s2 =	sld [smem:$0x3F77];
	s0 =	simm.s32 @p1 $0x1  }
0x15: {  	[smem:$0x3F94] =	sst s0;
	s0 =	simm.s32 @!p2 $0x0  }
0x16: {  	s3 =	sld [smem:$0x3FDB];
	s0 =	simm.s32 @p2 $0x1  }
0x17: {  	s4 =	simm.s32 $0x1BF5;
	[smem:$0x3F96] =	sst s0  }
0x18: {  	s0 =	sld [smem:$0x3F79];
	_ =	swait.ge [sflag:s4], $0x0  }
0x19: {  	s7 =	sld [smem:$0x3F7A]  }
0x1a: {  	s8 =	sadd.s32 $0xFFFFE003, lr  }
0x1b: {  	s9 =	sadd.s32 $0xFFFFFEF7, lr;
	s5 =	simm.s32 $0xFFFFFFFF;
	p2 =	slt.u32 s8, $0xFFFFF086  }
0x1c: {  	p1 =	slt.u32 s9, $0xF7A;
	s5 =	simm.s32 @!p2 $0x0  }
0x1d: {  	s5 =	simm.s32 @p1 $0x1;
	p0 =	seq.s32 s7, s2  }
0x1e: {  	s7 =	smul.u32 @!p0 $0xF7A, s2;
	p2 =	seq.s32 @!p0 s5, $0x0  }
0x1f: {  	s9 =	smul.u32 $0xF7A, s1;
	s8 =	simm.s32 @!p0 $0x1BF5;
	p2 =	por !p2, p0  }
0x20: {  	[sflag:s8] =	ssyncset.s32 @!p0 $0xFFFFF086;
	s6 =	sadd.s32 @!p0 s3, s7;
	s7 =	simm.s32 @!p0 $0x108  }
0x21: {  	s3 =	sadd.s32 s3, s9;
	s6 =	sadd.s32 @!p0 $0x88, s6;
	s7 =	simm.s32 @p2 $0x1082  }
0x22: {  	[simem:s7], [sflag:s8] =	dma.local @!p0 [hbm:s6], $0xF7A  }
0x23: {  	s9 =	sor.u32 $0xD0000000, s2;
	s6 =	simm.s32 $0x108;
	_ =	swait.ge @!p0 [sflag:s8], $0x0  }
0x24: {  	s3 =	sadd.s32 $0x88, s3;
	s6 =	simm.s32 @!p1 $0x1082;
	[sflag:s4] =	ssyncset.s32 $0xFFFFF086  }
0x25: {  	[simem:s6], [sflag:s4] =	dma.local [hbm:s3], $0xF7A  }
0x26: {  	[smem:$0x3F7A] =	sst s1;
	(tag) =	ssettag s2;
	_ =	strace s9  }
0x27: {  	s1 =	sld [smem:$0x3F8A]  }
0x28: {  	s2 =	sld [smem:$0x3F8B]  }
0x29: {  	s4 =	sld [smem:$0x3F8D]  }
0x2a: {  	p0 =	seq.s32 s5, $0x0;
	s5 =	sld [smem:$0x3F8E]  }
0x2b: {  	s6 =	sld [smem:$0x3F8F]  }
0x2c: {  	s7 =	sld [smem:$0x3F90]  }
0x2d: {  	s3 =	simm.s32 $0x108;
	s8 =	sld [smem:$0x3F91]  }
0x2e: {  	s3 =	simm.s32 @!p0 $0x1082;
	s9 =	sld [smem:$0x3F92]  }
0x2f: {  	lr =	sadd.s32 s0, s3;
	s0 =	sld [smem:$0x3F89]  }
0x30: {  	s3 =	sld [smem:$0x3F8C]  }
0x31: {  	[smem:$0x3F95] =	sst s10  }
0x32: {  	s10 =	sld [smem:$0x3F93];
	_ =	sdelay $0x3  }
0x33: {  	p0 =	seq.s32 s10, $0x1;
	s10 =	sld [smem:$0x3F95];
	_ =	sdelay $0x3  }
0x34: {  	[smem:$0x3F95] =	sst s10  }
0x35: {  	s10 =	sld [smem:$0x3F94];
	_ =	sdelay $0x3  }
0x36: {  	p1 =	seq.s32 s10, $0x1;
	s10 =	sld [smem:$0x3F95];
	_ =	sdelay $0x3  }
0x37: {  	[smem:$0x3F95] =	sst s10  }
0x38: {  	s10 =	sld [smem:$0x3F96]  }
0x39: {  	_ = 	snop;
	(pc) =	sbr.ind lr, $3  }
0x3a: {  	_ = 	snop  }
0x3b: {  	_ = 	snop  }
0x3c: {  	p2 =	seq.s32 s10, $0x1;
	s10 =	sld [smem:$0x3F95]  }
0x3d: {  	_ =	shalt  }
0x3e: {  	_ =	shalt  }
0x3f: {  	_ =	shalt  }
0x40: {  	_ =	shalt  }
0x41: {  	_ =	shalt  }
0x42: {  	_ =	shalt  }
0x43: {  	_ =	shalt  }
0x44: {  	_ =	shalt  }
0x45: {  	_ =	shalt  }
0x46: {  	_ =	shalt  }
0x47: {  	_ =	shalt  }
0x48: {  	_ =	shalt  }
0x49: {  	_ =	shalt  }
0x4a: {  	_ =	shalt  }
0x4b: {  	_ =	shalt  }
0x4c: {  	_ =	shalt  }
0x4d: {  	_ =	shalt  }
0x4e: {  	_ =	shalt  }
0x4f: {  	_ =	shalt  }
0x50: {  	_ =	shalt  }
0x51: {  	_ =	shalt  }
0x52: {  	_ =	shalt  }
0x53: {  	_ =	shalt  }
0x54: {  	_ =	shalt  }
0x55: {  	_ =	shalt  }
0x56: {  	_ =	shalt  }
0x57: {  	_ =	shalt  }
0x58: {  	_ =	shalt  }
0x59: {  	_ =	shalt  }
0x5a: {  	_ =	shalt  }
0x5b: {  	_ =	shalt  }
0x5c: {  	_ =	shalt  }
0x5d: {  	_ =	shalt  }
0x5e: {  	_ =	shalt  }
0x5f: {  	_ =	shalt  }
0x60: {  	_ =	shalt  }
0x61: {  	_ =	shalt  }
0x62: {  	_ =	shalt  }
0x63: {  	_ =	shalt  }
0x64: {  	_ =	shalt  }
0x65: {  	_ =	shalt  }
0x66: {  	_ =	shalt  }
0x67: {  	_ =	shalt  }
0x68: {  	_ =	shalt  }
0x69: {  	_ =	shalt  }
0x6a: {  	_ =	shalt  }
0x6b: {  	_ =	shalt  }
0x6c: {  	_ =	shalt  }
0x6d: {  	_ =	shalt  }
0x6e: {  	_ =	shalt  }
0x6f: {  	_ =	shalt  }
0x70: {  	_ =	shalt  }
0x71: {  	_ =	shalt  }
0x72: {  	_ =	shalt  }
0x73: {  	_ =	shalt  }
0x74: {  	_ =	shalt  }
0x75: {  	_ =	shalt  }
0x76: {  	_ =	shalt  }
0x77: {  	_ =	shalt  }
0x78: {  	_ =	shalt  }
0x79: {  	_ =	shalt  }
0x7a: {  	_ =	shalt  }
0x7b: {  	_ =	shalt  }
0x7c: {  	_ =	shalt  }
0x7d: {  	_ =	shalt  }
0x7e: {  	_ =	shalt  }
0x7f: {  	_ =	shalt  }
0x80: {  	_ =	shalt  }
0x81: {  	_ =	shalt  }
0x82: {  	_ =	shalt  }
0x83: {  	_ =	shalt  }
0x84: {  	_ =	shalt  }
0x85: {  	_ =	shalt  }
0x86: {  	_ =	shalt  }
0x87: {  	_ =	shalt  }
.Lfunc_end0:
.L_simem_size_0:
called_computation.2_lowered:
.L_overlay_start_0:
0x88: {  	s2 =	sld [smem:$0x3FD9]  }
0x89: {  	s3 =	sld [smem:$0x3FFE];
	_ =	sdelay $0x1  }
0x8a: {  	s1 =	srdreg.scid  }
0x8b: {  	s0 =	sand.u32 $0x1, s1  }
0x8c: {  	s16 =	sshll.u32 s0, $0xA;
	s2 =	sadd.s32 s3, s2  }
0x8d: {  	s2 =	sadd.s32 s2, s16  }
0x8e: {  	[smem:$0x3FA1] =	sst s2  }
0x8f: {  	_ = 	snop  }
0x90: {  	(tm) =	ssettm $0x1  }
0x91: {  	s17 =	sld [smem:$0x3FFB];
	_ =	sdelay $0x3  }
0x92: {  	_ =	strace s17  }
0x93: {  	s2 =	sld [smem:$0x3FFC];
	_ =	sdelay $0x3  }
0x94: {  	_ =	strace s2  }
0x95: {  	s2 =	sld [smem:$0x3FFD];
	_ =	sdelay $0x3  }
0x96: {  	_ =	strace s2  }
0x97: {  	_ =	strace $0x8FFFFFFF  }
0x98: {  	s18 =	sld [smem:$0x3FDB];
	_ =	sdelay $0x1  }
0x99: {  	s19 =	simm.s32 $_scs_section_size  }
0x9a: {  	s4 =	simm.s32 $_size__tile_overlayer_lowered;
	s5 =	simm.s32 $_tile_overlayer_lowered  }
0x9b: {  	s22 =	simm.s32 $0x1BFF;
	s21 =	sshll.u32 s5, $0x1;
	s2 =	sadd.s32 s19, s18  }
0x9c: {  	s6 =	simm.s32 $0x0;
	s20 =	sshll.u32 s4, $0x1;
	s4 =	sadd.s32 s21, s2  }
0x9d: {  	[timem:s6], [sflag:s22] =	dma.local [hbm:s4], s20  }
0x9e: {  	_ =	swait.ge [sflag:s22], s20  }
0x9f: {  	s3 =	ssub.s32 $0x0, s20;
	[sflag:s22] =	ssyncset.done $0x0  }
0xa0: {  	[sflag:s22] =	ssyncadd.s32 s3;
	_ =	sdelay $0x1  }
0xa1: {  	s23 =	simm.s32 $0x1B8B  }
0xa2: {  	_ =	swait.ge [sflag:s23], $0x1  }
0xa3: {  	[sflag:s23] =	ssyncset.done $0x0  }
0xa4: {  	s25 =	simm.s32 $0x1B8E;
	s24 =	sld [smem:$0x3FFE];
	[sflag:s23] =	ssyncadd.s32 $0xFFFFFFFF  }
0xa5: {  	s26 =	simm.s32 $execute0_lowered;
	[smem:$0x3FD2] =	sst s25  }
0xa6: {  	s4 =	sshll.u32 s26, $0x1;
	_ =	strace $0x8000004C;
	[dreg:$0x1] =	wrdreg $0xFFFFFFFF  }
0xa7: {  	s28 =	simm.s32 $_size_execute0_lowered;
	s2 =	sadd.s32 s2, s4;
	[dreg:$0x0] =	wrdreg $0x0  }
0xa8: {  	s4 =	sshll.u32 s28, $0x1;
	[dreg:$0x2] =	wrdreg s2  }
0xa9: {  	[dreg:$0x3] =	wrdreg s4  }
0xaa: {  	[dreg:$0x4] =	wrdreg $0xC0  }
0xab: {  	_ =	task [dreg:s6], $0x5FFFF  }
0xac: {  	[dreg:$0x1] =	wrdreg $0xFFFFFFFF  }
0xad: {  	[dreg:$0x0] =	wrdreg $0x60  }
0xae: {  	[dreg:$0x2] =	wrdreg s24  }
0xaf: {  	[dreg:$0x3] =	wrdreg $0x55000  }
0xb0: {  	[dreg:$0x4] =	wrdreg $0x9  }
0xb1: {  	_ =	task.clear_ibuf [dreg:s6], $0x5FFFF;
	_ =	strace $0x9000004C  }
0xb2: {  	s29 =	simm.s32 $0x9;
	_ =	strace $0x8000004E  }
0xb3: {  	_ =	swait.ge [sflag:s29], $0x1  }
0xb4: {  	[sflag:s29] =	ssyncadd.s32 $0xFFFFFFFF  }
0xb5: {  	_ =	strace $0x9000004E  }
0xb6: {  	_ =	sfence  }
0xb7: {  	s30 =	sld [smem:$0x0];
	_ =	sdelay $0x2  }
0xb8: {  	s31 =	sshll.u32 s1, $0xD;
	s1 =	sshrl.u32 s1, $0x2  }
0xb9: {  	s3 =	sand.u32 $0x4000, s31;
	s1 =	sadd.s32 s1, s30  }
0xba: {  	s0 =	sor.u32 s3, s0;
	s1 =	sshll.u32 s1, $0x11  }
0xbb: {  	s0 =	sor.u32 s1, s0  }
0xbc: {  	s0 =	sadd.s32 $0x8F2B, s0  }
0xbd: {  	[sflag:s0] =	ssyncadd.remote.s32 $0x1  }
0xbe: {  	_ =	sfence.sel $0xFFFF  }
0xbf: {  	[dreg:$0x0] =	wrdreg $0xFFFFFFFF;
	(pc) =	sbr.abs _section_cstart, $3  }
0xc0: {  	[dreg:$0x1] =	wrdreg $0xFFFFFFFF  }
0xc1: {  	_ =	task.clear_ibuf [dreg:s6], $0x2FFFF;
	_ =	strace $0x9FFFFFFF  }
0xc2: {  	(tm) =	ssettm $0x7FFFFFFF  }
0xc3: {  	_ =	shalt  }
tec
execute0_lowered:
.L_overlay_start_1:
0x0: {  	(tag) =	ssettag $0x1  }
0x1: {  	s8 =	rddreg [dreg:$0x0]  }
0x2: {  	s1 =	rddreg [dreg:$0x1]  }
0x3: {  	s0 =	rddreg [dreg:$0x2];
	s3 =	simm.s32 $0x0;
	s2 =	srdreg.scid  }
0x4: {  	s13 =	simm.s32 $0x2;
	s14 =	simm.s32 $0x80;
	s15 =	simm.s32 $0x50  }
0x5: {  	s16 =	simm.s32 $0x100;
	s17 =	simm.s32 $0x2900;
	s18 =	simm.s32 $0x1  }
0x6: {  	[smem:$0x7FF] =	sst s3;
	s9 =	sand.u32 $0x1, s2;
	s2 =	stileid.u32  }
0x7: {  	s4 =	sadd.s32 $0x12E00, s8;
	s5 =	sadd.s32 $0x9000, s8;
	s10 =	smul.u32 $0x27800, s9  }
0x8: {  	s6 =	sadd.s32 $0xACD000, s8;
	s7 =	sadd.s32 $0x1CC00, s8;
	s11 =	smul.u32 $0x2780, s2  }
0x9: {  	_ =	strace $0x8000004D;
	s30 =	smul.u32 $0x4F000, s2;
	s31 =	ssub.s32 $0x2, s9  }
0xa: {  	s9 =	sshll.u32 s9, $0x4;
	s19 =	sshll.u32 s2, $0x6;
	s12 =	sshrl.u32 s31, $0x1  }
0xb: {  	s9 =	sor.u32 s2, s9;
	s19 =	sor.u32 $0x1C02, s19;
	s10 =	sadd.s32 s11, s10  }
0xc: {  	s11 =	sshrl.u32 s30, $0x2;
	s12 =	ssub.s32 s31, s12;
	s9 =	smul.u32 $0x2710, s9  }
0xd: {  	s10 =	sadd.s32 s10, s8;
	s8 =	sadd.s32 s11, s1;
	s11 =	smax.u32 s12, $0x1  }
0xe: {  	v0 =	vimm.f32 $0.0e+00;
	s12 =	simm.s32 $0x5100;
	s10 =	sadd.s32 $0x54DC00, s10;
	s20 =	sshrl.u32 s8, $0x3  }
.LBB2_1:
0xf: {  	[tilespmem:$0x5100] =	vst v0  }
0x10: {  	[tilespmem:$0x5110] =	vst v0  }
0x11: {  	[tilespmem:$0x5120] =	vst v0  }
0x12: {  	[tilespmem:$0x5130] =	vst v0  }
0x13: {  	[tilespmem:$0x5140] =	vst v0  }
0x14: {  	[tilespmem:$0x5150] =	vst v0  }
0x15: {  	[tilespmem:$0x5160] =	vst v0  }
0x16: {  	[tilespmem:$0x5170] =	vst v0  }
0x17: {  	[tilespmem:$0x5180] =	vst v0  }
0x18: {  	[tilespmem:$0x5190] =	vst v0  }
0x19: {  	[tilespmem:$0x51A0] =	vst v0  }
0x1a: {  	[tilespmem:$0x51B0] =	vst v0  }
0x1b: {  	[tilespmem:$0x51C0] =	vst v0  }
0x1c: {  	[tilespmem:$0x51D0] =	vst v0  }
0x1d: {  	[tilespmem:$0x51E0] =	vst v0  }
0x1e: {  	[tilespmem:$0x51F0] =	vst v0  }
0x1f: {  	[tilespmem:$0x5200] =	vst v0  }
0x20: {  	[tilespmem:$0x5210] =	vst v0  }
0x21: {  	[tilespmem:$0x5220] =	vst v0  }
0x22: {  	[tilespmem:$0x5230] =	vst v0  }
0x23: {  	[tilespmem:$0x5240] =	vst v0  }
0x24: {  	[tilespmem:$0x5250] =	vst v0  }
0x25: {  	[tilespmem:$0x5260] =	vst v0  }
0x26: {  	[tilespmem:$0x5270] =	vst v0  }
0x27: {  	[tilespmem:$0x5280] =	vst v0  }
0x28: {  	[tilespmem:$0x5290] =	vst v0  }
0x29: {  	[tilespmem:$0x52A0] =	vst v0  }
0x2a: {  	[tilespmem:$0x52B0] =	vst v0  }
0x2b: {  	[tilespmem:$0x52C0] =	vst v0  }
0x2c: {  	[tilespmem:$0x52D0] =	vst v0  }
0x2d: {  	[tilespmem:$0x52E0] =	vst v0  }
0x2e: {  	[tilespmem:$0x52F0] =	vst v0  }
0x2f: {  	[tilespmem:$0x5300] =	vst v0  }
0x30: {  	[tilespmem:$0x5310] =	vst v0  }
0x31: {  	[tilespmem:$0x5320] =	vst v0  }
0x32: {  	[tilespmem:$0x5330] =	vst v0  }
0x33: {  	[tilespmem:$0x5340] =	vst v0  }
0x34: {  	[tilespmem:$0x5350] =	vst v0  }
0x35: {  	[tilespmem:$0x5360] =	vst v0  }
0x36: {  	[tilespmem:$0x5370] =	vst v0  }
0x37: {  	[tilespmem:$0x5380] =	vst v0  }
0x38: {  	[tilespmem:$0x5390] =	vst v0  }
0x39: {  	[tilespmem:$0x53A0] =	vst v0  }
0x3a: {  	[tilespmem:$0x53B0] =	vst v0  }
0x3b: {  	[tilespmem:$0x53C0] =	vst v0  }
0x3c: {  	[tilespmem:$0x53D0] =	vst v0  }
0x3d: {  	[tilespmem:$0x53E0] =	vst v0  }
0x3e: {  	[tilespmem:$0x53F0] =	vst v0  }
0x3f: {  	[tilespmem:$0x5400] =	vst v0  }
0x40: {  	[tilespmem:$0x5410] =	vst v0  }
0x41: {  	[tilespmem:$0x5420] =	vst v0  }
0x42: {  	[tilespmem:$0x5430] =	vst v0  }
0x43: {  	[tilespmem:$0x5440] =	vst v0  }
0x44: {  	[tilespmem:$0x5450] =	vst v0  }
0x45: {  	[tilespmem:$0x5460] =	vst v0  }
0x46: {  	[tilespmem:$0x5470] =	vst v0  }
0x47: {  	[tilespmem:$0x5480] =	vst v0  }
0x48: {  	[tilespmem:$0x5490] =	vst v0  }
0x49: {  	[tilespmem:$0x54A0] =	vst v0  }
0x4a: {  	[tilespmem:$0x54B0] =	vst v0  }
0x4b: {  	[tilespmem:$0x54C0] =	vst v0  }
0x4c: {  	[tilespmem:$0x54D0] =	vst v0  }
0x4d: {  	[tilespmem:$0x54E0] =	vst v0  }
0x4e: {  	[tilespmem:$0x54F0] =	vst v0;
	s21 =	sadd.s32 $0x0, s8  }
0x4f: {  	[spmem:s21] =	stream.linear.scatter [tilespmem:s12], [sflag:$0x2], $0x400, $0x38;
	[tilespmem:$0x19100] =	vst v63  }
0x50: {  	s21 =	simm.s32 $0x1000;
	_ =	swait.ge [sflag:s13], $0x400  }
.LBB2_2:
0x51: {  	s22 =	sshra.s32 s21, $0x2;
	[sflag:s13] =	ssyncset.done $0x0;
	p0 =	sne.s32 s21, $0x4E000  }
.Ltmp0:
0x52: {  	s22 =	sadd.s32 s22, s8;
	[sflag:s13] =	ssyncadd.s32 $0xFFFFFC00;
	(pc) =	sbr.rel @p0 .LBB2_2-.Ltmp0, $3  }
0x53: {  	[spmem:s22] =	stream.linear.scatter [tilespmem:s12], [sflag:$0x2], $0x400, $0x38;
	[tilespmem:$0x19100] =	vst v63  }
0x54: {  	s21 =	sadd.s32 $0x1000, s21;
	_ =	sdelay $0x1  }
0x55: {  	_ =	swait.ge [sflag:s13], $0x400  }
0x56: {  	[sflag:s13] =	ssyncset.done $0x0  }
0x57: {  	[sflag:s13] =	ssyncadd.s32 $0xFFFFFC00  }
0x58: {  	s21 =	simm.s32 $0x0;
	s22 =	simm.s32 $0x0;
	[bflag:$0x0] =	sbarrier.arrive $0xFFFF  }
.LBB2_4:
0x59: {  	s23 =	smul.u32 $0x50, s22;
	_ =	sdelay $0x1  }
0x5a: {  	s23 =	sadd.s32 s9, s23  }
0x5b: {  	s24 =	sshrl.u32 s23, $0x3  }
0x5c: {  	s25 =	sadd.s32 s4, s24  }
0x5d: {  	[tilespmem:s21], [sflag:$0x2] =	stream.linear.gather [hbm4b:s25+s21], $0x50, $0x38;
	[tilespmem:$0x19100] =	vst v63  }
0x5e: {  	_ =	swait.ge [sflag:s13], $0x50  }
0x5f: {  	[sflag:s13] =	ssyncset.done $0x0  }
0x60: {  	s24 =	sadd.s32 s5, s24;
	[sflag:s13] =	ssyncadd.s32 $0xFFFFFFB0  }
0x61: {  	[tilespmem:s14], [sflag:$0x2] =	stream.linear.gather [hbm4b:s24+s21], $0x50, $0x38;
	[tilespmem:$0x19100] =	vst v63  }
0x62: {  	_ =	swait.ge [sflag:s13], $0x50  }
0x63: {  	[sflag:s13] =	ssyncset.done $0x0  }
0x64: {  	s23 =	sshll.u32 s23, $0x4;
	[sflag:s13] =	ssyncadd.s32 $0xFFFFFFB0  }
0x65: {  	[tilespmem:s16], [sflag:$0x1] =	stream.indirect.gather [hbm4b:s7+s15], $0x80, s21, s15, $0xb8;
	[tilespmem:$0x19100] =	vst v63  }
0x66: {  	s23 =	sadd.s32 s6, s23  }
0x67: {  	[tilespmem:s17], [sflag:$0x2] =	stream.linear.gather [hbm4b:s23+s21], $0x2800, $0x38;
	[tilespmem:$0x19100] =	vst v63  }
0x68: {  	_ =	swait.ge [sflag:s13], $0x2800  }
0x69: {  	[sflag:s13] =	ssyncset.done $0x0  }
0x6a: {  	[sflag:s13] =	ssyncadd.s32 $0xFFFFD800  }
0x6b: {  	_ =	swait.ge [sflag:s18], $0x2800  }
0x6c: {  	[sflag:s18] =	ssyncset.done $0x0  }
0x6d: {  	s23 =	simm.s32 $0x0;
	[sflag:s18] =	ssyncadd.s32 $0xFFFFD800  }
0x6e: {  	v7 =	vld [tilespmem:s23+$0x2900]  }
0x6f: {  	v12 =	vld [tilespmem:s23+$0x2910]  }
0x70: {  	v6 =	vld [tilespmem:s23+$0x2920]  }
0x71: {  	v5 =	vld [tilespmem:s23+$0x2930]  }
0x72: {  	v4 =	vld [tilespmem:s23+$0x2940]  }
0x73: {  	v3 =	vld [tilespmem:s23+$0x2950]  }
0x74: {  	v2 =	vld [tilespmem:s23+$0x2960]  }
0x75: {  	v1 =	vld [tilespmem:s23+$0x2970]  }
0x76: {  	v13 =	vld [tilespmem:s23+$0x100]  }
0x77: {  	v14 =	vld [tilespmem:s23+$0x110]  }
0x78: {  	v11 =	vld [tilespmem:s23+$0x120]  }
0x79: {  	v10 =	vld [tilespmem:s23+$0x130]  }
0x7a: {  	v9 =	vld [tilespmem:s23+$0x140]  }
0x7b: {  	v8 =	vld [tilespmem:s23+$0x150];
	v13 =	vadd.f32 v7, v13  }
0x7c: {  	s24 =	simm.s32 $0x200;
	v12 =	vadd.f32 v12, v14;
	v7 =	vld [tilespmem:s23+$0x160]  }
.LBB2_5:
0x7d: {  	s25 =	sshra.s32 s24, $0x2;
	p0 =	sne.s32 s24, $0x9E00;
	v13 =	vmax.f32 v13, $0.0e+00;
	v6 =	vadd.f32 v6, v11;
	v11 =	vld [tilespmem:s23+$0x170]  }
0x7e: {  	v14 =	vld [tilespmem:s25+$0x2900];
	[tilespmem:s23+$0x100] =	vst v13;
	v12 =	vmax.f32 v12, $0.0e+00;
	v5 =	vadd.f32 v5, v10  }
0x7f: {  	v15 =	vld [tilespmem:s25+$0x2910];
	[tilespmem:s23+$0x110] =	vst v12;
	v10 =	vmax.f32 v6, $0.0e+00;
	v4 =	vadd.f32 v4, v9  }
0x80: {  	v6 =	vld [tilespmem:s25+$0x2920];
	[tilespmem:s23+$0x120] =	vst v10;
	v9 =	vmax.f32 v5, $0.0e+00;
	v3 =	vadd.f32 v3, v8  }
0x81: {  	v5 =	vld [tilespmem:s25+$0x2930];
	[tilespmem:s23+$0x130] =	vst v9;
	v8 =	vmax.f32 v4, $0.0e+00;
	v2 =	vadd.f32 v2, v7  }
0x82: {  	v4 =	vld [tilespmem:s25+$0x2940];
	[tilespmem:s23+$0x140] =	vst v8;
	v7 =	vmax.f32 v3, $0.0e+00;
	v1 =	vadd.f32 v1, v11  }
0x83: {  	v3 =	vld [tilespmem:s25+$0x2950];
	[tilespmem:s23+$0x150] =	vst v7;
	v7 =	vmax.f32 v2, $0.0e+00  }
0x84: {  	v2 =	vld [tilespmem:s25+$0x2960];
	[tilespmem:s23+$0x160] =	vst v7;
	v7 =	vmax.f32 v1, $0.0e+00  }
0x85: {  	v1 =	vld [tilespmem:s25+$0x2970];
	[tilespmem:s23+$0x170] =	vst v7;
	s23 =	smov.u32 s25  }
0x86: {  	v7 =	vld [tilespmem:s23+$0x100]  }
0x87: {  	v12 =	vld [tilespmem:s23+$0x110]  }
.Ltmp1:
0x88: {  	v11 =	vld [tilespmem:s23+$0x120];
	(pc) =	sbr.rel @p0 .LBB2_5-.Ltmp1, $4  }
0x89: {  	v10 =	vld [tilespmem:s23+$0x130]  }
0x8a: {  	v9 =	vld [tilespmem:s23+$0x140]  }
0x8b: {  	v13 =	vadd.f32 v14, v7;
	v8 =	vld [tilespmem:s23+$0x150]  }
0x8c: {  	s24 =	sadd.s32 $0x200, s24;
	v12 =	vadd.f32 v15, v12;
	v7 =	vld [tilespmem:s23+$0x160]  }
0x8d: {  	v13 =	vmax.f32 v13, $0.0e+00;
	v6 =	vadd.f32 v6, v11;
	v63 =	vld [tilespmem:s23+$0x170]  }
0x8e: {  	[tilespmem:s23+$0x100] =	vst v13;
	v12 =	vmax.f32 v12, $0.0e+00;
	v5 =	vadd.f32 v5, v10  }
0x8f: {  	[tilespmem:s23+$0x110] =	vst v12;
	v6 =	vmax.f32 v6, $0.0e+00;
	v4 =	vadd.f32 v4, v9  }
0x90: {  	[tilespmem:s23+$0x120] =	vst v6;
	v5 =	vmax.f32 v5, $0.0e+00;
	v3 =	vadd.f32 v3, v8  }
0x91: {  	[tilespmem:s23+$0x130] =	vst v5;
	v4 =	vmax.f32 v4, $0.0e+00;
	v2 =	vadd.f32 v2, v7  }
0x92: {  	[tilespmem:s23+$0x140] =	vst v4;
	v3 =	vmax.f32 v3, $0.0e+00;
	v1 =	vadd.f32 v1, v63  }
0x93: {  	s22 =	sadd.s32 $0x1, s22;
	[tilespmem:s23+$0x150] =	vst v3;
	v2 =	vmax.f32 v2, $0.0e+00  }
0x94: {  	p0 =	sne.s32 s22, $0x7D;
	[tilespmem:s23+$0x160] =	vst v2;
	v1 =	vmax.f32 v1, $0.0e+00  }
.Ltmp2:
0x95: {  	[tilespmem:s23+$0x170] =	vst v1;
	(pc) =	sbr.rel @p0 .LBB2_4-.Ltmp2, $4  }
0x96: {  	[spmem:s1] =	stream.indirect.scatter.add.f32 [tilespmem:s16], [sflag:$0x2], $0x80, s14, s15, $0xb8;
	[tilespmem:$0x19100] =	vst v63  }
0x97: {  	_ =	swait.ge [sflag:s13], $0x2800  }
0x98: {  	[sflag:s13] =	ssyncset.done $0x0  }
0x99: {  	[sflag:s13] =	ssyncadd.s32 $0xFFFFD800  }
0x9a: {  	s3 =	sadd.s32 $0x1, s3  }
0x9b: {  	p0 =	sne.s32 s3, s11  }
.Ltmp3:
0x9c: {  	[bflag:$0x0] =	sbarrier.arrive $0xFFFF;
	(pc) =	sbr.rel @p0 .LBB2_1-.Ltmp3, $4  }
0x9d: {  	[hbm:s10], [sflag:s19] =	dma.local [spmem:s20], $0x2780  }
0x9e: {  	_ =	swait.ge [sflag:s13], $0x2780  }
0x9f: {  	[sflag:s13] =	ssyncset.done $0x0  }
0xa0: {  	[sflag:s13] =	ssyncadd.s32 $0xFFFFD880  }
0xa1: {  	_ =	sfence.sel $0x180000  }
0xa2: {  	[bflag:$0x0] =	sbarrier.arrive $0xFFFF  }
0xa3: {  	p0 =	sne.s32 s2, $0x0;
	_ =	strace $0x9000004D  }
0xa4: {  	s0 =	sadd.s32 @!p0 $0x100000, s0;
	[bflag:$0x2] =	sbarrier.arrive $0xFFFF  }
0xa5: {  	[sflag:s0] =	ssyncadd.tile.s32 @!p0 $0x1;
	_ =	shalt  }
.Lfunc_end2:
_tile_overlayer_lowered:
.L_overlay_start_2:
0xa6: {  	(tag) =	ssettag $0x2  }
0xa7: {  	s0 =	rddreg [dreg:$0x0];
	s2 =	stileid.u32  }
0xa8: {  	s1 =	rddreg [dreg:$0x1];
	p0 =	sne.s32 s2, $0x0  }
0xa9: {  	s3 =	rddreg [dreg:$0x2];
	[bflag:$0x3] =	sbarrier.arrive $0xFFFF;
	s2 =	simm.s32 @!p0 $0x1C02  }
0xaa: {  	[timem:s3], [sflag:s2] =	dma.local @!p0 [hbm:s0], s1  }
0xab: {  	s0 =	simm.s32 @!p0 $0x2  }
0xac: {  	_ =	swait.ge @!p0 [sflag:s0], s1  }
0xad: {  	s1 =	ssub.s32 @!p0 $0x0, s1;
	[sflag:s0] =	ssyncset.done @!p0 $0x0  }
0xae: {  	[sflag:s0] =	ssyncadd.s32 @!p0 s1  }
0xaf: {  	[bflag:$0x3] =	sbarrier.arrive $0xFFFF  }
0xb0: {  	_ =	shalt  }

// kernel: kernel.24.cloned.1.call-start
scs
__scs_entry_jumppad:
0x0: {  	(pc) =	sbr.rel $0x88, $3  }
0x1: {  	(tag) =	ssettag $0x0;
	lr =	simm.s32 $0x1  }
0x2: {  	[smem:$0x3F7A] =	sst lr;
	_ =	strace $0xD0000000  }
0x3: {  	_ = 	snop  }
0x4: {  	_ = 	snop  }
0x5: {  	_ = 	snop  }
0x6: {  	_ = 	snop  }
0x7: {  	_ = 	snop  }
__scs_overlays_trampoline_lowered:
0x8: {  	[smem:$0x3F89] =	sst s0  }
0x9: {  	[smem:$0x3F8A] =	sst s1  }
0xa: {  	[smem:$0x3F8B] =	sst s2  }
0xb: {  	[smem:$0x3F8C] =	sst s3  }
0xc: {  	[smem:$0x3F8D] =	sst s4  }
0xd: {  	[smem:$0x3F8E] =	sst s5  }
0xe: {  	[smem:$0x3F8F] =	sst s6  }
0xf: {  	[smem:$0x3F90] =	sst s7  }
0x10: {  	[smem:$0x3F91] =	sst s8  }
0x11: {  	[smem:$0x3F92] =	sst s9;
	s0 =	simm.s32 @!p0 $0x0  }
0x12: {  	s1 =	sld [smem:$0x3F78];
	s0 =	simm.s32 @p0 $0x1  }
0x13: {  	[smem:$0x3F93] =	sst s0;
	s0 =	simm.s32 @!p1 $0x0  }
0x14: {  	s2 =	sld [smem:$0x3F77];
	s0 =	simm.s32 @p1 $0x1  }
0x15: {  	[smem:$0x3F94] =	sst s0;
	s0 =	simm.s32 @!p2 $0x0  }
0x16: {  	s3 =	sld [smem:$0x3FDB];
	s0 =	simm.s32 @p2 $0x1  }
0x17: {  	s4 =	simm.s32 $0x1BF5;
	[smem:$0x3F96] =	sst s0  }
0x18: {  	s0 =	sld [smem:$0x3F79];
	_ =	swait.ge [sflag:s4], $0x0  }
0x19: {  	s7 =	sld [smem:$0x3F7A]  }
0x1a: {  	s8 =	sadd.s32 $0xFFFFE003, lr  }
0x1b: {  	s9 =	sadd.s32 $0xFFFFFEF7, lr;
	s5 =	simm.s32 $0xFFFFFFFF;
	p2 =	slt.u32 s8, $0xFFFFF086  }
0x1c: {  	p1 =	slt.u32 s9, $0xF7A;
	s5 =	simm.s32 @!p2 $0x0  }
0x1d: {  	s5 =	simm.s32 @p1 $0x1;
	p0 =	seq.s32 s7, s2  }
0x1e: {  	s7 =	smul.u32 @!p0 $0xF7A, s2;
	p2 =	seq.s32 @!p0 s5, $0x0  }
0x1f: {  	s9 =	smul.u32 $0xF7A, s1;
	s8 =	simm.s32 @!p0 $0x1BF5;
	p2 =	por !p2, p0  }
0x20: {  	[sflag:s8] =	ssyncset.s32 @!p0 $0xFFFFF086;
	s6 =	sadd.s32 @!p0 s3, s7;
	s7 =	simm.s32 @!p0 $0x108  }
0x21: {  	s3 =	sadd.s32 s3, s9;
	s6 =	sadd.s32 @!p0 $0x88, s6;
	s7 =	simm.s32 @p2 $0x1082  }
0x22: {  	[simem:s7], [sflag:s8] =	dma.local @!p0 [hbm:s6], $0xF7A  }
0x23: {  	s9 =	sor.u32 $0xD0000000, s2;
	s6 =	simm.s32 $0x108;
	_ =	swait.ge @!p0 [sflag:s8], $0x0  }
0x24: {  	s3 =	sadd.s32 $0x88, s3;
	s6 =	simm.s32 @!p1 $0x1082;
	[sflag:s4] =	ssyncset.s32 $0xFFFFF086  }
0x25: {  	[simem:s6], [sflag:s4] =	dma.local [hbm:s3], $0xF7A  }
0x26: {  	[smem:$0x3F7A] =	sst s1;
	(tag) =	ssettag s2;
	_ =	strace s9  }
0x27: {  	s1 =	sld [smem:$0x3F8A]  }
0x28: {  	s2 =	sld [smem:$0x3F8B]  }
0x29: {  	s4 =	sld [smem:$0x3F8D]  }
0x2a: {  	p0 =	seq.s32 s5, $0x0;
	s5 =	sld [smem:$0x3F8E]  }
0x2b: {  	s6 =	sld [smem:$0x3F8F]  }
0x2c: {  	s7 =	sld [smem:$0x3F90]  }
0x2d: {  	s3 =	simm.s32 $0x108;
	s8 =	sld [smem:$0x3F91]  }
0x2e: {  	s3 =	simm.s32 @!p0 $0x1082;
	s9 =	sld [smem:$0x3F92]  }
0x2f: {  	lr =	sadd.s32 s0, s3;
	s0 =	sld [smem:$0x3F89]  }
0x30: {  	s3 =	sld [smem:$0x3F8C]  }
0x31: {  	[smem:$0x3F95] =	sst s10  }
0x32: {  	s10 =	sld [smem:$0x3F93];
	_ =	sdelay $0x3  }
0x33: {  	p0 =	seq.s32 s10, $0x1;
	s10 =	sld [smem:$0x3F95];
	_ =	sdelay $0x3  }
0x34: {  	[smem:$0x3F95] =	sst s10  }
0x35: {  	s10 =	sld [smem:$0x3F94];
	_ =	sdelay $0x3  }
0x36: {  	p1 =	seq.s32 s10, $0x1;
	s10 =	sld [smem:$0x3F95];
	_ =	sdelay $0x3  }
0x37: {  	[smem:$0x3F95] =	sst s10  }
0x38: {  	s10 =	sld [smem:$0x3F96]  }
0x39: {  	_ = 	snop;
	(pc) =	sbr.ind lr, $3  }
0x3a: {  	_ = 	snop  }
0x3b: {  	_ = 	snop  }
0x3c: {  	p2 =	seq.s32 s10, $0x1;
	s10 =	sld [smem:$0x3F95]  }
0x3d: {  	_ =	shalt  }
0x3e: {  	_ =	shalt  }
0x3f: {  	_ =	shalt  }
0x40: {  	_ =	shalt  }
0x41: {  	_ =	shalt  }
0x42: {  	_ =	shalt  }
0x43: {  	_ =	shalt  }
0x44: {  	_ =	shalt  }
0x45: {  	_ =	shalt  }
0x46: {  	_ =	shalt  }
0x47: {  	_ =	shalt  }
0x48: {  	_ =	shalt  }
0x49: {  	_ =	shalt  }
0x4a: {  	_ =	shalt  }
0x4b: {  	_ =	shalt  }
0x4c: {  	_ =	shalt  }
0x4d: {  	_ =	shalt  }
0x4e: {  	_ =	shalt  }
0x4f: {  	_ =	shalt  }
0x50: {  	_ =	shalt  }
0x51: {  	_ =	shalt  }
0x52: {  	_ =	shalt  }
0x53: {  	_ =	shalt  }
0x54: {  	_ =	shalt  }
0x55: {  	_ =	shalt  }
0x56: {  	_ =	shalt  }
0x57: {  	_ =	shalt  }
0x58: {  	_ =	shalt  }
0x59: {  	_ =	shalt  }
0x5a: {  	_ =	shalt  }
0x5b: {  	_ =	shalt  }
0x5c: {  	_ =	shalt  }
0x5d: {  	_ =	shalt  }
0x5e: {  	_ =	shalt  }
0x5f: {  	_ =	shalt  }
0x60: {  	_ =	shalt  }
0x61: {  	_ =	shalt  }
0x62: {  	_ =	shalt  }
0x63: {  	_ =	shalt  }
0x64: {  	_ =	shalt  }
0x65: {  	_ =	shalt  }
0x66: {  	_ =	shalt  }
0x67: {  	_ =	shalt  }
0x68: {  	_ =	shalt  }
0x69: {  	_ =	shalt  }
0x6a: {  	_ =	shalt  }
0x6b: {  	_ =	shalt  }
0x6c: {  	_ =	shalt  }
0x6d: {  	_ =	shalt  }
0x6e: {  	_ =	shalt  }
0x6f: {  	_ =	shalt  }
0x70: {  	_ =	shalt  }
0x71: {  	_ =	shalt  }
0x72: {  	_ =	shalt  }
0x73: {  	_ =	shalt  }
0x74: {  	_ =	shalt  }
0x75: {  	_ =	shalt  }
0x76: {  	_ =	shalt  }
0x77: {  	_ =	shalt  }
0x78: {  	_ =	shalt  }
0x79: {  	_ =	shalt  }
0x7a: {  	_ =	shalt  }
0x7b: {  	_ =	shalt  }
0x7c: {  	_ =	shalt  }
0x7d: {  	_ =	shalt  }
0x7e: {  	_ =	shalt  }
0x7f: {  	_ =	shalt  }
0x80: {  	_ =	shalt  }
0x81: {  	_ =	shalt  }
0x82: {  	_ =	shalt  }
0x83: {  	_ =	shalt  }
0x84: {  	_ =	shalt  }
0x85: {  	_ =	shalt  }
0x86: {  	_ =	shalt  }
0x87: {  	_ =	shalt  }
.Lfunc_end0:
.L_simem_size_0:
called_computation.3_lowered:
.L_overlay_start_0:
0x88: {  	s2 =	sld [smem:$0x3FD9]  }
0x89: {  	s3 =	sld [smem:$0x3FFE];
	_ =	sdelay $0x1  }
0x8a: {  	s1 =	srdreg.scid  }
0x8b: {  	s0 =	sand.u32 $0x1, s1  }
0x8c: {  	s16 =	sshll.u32 s0, $0xA;
	s2 =	sadd.s32 s3, s2  }
0x8d: {  	s2 =	sadd.s32 s2, s16  }
0x8e: {  	[smem:$0x3FA1] =	sst s2  }
0x8f: {  	_ = 	snop  }
0x90: {  	(tm) =	ssettm $0x1  }
0x91: {  	s17 =	sld [smem:$0x3FFB];
	_ =	sdelay $0x3  }
0x92: {  	_ =	strace s17  }
0x93: {  	s2 =	sld [smem:$0x3FFC];
	_ =	sdelay $0x3  }
0x94: {  	_ =	strace s2  }
0x95: {  	s2 =	sld [smem:$0x3FFD];
	_ =	sdelay $0x3  }
0x96: {  	_ =	strace s2  }
0x97: {  	_ =	strace $0x8FFFFFFF  }
0x98: {  	s18 =	sld [smem:$0x3FDB];
	_ =	sdelay $0x1  }
0x99: {  	s19 =	simm.s32 $_scs_section_size  }
0x9a: {  	s4 =	simm.s32 $_size__tile_overlayer_lowered;
	s5 =	simm.s32 $_tile_overlayer_lowered  }
0x9b: {  	s22 =	simm.s32 $0x1BFF;
	s21 =	sshll.u32 s5, $0x1;
	s2 =	sadd.s32 s19, s18  }
0x9c: {  	s6 =	simm.s32 $0x0;
	s20 =	sshll.u32 s4, $0x1;
	s4 =	sadd.s32 s21, s2  }
0x9d: {  	[timem:s6], [sflag:s22] =	dma.local [hbm:s4], s20  }
0x9e: {  	_ =	swait.ge [sflag:s22], s20  }
0x9f: {  	s3 =	ssub.s32 $0x0, s20;
	[sflag:s22] =	ssyncset.done $0x0  }
0xa0: {  	[sflag:s22] =	ssyncadd.s32 s3;
	_ =	sdelay $0x1  }
0xa1: {  	s23 =	simm.s32 $0x1B8B  }
0xa2: {  	_ =	swait.ge [sflag:s23], $0x1  }
0xa3: {  	[sflag:s23] =	ssyncset.done $0x0  }
0xa4: {  	s25 =	simm.s32 $0x1B8E;
	s24 =	sld [smem:$0x3FFE];
	[sflag:s23] =	ssyncadd.s32 $0xFFFFFFFF  }
0xa5: {  	s26 =	simm.s32 $execute0_lowered;
	[smem:$0x3FD2] =	sst s25  }
0xa6: {  	s4 =	sshll.u32 s26, $0x1;
	_ =	strace $0x8000004F;
	[dreg:$0x1] =	wrdreg $0xFFFFFFFF  }
0xa7: {  	s28 =	simm.s32 $_size_execute0_lowered;
	s2 =	sadd.s32 s2, s4;
	[dreg:$0x0] =	wrdreg $0x0  }
0xa8: {  	s4 =	sshll.u32 s28, $0x1;
	[dreg:$0x2] =	wrdreg s2  }
0xa9: {  	[dreg:$0x3] =	wrdreg s4  }
0xaa: {  	[dreg:$0x4] =	wrdreg $0xC0  }
0xab: {  	_ =	task [dreg:s6], $0x5FFFF  }
0xac: {  	[dreg:$0x1] =	wrdreg $0xFFFFFFFF  }
0xad: {  	[dreg:$0x0] =	wrdreg $0x60  }
0xae: {  	[dreg:$0x2] =	wrdreg s24  }
0xaf: {  	[dreg:$0x3] =	wrdreg $0x55000  }
0xb0: {  	[dreg:$0x4] =	wrdreg $0x9  }
0xb1: {  	_ =	task.clear_ibuf [dreg:s6], $0x5FFFF;
	_ =	strace $0x9000004F  }
0xb2: {  	s29 =	simm.s32 $0x9;
	_ =	strace $0x80000051  }
0xb3: {  	_ =	swait.ge [sflag:s29], $0x1  }
0xb4: {  	[sflag:s29] =	ssyncadd.s32 $0xFFFFFFFF  }
0xb5: {  	_ =	strace $0x90000051  }
0xb6: {  	_ =	sfence  }
0xb7: {  	s30 =	sld [smem:$0x0];
	_ =	sdelay $0x2  }
0xb8: {  	s31 =	sshll.u32 s1, $0xD;
	s1 =	sshrl.u32 s1, $0x2  }
0xb9: {  	s3 =	sand.u32 $0x4000, s31;
	s1 =	sadd.s32 s1, s30  }
0xba: {  	s0 =	sor.u32 s3, s0;
	s1 =	sshll.u32 s1, $0x11  }
0xbb: {  	s0 =	sor.u32 s1, s0  }
0xbc: {  	s0 =	sadd.s32 $0x8F2B, s0  }
0xbd: {  	[sflag:s0] =	ssyncadd.remote.s32 $0x1  }
0xbe: {  	_ =	sfence.sel $0xFFFF  }
0xbf: {  	[dreg:$0x0] =	wrdreg $0xFFFFFFFF;
	(pc) =	sbr.abs _section_cstart, $3  }
0xc0: {  	[dreg:$0x1] =	wrdreg $0xFFFFFFFF  }
0xc1: {  	_ =	task.clear_ibuf [dreg:s6], $0x2FFFF;
	_ =	strace $0x9FFFFFFF  }
0xc2: {  	(tm) =	ssettm $0x7FFFFFFF  }
0xc3: {  	_ =	shalt  }
tec
execute0_lowered:
.L_overlay_start_1:
0x0: {  	(tag) =	ssettag $0x1  }
0x1: {  	s8 =	rddreg [dreg:$0x0]  }
0x2: {  	s1 =	rddreg [dreg:$0x1]  }
0x3: {  	s0 =	rddreg [dreg:$0x2];
	s3 =	simm.s32 $0x0;
	s2 =	srdreg.scid  }
0x4: {  	s13 =	simm.s32 $0x2;
	s14 =	simm.s32 $0x80;
	s15 =	simm.s32 $0x50  }
0x5: {  	s16 =	simm.s32 $0x100;
	s17 =	simm.s32 $0x2900;
	s18 =	simm.s32 $0x1  }
0x6: {  	[smem:$0x7FF] =	sst s3;
	s9 =	sand.u32 $0x1, s2;
	s2 =	stileid.u32  }
0x7: {  	s4 =	sadd.s32 $0x12E00, s8;
	s5 =	sadd.s32 $0x9000, s8;
	s10 =	smul.u32 $0x27800, s9  }
0x8: {  	s6 =	sadd.s32 $0x59CC00, s8;
	s7 =	sadd.s32 $0x43E00, s8;
	s11 =	smul.u32 $0x2780, s2  }
0x9: {  	_ =	strace $0x80000050;
	s30 =	smul.u32 $0x4F000, s2;
	s31 =	ssub.s32 $0x2, s9  }
0xa: {  	s9 =	sshll.u32 s9, $0x4;
	s19 =	sshll.u32 s2, $0x6;
	s12 =	sshrl.u32 s31, $0x1  }
0xb: {  	s9 =	sor.u32 s2, s9;
	s19 =	sor.u32 $0x1C02, s19;
	s10 =	sadd.s32 s11, s10  }
0xc: {  	s11 =	sshrl.u32 s30, $0x2;
	s12 =	ssub.s32 s31, s12;
	s9 =	smul.u32 $0x2710, s9  }
0xd: {  	s10 =	sadd.s32 s10, s8;
	s8 =	sadd.s32 s11, s1;
	s11 =	smax.u32 s12, $0x1  }
0xe: {  	v0 =	vimm.f32 $0.0e+00;
	s12 =	simm.s32 $0x5100;
	s10 =	sadd.s32 $0x6B000, s10;
	s20 =	sshrl.u32 s8, $0x3  }
.LBB2_1:
0xf: {  	[tilespmem:$0x5100] =	vst v0  }
0x10: {  	[tilespmem:$0x5110] =	vst v0  }
0x11: {  	[tilespmem:$0x5120] =	vst v0  }
0x12: {  	[tilespmem:$0x5130] =	vst v0  }
0x13: {  	[tilespmem:$0x5140] =	vst v0  }
0x14: {  	[tilespmem:$0x5150] =	vst v0  }
0x15: {  	[tilespmem:$0x5160] =	vst v0  }
0x16: {  	[tilespmem:$0x5170] =	vst v0  }
0x17: {  	[tilespmem:$0x5180] =	vst v0  }
0x18: {  	[tilespmem:$0x5190] =	vst v0  }
0x19: {  	[tilespmem:$0x51A0] =	vst v0  }
0x1a: {  	[tilespmem:$0x51B0] =	vst v0  }
0x1b: {  	[tilespmem:$0x51C0] =	vst v0  }
0x1c: {  	[tilespmem:$0x51D0] =	vst v0  }
0x1d: {  	[tilespmem:$0x51E0] =	vst v0  }
0x1e: {  	[tilespmem:$0x51F0] =	vst v0  }
0x1f: {  	[tilespmem:$0x5200] =	vst v0  }
0x20: {  	[tilespmem:$0x5210] =	vst v0  }
0x21: {  	[tilespmem:$0x5220] =	vst v0  }
0x22: {  	[tilespmem:$0x5230] =	vst v0  }
0x23: {  	[tilespmem:$0x5240] =	vst v0  }
0x24: {  	[tilespmem:$0x5250] =	vst v0  }
0x25: {  	[tilespmem:$0x5260] =	vst v0  }
0x26: {  	[tilespmem:$0x5270] =	vst v0  }
0x27: {  	[tilespmem:$0x5280] =	vst v0  }
0x28: {  	[tilespmem:$0x5290] =	vst v0  }
0x29: {  	[tilespmem:$0x52A0] =	vst v0  }
0x2a: {  	[tilespmem:$0x52B0] =	vst v0  }
0x2b: {  	[tilespmem:$0x52C0] =	vst v0  }
0x2c: {  	[tilespmem:$0x52D0] =	vst v0  }
0x2d: {  	[tilespmem:$0x52E0] =	vst v0  }
0x2e: {  	[tilespmem:$0x52F0] =	vst v0  }
0x2f: {  	[tilespmem:$0x5300] =	vst v0  }
0x30: {  	[tilespmem:$0x5310] =	vst v0  }
0x31: {  	[tilespmem:$0x5320] =	vst v0  }
0x32: {  	[tilespmem:$0x5330] =	vst v0  }
0x33: {  	[tilespmem:$0x5340] =	vst v0  }
0x34: {  	[tilespmem:$0x5350] =	vst v0  }
0x35: {  	[tilespmem:$0x5360] =	vst v0  }
0x36: {  	[tilespmem:$0x5370] =	vst v0  }
0x37: {  	[tilespmem:$0x5380] =	vst v0  }
0x38: {  	[tilespmem:$0x5390] =	vst v0  }
0x39: {  	[tilespmem:$0x53A0] =	vst v0  }
0x3a: {  	[tilespmem:$0x53B0] =	vst v0  }
0x3b: {  	[tilespmem:$0x53C0] =	vst v0  }
0x3c: {  	[tilespmem:$0x53D0] =	vst v0  }
0x3d: {  	[tilespmem:$0x53E0] =	vst v0  }
0x3e: {  	[tilespmem:$0x53F0] =	vst v0  }
0x3f: {  	[tilespmem:$0x5400] =	vst v0  }
0x40: {  	[tilespmem:$0x5410] =	vst v0  }
0x41: {  	[tilespmem:$0x5420] =	vst v0  }
0x42: {  	[tilespmem:$0x5430] =	vst v0  }
0x43: {  	[tilespmem:$0x5440] =	vst v0  }
0x44: {  	[tilespmem:$0x5450] =	vst v0  }
0x45: {  	[tilespmem:$0x5460] =	vst v0  }
0x46: {  	[tilespmem:$0x5470] =	vst v0  }
0x47: {  	[tilespmem:$0x5480] =	vst v0  }
0x48: {  	[tilespmem:$0x5490] =	vst v0  }
0x49: {  	[tilespmem:$0x54A0] =	vst v0  }
0x4a: {  	[tilespmem:$0x54B0] =	vst v0  }
0x4b: {  	[tilespmem:$0x54C0] =	vst v0  }
0x4c: {  	[tilespmem:$0x54D0] =	vst v0  }
0x4d: {  	[tilespmem:$0x54E0] =	vst v0  }
0x4e: {  	[tilespmem:$0x54F0] =	vst v0;
	s21 =	sadd.s32 $0x0, s8  }
0x4f: {  	[spmem:s21] =	stream.linear.scatter [tilespmem:s12], [sflag:$0x2], $0x400, $0x38;
	[tilespmem:$0x19100] =	vst v63  }
0x50: {  	s21 =	simm.s32 $0x1000;
	_ =	swait.ge [sflag:s13], $0x400  }
.LBB2_2:
0x51: {  	s22 =	sshra.s32 s21, $0x2;
	[sflag:s13] =	ssyncset.done $0x0;
	p0 =	sne.s32 s21, $0x4E000  }
.Ltmp0:
0x52: {  	s22 =	sadd.s32 s22, s8;
	[sflag:s13] =	ssyncadd.s32 $0xFFFFFC00;
	(pc) =	sbr.rel @p0 .LBB2_2-.Ltmp0, $3  }
0x53: {  	[spmem:s22] =	stream.linear.scatter [tilespmem:s12], [sflag:$0x2], $0x400, $0x38;
	[tilespmem:$0x19100] =	vst v63  }
0x54: {  	s21 =	sadd.s32 $0x1000, s21;
	_ =	sdelay $0x1  }
0x55: {  	_ =	swait.ge [sflag:s13], $0x400  }
0x56: {  	[sflag:s13] =	ssyncset.done $0x0  }
0x57: {  	[sflag:s13] =	ssyncadd.s32 $0xFFFFFC00  }
0x58: {  	s21 =	simm.s32 $0x0;
	s22 =	simm.s32 $0x0;
	[bflag:$0x0] =	sbarrier.arrive $0xFFFF  }
.LBB2_4:
0x59: {  	s23 =	smul.u32 $0x50, s22;
	_ =	sdelay $0x1  }
0x5a: {  	s23 =	sadd.s32 s9, s23  }
0x5b: {  	s24 =	sshrl.u32 s23, $0x3  }
0x5c: {  	s25 =	sadd.s32 s4, s24  }
0x5d: {  	[tilespmem:s21], [sflag:$0x2] =	stream.linear.gather [hbm4b:s25+s21], $0x50, $0x38;
	[tilespmem:$0x19100] =	vst v63  }
0x5e: {  	_ =	swait.ge [sflag:s13], $0x50  }
0x5f: {  	[sflag:s13] =	ssyncset.done $0x0  }
0x60: {  	s24 =	sadd.s32 s5, s24;
	[sflag:s13] =	ssyncadd.s32 $0xFFFFFFB0  }
0x61: {  	[tilespmem:s14], [sflag:$0x2] =	stream.linear.gather [hbm4b:s24+s21], $0x50, $0x38;
	[tilespmem:$0x19100] =	vst v63  }
0x62: {  	_ =	swait.ge [sflag:s13], $0x50  }
0x63: {  	[sflag:s13] =	ssyncset.done $0x0  }
0x64: {  	s23 =	sshll.u32 s23, $0x4;
	[sflag:s13] =	ssyncadd.s32 $0xFFFFFFB0  }
0x65: {  	[tilespmem:s16], [sflag:$0x1] =	stream.indirect.gather [hbm4b:s7+s15], $0x80, s21, s15, $0xb8;
	[tilespmem:$0x19100] =	vst v63  }
0x66: {  	s23 =	sadd.s32 s6, s23  }
0x67: {  	[tilespmem:s17], [sflag:$0x2] =	stream.linear.gather [hbm4b:s23+s21], $0x2800, $0x38;
	[tilespmem:$0x19100] =	vst v63  }
0x68: {  	_ =	swait.ge [sflag:s13], $0x2800  }
0x69: {  	[sflag:s13] =	ssyncset.done $0x0  }
0x6a: {  	[sflag:s13] =	ssyncadd.s32 $0xFFFFD800  }
0x6b: {  	_ =	swait.ge [sflag:s18], $0x2800  }
0x6c: {  	[sflag:s18] =	ssyncset.done $0x0  }
0x6d: {  	s23 =	simm.s32 $0x0;
	[sflag:s18] =	ssyncadd.s32 $0xFFFFD800  }
0x6e: {  	v7 =	vld [tilespmem:s23+$0x2900]  }
0x6f: {  	v12 =	vld [tilespmem:s23+$0x2910]  }
0x70: {  	v6 =	vld [tilespmem:s23+$0x2920]  }
0x71: {  	v5 =	vld [tilespmem:s23+$0x2930]  }
0x72: {  	v4 =	vld [tilespmem:s23+$0x2940]  }
0x73: {  	v3 =	vld [tilespmem:s23+$0x2950]  }
0x74: {  	v2 =	vld [tilespmem:s23+$0x2960]  }
0x75: {  	v1 =	vld [tilespmem:s23+$0x2970]  }
0x76: {  	v13 =	vld [tilespmem:s23+$0x100]  }
0x77: {  	v14 =	vld [tilespmem:s23+$0x110]  }
0x78: {  	v11 =	vld [tilespmem:s23+$0x120]  }
0x79: {  	v10 =	vld [tilespmem:s23+$0x130]  }
0x7a: {  	v9 =	vld [tilespmem:s23+$0x140]  }
0x7b: {  	v8 =	vld [tilespmem:s23+$0x150];
	v13 =	vadd.f32 v7, v13  }
0x7c: {  	s24 =	simm.s32 $0x200;
	v12 =	vadd.f32 v12, v14;
	v7 =	vld [tilespmem:s23+$0x160]  }
.LBB2_5:
0x7d: {  	s25 =	sshra.s32 s24, $0x2;
	p0 =	sne.s32 s24, $0x9E00;
	v13 =	vmax.f32 v13, $0.0e+00;
	v6 =	vadd.f32 v6, v11;
	v11 =	vld [tilespmem:s23+$0x170]  }
0x7e: {  	v14 =	vld [tilespmem:s25+$0x2900];
	[tilespmem:s23+$0x100] =	vst v13;
	v12 =	vmax.f32 v12, $0.0e+00;
	v5 =	vadd.f32 v5, v10  }
0x7f: {  	v15 =	vld [tilespmem:s25+$0x2910];
	[tilespmem:s23+$0x110] =	vst v12;
	v10 =	vmax.f32 v6, $0.0e+00;
	v4 =	vadd.f32 v4, v9  }
0x80: {  	v6 =	vld [tilespmem:s25+$0x2920];
	[tilespmem:s23+$0x120] =	vst v10;
	v9 =	vmax.f32 v5, $0.0e+00;
	v3 =	vadd.f32 v3, v8  }
0x81: {  	v5 =	vld [tilespmem:s25+$0x2930];
	[tilespmem:s23+$0x130] =	vst v9;
	v8 =	vmax.f32 v4, $0.0e+00;
	v2 =	vadd.f32 v2, v7  }
0x82: {  	v4 =	vld [tilespmem:s25+$0x2940];
	[tilespmem:s23+$0x140] =	vst v8;
	v7 =	vmax.f32 v3, $0.0e+00;
	v1 =	vadd.f32 v1, v11  }
0x83: {  	v3 =	vld [tilespmem:s25+$0x2950];
	[tilespmem:s23+$0x150] =	vst v7;
	v7 =	vmax.f32 v2, $0.0e+00  }
0x84: {  	v2 =	vld [tilespmem:s25+$0x2960];
	[tilespmem:s23+$0x160] =	vst v7;
	v7 =	vmax.f32 v1, $0.0e+00  }
0x85: {  	v1 =	vld [tilespmem:s25+$0x2970];
	[tilespmem:s23+$0x170] =	vst v7;
	s23 =	smov.u32 s25  }
0x86: {  	v7 =	vld [tilespmem:s23+$0x100]  }
0x87: {  	v12 =	vld [tilespmem:s23+$0x110]  }
.Ltmp1:
0x88: {  	v11 =	vld [tilespmem:s23+$0x120];
	(pc) =	sbr.rel @p0 .LBB2_5-.Ltmp1, $4  }
0x89: {  	v10 =	vld [tilespmem:s23+$0x130]  }
0x8a: {  	v9 =	vld [tilespmem:s23+$0x140]  }
0x8b: {  	v13 =	vadd.f32 v14, v7;
	v8 =	vld [tilespmem:s23+$0x150]  }
0x8c: {  	s24 =	sadd.s32 $0x200, s24;
	v12 =	vadd.f32 v15, v12;
	v7 =	vld [tilespmem:s23+$0x160]  }
0x8d: {  	v13 =	vmax.f32 v13, $0.0e+00;
	v6 =	vadd.f32 v6, v11;
	v63 =	vld [tilespmem:s23+$0x170]  }
0x8e: {  	[tilespmem:s23+$0x100] =	vst v13;
	v12 =	vmax.f32 v12, $0.0e+00;
	v5 =	vadd.f32 v5, v10  }
0x8f: {  	[tilespmem:s23+$0x110] =	vst v12;
	v6 =	vmax.f32 v6, $0.0e+00;
	v4 =	vadd.f32 v4, v9  }
0x90: {  	[tilespmem:s23+$0x120] =	vst v6;
	v5 =	vmax.f32 v5, $0.0e+00;
	v3 =	vadd.f32 v3, v8  }
0x91: {  	[tilespmem:s23+$0x130] =	vst v5;
	v4 =	vmax.f32 v4, $0.0e+00;
	v2 =	vadd.f32 v2, v7  }
0x92: {  	[tilespmem:s23+$0x140] =	vst v4;
	v3 =	vmax.f32 v3, $0.0e+00;
	v1 =	vadd.f32 v1, v63  }
0x93: {  	s22 =	sadd.s32 $0x1, s22;
	[tilespmem:s23+$0x150] =	vst v3;
	v2 =	vmax.f32 v2, $0.0e+00  }
0x94: {  	p0 =	sne.s32 s22, $0x7D;
	[tilespmem:s23+$0x160] =	vst v2;
	v1 =	vmax.f32 v1, $0.0e+00  }
.Ltmp2:
0x95: {  	[tilespmem:s23+$0x170] =	vst v1;
	(pc) =	sbr.rel @p0 .LBB2_4-.Ltmp2, $4  }
0x96: {  	[spmem:s1] =	stream.indirect.scatter.add.f32 [tilespmem:s16], [sflag:$0x2], $0x80, s14, s15, $0xb8;
	[tilespmem:$0x19100] =	vst v63  }
0x97: {  	_ =	swait.ge [sflag:s13], $0x2800  }
0x98: {  	[sflag:s13] =	ssyncset.done $0x0  }
0x99: {  	[sflag:s13] =	ssyncadd.s32 $0xFFFFD800  }
0x9a: {  	s3 =	sadd.s32 $0x1, s3  }
0x9b: {  	p0 =	sne.s32 s3, s11  }
.Ltmp3:
0x9c: {  	[bflag:$0x0] =	sbarrier.arrive $0xFFFF;
	(pc) =	sbr.rel @p0 .LBB2_1-.Ltmp3, $4  }
0x9d: {  	[hbm:s10], [sflag:s19] =	dma.local [spmem:s20], $0x2780  }
0x9e: {  	_ =	swait.ge [sflag:s13], $0x2780  }
0x9f: {  	[sflag:s13] =	ssyncset.done $0x0  }
0xa0: {  	[sflag:s13] =	ssyncadd.s32 $0xFFFFD880  }
0xa1: {  	_ =	sfence.sel $0x180000  }
0xa2: {  	[bflag:$0x0] =	sbarrier.arrive $0xFFFF  }
0xa3: {  	p0 =	sne.s32 s2, $0x0;
	_ =	strace $0x90000050  }
0xa4: {  	s0 =	sadd.s32 @!p0 $0x100000, s0;
	[bflag:$0x2] =	sbarrier.arrive $0xFFFF  }
0xa5: {  	[sflag:s0] =	ssyncadd.tile.s32 @!p0 $0x1;
	_ =	shalt  }
.Lfunc_end2:
_tile_overlayer_lowered:
.L_overlay_start_2:
0xa6: {  	(tag) =	ssettag $0x2  }
0xa7: {  	s0 =	rddreg [dreg:$0x0];
	s2 =	stileid.u32  }
0xa8: {  	s1 =	rddreg [dreg:$0x1];
	p0 =	sne.s32 s2, $0x0  }
0xa9: {  	s3 =	rddreg [dreg:$0x2];
	[bflag:$0x3] =	sbarrier.arrive $0xFFFF;
	s2 =	simm.s32 @!p0 $0x1C02  }
0xaa: {  	[timem:s3], [sflag:s2] =	dma.local @!p0 [hbm:s0], s1  }
0xab: {  	s0 =	simm.s32 @!p0 $0x2  }
0xac: {  	_ =	swait.ge @!p0 [sflag:s0], s1  }
0xad: {  	s1 =	ssub.s32 @!p0 $0x0, s1;
	[sflag:s0] =	ssyncset.done @!p0 $0x0  }
0xae: {  	[sflag:s0] =	ssyncadd.s32 @!p0 s1  }
0xaf: {  	[bflag:$0x3] =	sbarrier.arrive $0xFFFF  }
0xb0: {  	_ =	shalt  }

</sc_bundles>
